<compile_context>
chip_gen: v7x
topology: tpu7x:2x2x1
jax: 0.10.2.dev20260603
libtpu: 0.0.44.dev20260713+nightly
codegen_flags: <defaults>
</compile_context>

<pallas_src>
import functools

import jax
import jax.numpy as jnp
from jax import lax
from jax.experimental import pallas as pl
from jax.experimental.pallas import tpu as pltpu
from jax.experimental.pallas import tpu_sc as plsc

_B = 128
_K = 32768
_C = 128
_S = 64
_BK = 4096
_NK = _K // _BK

_NWORK = 32
_ROWS_PER_W = (_B * _S // 128) // _NWORK


def _tc_body(x_ref, w_ref, b_ref, logits_ref, sel_ref, acc_ref):
    k = pl.program_id(0)

    @pl.when(k == 0)
    def _():
        acc_ref[...] = jnp.zeros_like(acc_ref)

    acc_ref[...] += lax.dot_general(
        x_ref[...], w_ref[...],
        dimension_numbers=(((1,), (1,)), ((), ())),
        preferred_element_type=jnp.float32,
    )

    @pl.when(k == _NK - 1)
    def _():
        h = acc_ref[...] + b_ref[...]
        m = jnp.max(h, axis=1, keepdims=True)
        e = jnp.exp(h - m)
        p = e / jnp.sum(e, axis=1, keepdims=True)
        logits_ref[...] = p

        iu = lax.broadcasted_iota(jnp.int32, (_B // 2, _B), 0)
        ij = lax.broadcasted_iota(jnp.int32, (_B // 2, _B), 1)

        half_ids = []
        for off in (0, 1):
            sel_mat = (ij == 2 * iu + off).astype(jnp.float32)
            ph = lax.dot_general(
                sel_mat, p,
                dimension_numbers=(((1,), (0,)), ((), ())),
                precision=lax.Precision.HIGHEST,
                preferred_element_type=jnp.float32,
            )
            lanes = lax.broadcasted_iota(jnp.int32, (_B // 2, _C), 1)
            pk, ik = ph, lanes
            for kk in (2, 4, 8, 16, 32, 64, 128):
                jj = kk // 2
                while jj >= 1:
                    pl_ = jnp.concatenate([pk[:, jj:], pk[:, :jj]], axis=1)
                    pr_ = jnp.concatenate([pk[:, -jj:], pk[:, :-jj]], axis=1)
                    il_ = jnp.concatenate([ik[:, jj:], ik[:, :jj]], axis=1)
                    ir_ = jnp.concatenate([ik[:, -jj:], ik[:, :-jj]], axis=1)
                    low = (lanes & jj) == 0
                    pp = jnp.where(low, pl_, pr_)
                    ip = jnp.where(low, il_, ir_)
                    m = jnp.logical_or(
                        pk > pp,
                        jnp.logical_and(pk == pp, ik < ip))
                    flip = jnp.logical_xor((lanes & kk) == 0, low)
                    keep = jnp.logical_xor(m, flip)
                    pk = jnp.where(keep, pk, pp)
                    ik = jnp.where(keep, ik, ip)
                    jj //= 2
            half_ids.append(ik[:, :_S])

        sel2 = jnp.concatenate(half_ids, axis=1)
        u = lax.broadcasted_iota(jnp.int32, (_B // 2, _C), 0)
        v = lax.broadcasted_iota(jnp.int32, (_B // 2, _C), 1)
        row_of = 2 * u + (v >= _S).astype(jnp.int32)
        sel_ref[...] = sel2 + row_of * _K


_tc_call = pl.pallas_call(
    _tc_body,
    grid=(_NK,),
    in_specs=[
        pl.BlockSpec((_B, _BK), lambda k: (0, k)),
        pl.BlockSpec((_C, _BK), lambda k: (0, k)),
        pl.BlockSpec((1, _C), lambda k: (0, 0)),
    ],
    out_specs=[
        pl.BlockSpec((_B, _C), lambda k: (0, 0)),
        pl.BlockSpec((_B // 2, _C), lambda k: (0, 0)),
    ],
    out_shape=[
        jax.ShapeDtypeStruct((_B, _C), jnp.float32),
        jax.ShapeDtypeStruct((_B // 2, _C), jnp.int32),
    ],
    scratch_shapes=[pltpu.VMEM((_B, _C), jnp.float32)],
    compiler_params=pltpu.CompilerParams(
        dimension_semantics=("arbitrary",),
    ),
)


@functools.cache
def _make_sc_gather():
    @functools.partial(
        pl.kernel,
        mesh=plsc.VectorSubcoreMesh(core_axis_name="c", subcore_axis_name="s"),
        out_type=jax.ShapeDtypeStruct((_B * _S // 128, 128), jnp.float32),
        scratch_types=[
            pltpu.VMEM((_ROWS_PER_W, 128), jnp.int32),
            pltpu.VMEM((_ROWS_PER_W, 128), jnp.float32),
            pltpu.SemaphoreType.DMA,
        ],
    )
    def _sc_gather(x_hbm, sel_hbm, out_hbm, idx_v, vals_v, sem):
        w = lax.axis_index("s") * 2 + lax.axis_index("c")
        base = w * _ROWS_PER_W
        pltpu.sync_copy(sel_hbm.at[pl.ds(base, _ROWS_PER_W)], idx_v)
        for r in range(_ROWS_PER_W):
            pltpu.async_copy(x_hbm.at[idx_v.at[r]], vals_v.at[r], sem).wait()
        pltpu.sync_copy(vals_v, out_hbm.at[pl.ds(base, _ROWS_PER_W)])

    return _sc_gather


def kernel(x, W, b):
    x_lin = jnp.reshape(x, (_B * _K,))
    logits, sel = _tc_call(x, W, b.reshape(1, _C))
    gathered = _make_sc_gather()(x_lin, sel)
    return logits, gathered.reshape(_B, _S)

# --- scband reference (transcript-rebuilt; emitter-appended) ---
"""Pipeline reference for scband-wss-41111426957973 (READ-ONLY COPY).

The authoritative reference and input builder live on the scoring server;
editing this copy changes nothing except your own understanding.
"""

import jax, jax.numpy as jnp
import numpy as np

B = 128
IN_CHANNEL = 32768
NUM_CLASSES = 128
NUM_SELECTS = 64


def setup_inputs(seed: int = 0) -> dict:
    key = jax.random.key(seed)
    k1, k2, k3 = jax.random.split(key, 3)
    x = jax.random.normal(k1, (B, IN_CHANNEL), dtype=jnp.float32)
    # nn.Linear(in_channel, num_classes): weight [num_classes, in_channel], bias [num_classes]
    bound = 1.0 / np.sqrt(IN_CHANNEL)
    W = jax.random.uniform(k2, (NUM_CLASSES, IN_CHANNEL), dtype=jnp.float32, minval=-bound, maxval=bound)
    b = jax.random.uniform(k3, (NUM_CLASSES,), dtype=jnp.float32, minval=-bound, maxval=bound)
    return {"x": x, "W": W, "b": b}


def reference(x, W, b):
    # h = fc(x)
    h = x @ W.T + b
    # logits = softmax(h, dim=-1)
    logits = jax.nn.softmax(h, axis=-1)
    # _, ids = torch.sort(logits, dim=-1, descending=True)
    ids = jnp.argsort(-logits, axis=-1)
    selection = ids[:, :NUM_SELECTS]
    # torch.gather(x, 1, selection)
    gathered = jnp.take_along_axis(x, selection, axis=1)
    return (logits, gathered)

if __name__ == "__main__":
    import jax
    _d = setup_inputs()
    print(jax.jit(kernel)(*tuple(_d.values())))

</pallas_src>

<mosaic_0001>
#map = affine_map<(d0, d1) -> (0)>
#map1 = affine_map<(d0, d1) -> (0, 0)>
module attributes {stable_mosaic.version = 14 : i64} {
  func.func @_sc_gather(%arg0: i32, %arg1: i32, %arg2: memref<4194304xf32, #tpu.memory_space<hbm>>, %arg3: memref<64x128xi32, #tpu.memory_space<hbm>>, %arg4: memref<64x128xf32, #tpu.memory_space<hbm>>, %arg5: memref<2x128xi32, #tpu.memory_space<vmem>>, %arg6: memref<2x128xf32, #tpu.memory_space<vmem>>, %arg7: memref<!tpu.dma_semaphore, #tpu.memory_space<semaphore_mem>>) attributes {dimension_semantics = [#tpu.dimension_semantics<core_parallel>, #tpu.dimension_semantics<subcore_parallel>], iteration_bounds = array<i64: 2, 16>, scalar_prefetch = 0 : i64, scratch_operands = 3 : i64, tpu.core_type = #tpu.core_type<sc_vector_subcore>, window_params = [{transform_indices = #map}, {transform_indices = #map1}, {transform_indices = #map1}]} {
    %mul3A = arith.constant 2 : i32
    %mul3A_0 = arith.muli %arg1, %mul3A : i32
    %add3A = arith.addi %mul3A_0, %arg0 : i32
    %mul3A_1 = arith.constant 2 : i32
    %mul3A_2 = arith.muli %add3A, %mul3A_1 : i32
    "tpu.region"() ({
      %run_scoped3A = tpu.sem_alloc : memref<!tpu.dma_semaphore, #tpu.memory_space<semaphore_mem>>
      %dma_start3A_41 = arith.constant 0 : i32
      %dma_start3A_42 = tpu.memref_slice %arg3[%mul3A_2, %dma_start3A_41] : memref<64x128xi32, #tpu.memory_space<hbm>> -> memref<2x128xi32, #tpu.memory_space<hbm>>
      %dma_start3A_43 = arith.constant 0 : i32
      %dma_start3A_44 = tpu.memref_slice %arg3[%mul3A_2, %dma_start3A_43] : memref<64x128xi32, #tpu.memory_space<hbm>> -> memref<2x128xi32, #tpu.memory_space<hbm>>
      tpu.enqueue_dma source(%dma_start3A_44 : memref<2x128xi32, #tpu.memory_space<hbm>>) target(%arg5 : memref<2x128xi32, #tpu.memory_space<vmem>>) target_semaphore(%run_scoped3A : memref<!tpu.dma_semaphore, #tpu.memory_space<semaphore_mem>>)
      %dma_wait3A_45 = arith.constant 0 : i32
      %dma_wait3A_46 = tpu.memref_slice %arg3[%mul3A_2, %dma_wait3A_45] : memref<64x128xi32, #tpu.memory_space<hbm>> -> memref<2x128xi32, #tpu.memory_space<hbm>>
      %dma_wait3A_47 = arith.constant 0 : i32
      %dma_wait3A_48 = tpu.memref_slice %arg3[%mul3A_2, %dma_wait3A_47] : memref<64x128xi32, #tpu.memory_space<hbm>> -> memref<2x128xi32, #tpu.memory_space<hbm>>
      tpu.wait_dma2 semaphore(%run_scoped3A : memref<!tpu.dma_semaphore, #tpu.memory_space<semaphore_mem>>) src(%dma_wait3A_48 : memref<2x128xi32, #tpu.memory_space<hbm>>) dst(%arg5 : memref<2x128xi32, #tpu.memory_space<vmem>>)
      tpu.yield
    }) : () -> ()
    %dma_start3A = arith.constant 0 : i32
    %dma_start3A_3 = arith.constant 0 : i32
    %dma_start3A_4 = arith.constant 0 : i32
    %dma_start3A_5 = tpu.memref_slice %arg6[%dma_start3A_3, %dma_start3A_4] : memref<2x128xf32, #tpu.memory_space<vmem>> -> memref<1x128xf32, #tpu.memory_space<vmem>>
    %dma_start3A_6 = tpu.memref_squeeze %dma_start3A_5 : memref<1x128xf32, #tpu.memory_space<vmem>> -> memref<128xf32, #tpu.memory_space<vmem>>
    %dma_start3A_7 = arith.constant 0 : i32
    %dma_start3A_8 = tpu.memref_slice %arg5[%dma_start3A, %dma_start3A_7] : memref<2x128xi32, #tpu.memory_space<vmem>> -> memref<1x128xi32, #tpu.memory_space<vmem>>
    %dma_start3A_9 = tpu.memref_squeeze %dma_start3A_8 : memref<1x128xi32, #tpu.memory_space<vmem>> -> memref<128xi32, #tpu.memory_space<vmem>>
    %dma_start3A_10 = arith.constant 0 : i32
    %dma_start3A_11 = tpu.memref_slice %arg2[%dma_start3A_10] : memref<4194304xf32, #tpu.memory_space<hbm>> -> memref<4194304xf32, #tpu.memory_space<hbm>>
    tpu.enqueue_indirect_dma source(%dma_start3A_11 : memref<4194304xf32, #tpu.memory_space<hbm>>) target(%dma_start3A_6 : memref<128xf32, #tpu.memory_space<vmem>>) offsets(%dma_start3A_9 : memref<128xi32, #tpu.memory_space<vmem>>) semaphore(%arg7 : memref<!tpu.dma_semaphore, #tpu.memory_space<semaphore_mem>>)
    %dma_wait3A = arith.constant 0 : i32
    %dma_wait3A_12 = arith.constant 0 : i32
    %dma_wait3A_13 = arith.constant 0 : i32
    %dma_wait3A_14 = tpu.memref_slice %arg6[%dma_wait3A_12, %dma_wait3A_13] : memref<2x128xf32, #tpu.memory_space<vmem>> -> memref<1x128xf32, #tpu.memory_space<vmem>>
    %dma_wait3A_15 = tpu.memref_squeeze %dma_wait3A_14 : memref<1x128xf32, #tpu.memory_space<vmem>> -> memref<128xf32, #tpu.memory_space<vmem>>
    %dma_wait3A_16 = arith.constant 0 : i32
    %dma_wait3A_17 = tpu.memref_slice %arg5[%dma_wait3A, %dma_wait3A_16] : memref<2x128xi32, #tpu.memory_space<vmem>> -> memref<1x128xi32, #tpu.memory_space<vmem>>
    %dma_wait3A_18 = tpu.memref_squeeze %dma_wait3A_17 : memref<1x128xi32, #tpu.memory_space<vmem>> -> memref<128xi32, #tpu.memory_space<vmem>>
    %dma_wait3A_19 = arith.constant 0 : i32
    %dma_wait3A_20 = tpu.memref_slice %arg2[%dma_wait3A_19] : memref<4194304xf32, #tpu.memory_space<hbm>> -> memref<4194304xf32, #tpu.memory_space<hbm>>
    tpu.wait_indirect_dma semaphore(%arg7 : memref<!tpu.dma_semaphore, #tpu.memory_space<semaphore_mem>>) src(%dma_wait3A_20 : memref<4194304xf32, #tpu.memory_space<hbm>>) dst(%dma_wait3A_15 : memref<128xf32, #tpu.memory_space<vmem>>)
    %dma_start3A_21 = arith.constant 1 : i32
    %dma_start3A_22 = arith.constant 1 : i32
    %dma_start3A_23 = arith.constant 0 : i32
    %dma_start3A_24 = tpu.memref_slice %arg6[%dma_start3A_22, %dma_start3A_23] : memref<2x128xf32, #tpu.memory_space<vmem>> -> memref<1x128xf32, #tpu.memory_space<vmem>>
    %dma_start3A_25 = tpu.memref_squeeze %dma_start3A_24 : memref<1x128xf32, #tpu.memory_space<vmem>> -> memref<128xf32, #tpu.memory_space<vmem>>
    %dma_start3A_26 = arith.constant 0 : i32
    %dma_start3A_27 = tpu.memref_slice %arg5[%dma_start3A_21, %dma_start3A_26] : memref<2x128xi32, #tpu.memory_space<vmem>> -> memref<1x128xi32, #tpu.memory_space<vmem>>
    %dma_start3A_28 = tpu.memref_squeeze %dma_start3A_27 : memref<1x128xi32, #tpu.memory_space<vmem>> -> memref<128xi32, #tpu.memory_space<vmem>>
    %dma_start3A_29 = arith.constant 0 : i32
    %dma_start3A_30 = tpu.memref_slice %arg2[%dma_start3A_29] : memref<4194304xf32, #tpu.memory_space<hbm>> -> memref<4194304xf32, #tpu.memory_space<hbm>>
    tpu.enqueue_indirect_dma source(%dma_start3A_30 : memref<4194304xf32, #tpu.memory_space<hbm>>) target(%dma_start3A_25 : memref<128xf32, #tpu.memory_space<vmem>>) offsets(%dma_start3A_28 : memref<128xi32, #tpu.memory_space<vmem>>) semaphore(%arg7 : memref<!tpu.dma_semaphore, #tpu.memory_space<semaphore_mem>>)
    %dma_wait3A_31 = arith.constant 1 : i32
    %dma_wait3A_32 = arith.constant 1 : i32
    %dma_wait3A_33 = arith.constant 0 : i32
    %dma_wait3A_34 = tpu.memref_slice %arg6[%dma_wait3A_32, %dma_wait3A_33] : memref<2x128xf32, #tpu.memory_space<vmem>> -> memref<1x128xf32, #tpu.memory_space<vmem>>
    %dma_wait3A_35 = tpu.memref_squeeze %dma_wait3A_34 : memref<1x128xf32, #tpu.memory_space<vmem>> -> memref<128xf32, #tpu.memory_space<vmem>>
    %dma_wait3A_36 = arith.constant 0 : i32
    %dma_wait3A_37 = tpu.memref_slice %arg5[%dma_wait3A_31, %dma_wait3A_36] : memref<2x128xi32, #tpu.memory_space<vmem>> -> memref<1x128xi32, #tpu.memory_space<vmem>>
    %dma_wait3A_38 = tpu.memref_squeeze %dma_wait3A_37 : memref<1x128xi32, #tpu.memory_space<vmem>> -> memref<128xi32, #tpu.memory_space<vmem>>
    %dma_wait3A_39 = arith.constant 0 : i32
    %dma_wait3A_40 = tpu.memref_slice %arg2[%dma_wait3A_39] : memref<4194304xf32, #tpu.memory_space<hbm>> -> memref<4194304xf32, #tpu.memory_space<hbm>>
    tpu.wait_indirect_dma semaphore(%arg7 : memref<!tpu.dma_semaphore, #tpu.memory_space<semaphore_mem>>) src(%dma_wait3A_40 : memref<4194304xf32, #tpu.memory_space<hbm>>) dst(%dma_wait3A_35 : memref<128xf32, #tpu.memory_space<vmem>>)
    "tpu.region"() ({
      %run_scoped3A = tpu.sem_alloc : memref<!tpu.dma_semaphore, #tpu.memory_space<semaphore_mem>>
      %dma_start3A_41 = arith.constant 0 : i32
      %dma_start3A_42 = tpu.memref_slice %arg4[%mul3A_2, %dma_start3A_41] : memref<64x128xf32, #tpu.memory_space<hbm>> -> memref<2x128xf32, #tpu.memory_space<hbm>>
      %dma_start3A_43 = arith.constant 0 : i32
      %dma_start3A_44 = tpu.memref_slice %arg4[%mul3A_2, %dma_start3A_43] : memref<64x128xf32, #tpu.memory_space<hbm>> -> memref<2x128xf32, #tpu.memory_space<hbm>>
      tpu.enqueue_dma source(%arg6 : memref<2x128xf32, #tpu.memory_space<vmem>>) target(%dma_start3A_44 : memref<2x128xf32, #tpu.memory_space<hbm>>) target_semaphore(%run_scoped3A : memref<!tpu.dma_semaphore, #tpu.memory_space<semaphore_mem>>)
      %dma_wait3A_45 = arith.constant 0 : i32
      %dma_wait3A_46 = tpu.memref_slice %arg4[%mul3A_2, %dma_wait3A_45] : memref<64x128xf32, #tpu.memory_space<hbm>> -> memref<2x128xf32, #tpu.memory_space<hbm>>
      %dma_wait3A_47 = arith.constant 0 : i32
      %dma_wait3A_48 = tpu.memref_slice %arg4[%mul3A_2, %dma_wait3A_47] : memref<64x128xf32, #tpu.memory_space<hbm>> -> memref<2x128xf32, #tpu.memory_space<hbm>>
      tpu.wait_dma2 semaphore(%run_scoped3A : memref<!tpu.dma_semaphore, #tpu.memory_space<semaphore_mem>>) src(%arg6 : memref<2x128xf32, #tpu.memory_space<vmem>>) dst(%dma_wait3A_48 : memref<2x128xf32, #tpu.memory_space<hbm>>)
      tpu.yield
    }) : () -> ()
    return
  }
}

module attributes {stable_mosaic.version = 14 : i64} {
  func.func @_tc_body(%arg0: i32, %arg1: memref<128x4096xf32, #tpu.memory_space<vmem>>, %arg2: memref<128x4096xf32, #tpu.memory_space<vmem>>, %arg3: memref<1x128xf32, #tpu.memory_space<vmem>>, %arg4: memref<128x128xf32, #tpu.memory_space<vmem>>, %arg5: memref<64x128xi32, #tpu.memory_space<vmem>>, %arg6: memref<128x128xf32, #tpu.memory_space<vmem>>) attributes {dimension_semantics = [#tpu.dimension_semantics<arbitrary>], iteration_bounds = array<i64: 8>, scalar_prefetch = 0 : i64, scratch_operands = 1 : i64, tpu.core_type = #tpu.core_type<tc>, window_params = [{transform_indices = @transform_0, window_bounds = array<i64: 128, 4096>}, {transform_indices = @transform_1, window_bounds = array<i64: 128, 4096>}, {pipeline_mode = #tpu.pipeline_mode<synchronous>, transform_indices = @transform_2, window_bounds = array<i64: 1, 128>}, {pipeline_mode = #tpu.pipeline_mode<synchronous>, transform_indices = @transform_3, window_bounds = array<i64: 128, 128>}, {pipeline_mode = #tpu.pipeline_mode<synchronous>, transform_indices = @transform_4, window_bounds = array<i64: 64, 128>}]} {
    %eq3A = arith.constant 0 : i32
    %eq3A_0 = arith.cmpi eq, %arg0, %eq3A : i32
    %convert_element_type3A = arith.extui %eq3A_0 : i1 to i32
    %cond3A = arith.constant 0 : i32
    %cond3A_1 = arith.cmpi ne, %convert_element_type3A, %cond3A : i32
    scf.if %cond3A_1 {
      %broadcast_in_dim3A = arith.constant 0.000000e+00 : f32
      %broadcast_in_dim3A_18 = vector.broadcast %broadcast_in_dim3A : f32 to vector<128x128xf32>
      %swap3A_19 = arith.constant 0 : index
      %swap3A_20 = arith.constant 0 : index
      %swap3A_21 = vector.load %arg6[%swap3A_19, %swap3A_20] : memref<128x128xf32, #tpu.memory_space<vmem>>, vector<128x128xf32>
      tpu.vector_store %arg6[%swap3A_19, %swap3A_20], %broadcast_in_dim3A_18 {strides = array<i32>} : memref<128x128xf32, #tpu.memory_space<vmem>>, vector<128x128xf32>,
    } else {
    }
    %get3A = arith.constant 0 : index
    %get3A_2 = arith.constant 0 : index
    %get3A_3 = vector.load %arg6[%get3A, %get3A_2] : memref<128x128xf32, #tpu.memory_space<vmem>>, vector<128x128xf32>
    %get3A_4 = arith.constant 0 : index
    %get3A_5 = arith.constant 0 : index
    %get3A_6 = vector.load %arg1[%get3A_4, %get3A_5] : memref<128x4096xf32, #tpu.memory_space<vmem>>, vector<128x4096xf32>
    %get3A_7 = arith.constant 0 : index
    %get3A_8 = arith.constant 0 : index
    %get3A_9 = vector.load %arg2[%get3A_7, %get3A_8] : memref<128x4096xf32, #tpu.memory_space<vmem>>, vector<128x4096xf32>
    %dot_general3A = arith.constant dense<0.000000e+00> : vector<128x128xf32>
    %dot_general3A_10 = tpu.matmul %get3A_6, %get3A_9, %dot_general3A {dimension_numbers = #tpu.dot_dimension_numbers<[1], [1], [0], [0], [0, 0, 1, 0], [], []>, transpose_lhs_hint = false} : vector<128x4096xf32>, vector<128x4096xf32>, vector<128x128xf32> -> vector<128x128xf32>
    %add3A = arith.addf %get3A_3, %dot_general3A_10 : vector<128x128xf32>
    %swap3A = arith.constant 0 : index
    %swap3A_11 = arith.constant 0 : index
    %swap3A_12 = vector.load %arg6[%swap3A, %swap3A_11] : memref<128x128xf32, #tpu.memory_space<vmem>>, vector<128x128xf32>
    tpu.vector_store %arg6[%swap3A, %swap3A_11], %add3A {strides = array<i32>} : memref<128x128xf32, #tpu.memory_space<vmem>>, vector<128x128xf32>,
    %eq3A_13 = arith.constant 7 : i32
    %eq3A_14 = arith.cmpi eq, %arg0, %eq3A_13 : i32
    %convert_element_type3A_15 = arith.extui %eq3A_14 : i1 to i32
    %cond3A_16 = arith.constant 0 : i32
    %cond3A_17 = arith.cmpi ne, %convert_element_type3A_15, %cond3A_16 : i32
    scf.if %cond3A_17 {
      %get3A_18 = arith.constant 0 : index
      %get3A_19 = arith.constant 0 : index
      %get3A_20 = vector.load %arg6[%get3A_18, %get3A_19] : memref<128x128xf32, #tpu.memory_space<vmem>>, vector<128x128xf32>
      %get3A_21 = arith.constant 0 : index
      %get3A_22 = arith.constant 0 : index
      %get3A_23 = vector.load %arg3[%get3A_21, %get3A_22] : memref<1x128xf32, #tpu.memory_space<vmem>>, vector<1x128xf32>
      %add3A_24 = vector.broadcast %get3A_23 : vector<1x128xf32> to vector<128x128xf32>
      %add3A_25 = arith.addf %get3A_20, %add3A_24 : vector<128x128xf32>
      %reduce_max3A = arith.constant dense<0xFF800000> : vector<128xf32>
      %reduce_max3A_26 = vector.multi_reduction <maximumf>, %add3A_25, %reduce_max3A [1] : vector<128x128xf32> to vector<128xf32>
      %broadcast_in_dim3A = vector.shape_cast %reduce_max3A_26 : vector<128xf32> to vector<128x1xf32>
      %sub3A = vector.broadcast %broadcast_in_dim3A : vector<128x1xf32> to vector<128x128xf32>
      %sub3A_27 = arith.subf %add3A_25, %sub3A : vector<128x128xf32>
      %exp3A = math.exp %sub3A_27 : vector<128x128xf32>
      %reduce_sum3A = arith.constant dense<0.000000e+00> : vector<128xf32>
      %reduce_sum3A_28 = vector.multi_reduction <add>, %exp3A, %reduce_sum3A [1] : vector<128x128xf32> to vector<128xf32>
      %broadcast_in_dim3A_29 = vector.shape_cast %reduce_sum3A_28 : vector<128xf32> to vector<128x1xf32>
      %div3A = vector.broadcast %broadcast_in_dim3A_29 : vector<128x1xf32> to vector<128x128xf32>
      %div3A_30 = arith.divf %exp3A, %div3A : vector<128x128xf32>
      %swap3A_31 = arith.constant 0 : index
      %swap3A_32 = arith.constant 0 : index
      %swap3A_33 = vector.load %arg4[%swap3A_31, %swap3A_32] : memref<128x128xf32, #tpu.memory_space<vmem>>, vector<128x128xf32>
      tpu.vector_store %arg4[%swap3A_31, %swap3A_32], %div3A_30 {strides = array<i32>} : memref<128x128xf32, #tpu.memory_space<vmem>>, vector<128x128xf32>,
      %iota3A = tpu.iota {dimensions = array<i32: 0>} : vector<64x128xi32>
      %iota3A_34 = tpu.iota {dimensions = array<i32: 1>} : vector<64x128xi32>
      %mul3A = arith.constant 2 : i32
      %mul3A_35 = vector.broadcast %mul3A : i32 to vector<64x128xi32>
      %mul3A_36 = arith.muli %mul3A_35, %iota3A : vector<64x128xi32>
      %add3A_37 = arith.constant 0 : i32
      %add3A_38 = vector.broadcast %add3A_37 : i32 to vector<64x128xi32>
      %add3A_39 = arith.addi %mul3A_36, %add3A_38 : vector<64x128xi32>
      %eq3A_40 = arith.cmpi eq, %iota3A_34, %add3A_39 : vector<64x128xi32>
      %convert_element_type3A_41 = arith.extui %eq3A_40 : vector<64x128xi1> to vector<64x128xi32>
      %convert_element_type3A_42 = arith.sitofp %convert_element_type3A_41 : vector<64x128xi32> to vector<64x128xf32>
      %dot_general3A_43 = arith.constant dense<0.000000e+00> : vector<64x128xf32>
      %dot_general3A_44 = tpu.matmul %convert_element_type3A_42, %div3A_30, %dot_general3A_43 {dimension_numbers = #tpu.dot_dimension_numbers<[1], [0], [0], [1], [0, 0, 1, 1], [], []>, precision = #tpu.contract_precision<fp32>, transpose_lhs_hint = false} : vector<64x128xf32>, vector<128x128xf32>, vector<64x128xf32> -> vector<64x128xf32>
      %iota3A_45 = tpu.iota {dimensions = array<i32: 1>} : vector<64x128xi32>
      %slice3A = vector.extract_strided_slice %dot_general3A_44 {offsets = [0, 1], sizes = [64, 127], strides = [1, 1]} : vector<64x128xf32> to vector<64x127xf32>
      %slice3A_46 = vector.extract_strided_slice %dot_general3A_44 {offsets = [0, 0], sizes = [64, 1], strides = [1, 1]} : vector<64x128xf32> to vector<64x1xf32>
      %concatenate3A = tpu.concatenate %slice3A, %slice3A_46 in 1 : vector<64x127xf32>, vector<64x1xf32> -> vector<64x128xf32>
      %slice3A_47 = vector.extract_strided_slice %dot_general3A_44 {offsets = [0, 127], sizes = [64, 1], strides = [1, 1]} : vector<64x128xf32> to vector<64x1xf32>
      %slice3A_48 = vector.extract_strided_slice %dot_general3A_44 {offsets = [0, 0], sizes = [64, 127], strides = [1, 1]} : vector<64x128xf32> to vector<64x127xf32>
      %concatenate3A_49 = tpu.concatenate %slice3A_47, %slice3A_48 in 1 : vector<64x1xf32>, vector<64x127xf32> -> vector<64x128xf32>
      %slice3A_50 = vector.extract_strided_slice %iota3A_45 {offsets = [0, 1], sizes = [64, 127], strides = [1, 1]} : vector<64x128xi32> to vector<64x127xi32>
      %slice3A_51 = vector.extract_strided_slice %iota3A_45 {offsets = [0, 0], sizes = [64, 1], strides = [1, 1]} : vector<64x128xi32> to vector<64x1xi32>
      %concatenate3A_52 = tpu.concatenate %slice3A_50, %slice3A_51 in 1 : vector<64x127xi32>, vector<64x1xi32> -> vector<64x128xi32>
      %slice3A_53 = vector.extract_strided_slice %iota3A_45 {offsets = [0, 127], sizes = [64, 1], strides = [1, 1]} : vector<64x128xi32> to vector<64x1xi32>
      %slice3A_54 = vector.extract_strided_slice %iota3A_45 {offsets = [0, 0], sizes = [64, 127], strides = [1, 1]} : vector<64x128xi32> to vector<64x127xi32>
      %concatenate3A_55 = tpu.concatenate %slice3A_53, %slice3A_54 in 1 : vector<64x1xi32>, vector<64x127xi32> -> vector<64x128xi32>
      %and3A = arith.constant 1 : i32
      %and3A_56 = vector.broadcast %and3A : i32 to vector<64x128xi32>
      %and3A_57 = arith.andi %iota3A_45, %and3A_56 : vector<64x128xi32>
      %eq3A_58 = arith.constant 0 : i32
      %eq3A_59 = vector.broadcast %eq3A_58 : i32 to vector<64x128xi32>
      %eq3A_60 = arith.cmpi eq, %and3A_57, %eq3A_59 : vector<64x128xi32>
      %select_n3A = arith.select %eq3A_60, %concatenate3A, %concatenate3A_49 : vector<64x128xi1>, vector<64x128xf32>
      %select_n3A_61 = arith.select %eq3A_60, %concatenate3A_52, %concatenate3A_55 : vector<64x128xi1>, vector<64x128xi32>
      %gt3A = arith.cmpf ogt, %dot_general3A_44, %select_n3A : vector<64x128xf32>
      %eq3A_62 = arith.cmpf oeq, %dot_general3A_44, %select_n3A : vector<64x128xf32>
      %lt3A = arith.cmpi slt, %iota3A_45, %select_n3A_61 : vector<64x128xi32>
      %and3A_63 = arith.andi %eq3A_62, %lt3A : vector<64x128xi1>
      %or3A = arith.ori %gt3A, %and3A_63 : vector<64x128xi1>
      %and3A_64 = arith.constant 2 : i32
      %and3A_65 = vector.broadcast %and3A_64 : i32 to vector<64x128xi32>
      %and3A_66 = arith.andi %iota3A_45, %and3A_65 : vector<64x128xi32>
      %eq3A_67 = arith.constant 0 : i32
      %eq3A_68 = vector.broadcast %eq3A_67 : i32 to vector<64x128xi32>
      %eq3A_69 = arith.cmpi eq, %and3A_66, %eq3A_68 : vector<64x128xi32>
      %xor3A = arith.xori %eq3A_69, %eq3A_60 : vector<64x128xi1>
      %xor3A_70 = arith.xori %or3A, %xor3A : vector<64x128xi1>
      %select_n3A_71 = arith.select %xor3A_70, %dot_general3A_44, %select_n3A : vector<64x128xi1>, vector<64x128xf32>
      %select_n3A_72 = arith.select %xor3A_70, %iota3A_45, %select_n3A_61 : vector<64x128xi1>, vector<64x128xi32>
      %slice3A_73 = vector.extract_strided_slice %select_n3A_71 {offsets = [0, 2], sizes = [64, 126], strides = [1, 1]} : vector<64x128xf32> to vector<64x126xf32>
      %slice3A_74 = vector.extract_strided_slice %select_n3A_71 {offsets = [0, 0], sizes = [64, 2], strides = [1, 1]} : vector<64x128xf32> to vector<64x2xf32>
      %concatenate3A_75 = tpu.concatenate %slice3A_73, %slice3A_74 in 1 : vector<64x126xf32>, vector<64x2xf32> -> vector<64x128xf32>
      %slice3A_76 = vector.extract_strided_slice %select_n3A_71 {offsets = [0, 126], sizes = [64, 2], strides = [1, 1]} : vector<64x128xf32> to vector<64x2xf32>
      %slice3A_77 = vector.extract_strided_slice %select_n3A_71 {offsets = [0, 0], sizes = [64, 126], strides = [1, 1]} : vector<64x128xf32> to vector<64x126xf32>
      %concatenate3A_78 = tpu.concatenate %slice3A_76, %slice3A_77 in 1 : vector<64x2xf32>, vector<64x126xf32> -> vector<64x128xf32>
      %slice3A_79 = vector.extract_strided_slice %select_n3A_72 {offsets = [0, 2], sizes = [64, 126], strides = [1, 1]} : vector<64x128xi32> to vector<64x126xi32>
      %slice3A_80 = vector.extract_strided_slice %select_n3A_72 {offsets = [0, 0], sizes = [64, 2], strides = [1, 1]} : vector<64x128xi32> to vector<64x2xi32>
      %concatenate3A_81 = tpu.concatenate %slice3A_79, %slice3A_80 in 1 : vector<64x126xi32>, vector<64x2xi32> -> vector<64x128xi32>
      %slice3A_82 = vector.extract_strided_slice %select_n3A_72 {offsets = [0, 126], sizes = [64, 2], strides = [1, 1]} : vector<64x128xi32> to vector<64x2xi32>
      %slice3A_83 = vector.extract_strided_slice %select_n3A_72 {offsets = [0, 0], sizes = [64, 126], strides = [1, 1]} : vector<64x128xi32> to vector<64x126xi32>
      %concatenate3A_84 = tpu.concatenate %slice3A_82, %slice3A_83 in 1 : vector<64x2xi32>, vector<64x126xi32> -> vector<64x128xi32>
      %and3A_85 = arith.constant 2 : i32
      %and3A_86 = vector.broadcast %and3A_85 : i32 to vector<64x128xi32>
      %and3A_87 = arith.andi %iota3A_45, %and3A_86 : vector<64x128xi32>
      %eq3A_88 = arith.constant 0 : i32
      %eq3A_89 = vector.broadcast %eq3A_88 : i32 to vector<64x128xi32>
      %eq3A_90 = arith.cmpi eq, %and3A_87, %eq3A_89 : vector<64x128xi32>
      %select_n3A_91 = arith.select %eq3A_90, %concatenate3A_75, %concatenate3A_78 : vector<64x128xi1>, vector<64x128xf32>
      %select_n3A_92 = arith.select %eq3A_90, %concatenate3A_81, %concatenate3A_84 : vector<64x128xi1>, vector<64x128xi32>
      %gt3A_93 = arith.cmpf ogt, %select_n3A_71, %select_n3A_91 : vector<64x128xf32>
      %eq3A_94 = arith.cmpf oeq, %select_n3A_71, %select_n3A_91 : vector<64x128xf32>
      %lt3A_95 = arith.cmpi slt, %select_n3A_72, %select_n3A_92 : vector<64x128xi32>
      %and3A_96 = arith.andi %eq3A_94, %lt3A_95 : vector<64x128xi1>
      %or3A_97 = arith.ori %gt3A_93, %and3A_96 : vector<64x128xi1>
      %and3A_98 = arith.constant 4 : i32
      %and3A_99 = vector.broadcast %and3A_98 : i32 to vector<64x128xi32>
      %and3A_100 = arith.andi %iota3A_45, %and3A_99 : vector<64x128xi32>
      %eq3A_101 = arith.constant 0 : i32
      %eq3A_102 = vector.broadcast %eq3A_101 : i32 to vector<64x128xi32>
      %eq3A_103 = arith.cmpi eq, %and3A_100, %eq3A_102 : vector<64x128xi32>
      %xor3A_104 = arith.xori %eq3A_103, %eq3A_90 : vector<64x128xi1>
      %xor3A_105 = arith.xori %or3A_97, %xor3A_104 : vector<64x128xi1>
      %select_n3A_106 = arith.select %xor3A_105, %select_n3A_71, %select_n3A_91 : vector<64x128xi1>, vector<64x128xf32>
      %select_n3A_107 = arith.select %xor3A_105, %select_n3A_72, %select_n3A_92 : vector<64x128xi1>, vector<64x128xi32>
      %slice3A_108 = vector.extract_strided_slice %select_n3A_106 {offsets = [0, 1], sizes = [64, 127], strides = [1, 1]} : vector<64x128xf32> to vector<64x127xf32>
      %slice3A_109 = vector.extract_strided_slice %select_n3A_106 {offsets = [0, 0], sizes = [64, 1], strides = [1, 1]} : vector<64x128xf32> to vector<64x1xf32>
      %concatenate3A_110 = tpu.concatenate %slice3A_108, %slice3A_109 in 1 : vector<64x127xf32>, vector<64x1xf32> -> vector<64x128xf32>
      %slice3A_111 = vector.extract_strided_slice %select_n3A_106 {offsets = [0, 127], sizes = [64, 1], strides = [1, 1]} : vector<64x128xf32> to vector<64x1xf32>
      %slice3A_112 = vector.extract_strided_slice %select_n3A_106 {offsets = [0, 0], sizes = [64, 127], strides = [1, 1]} : vector<64x128xf32> to vector<64x127xf32>
      %concatenate3A_113 = tpu.concatenate %slice3A_111, %slice3A_112 in 1 : vector<64x1xf32>, vector<64x127xf32> -> vector<64x128xf32>
      %slice3A_114 = vector.extract_strided_slice %select_n3A_107 {offsets = [0, 1], sizes = [64, 127], strides = [1, 1]} : vector<64x128xi32> to vector<64x127xi32>
      %slice3A_115 = vector.extract_strided_slice %select_n3A_107 {offsets = [0, 0], sizes = [64, 1], strides = [1, 1]} : vector<64x128xi32> to vector<64x1xi32>
      %concatenate3A_116 = tpu.concatenate %slice3A_114, %slice3A_115 in 1 : vector<64x127xi32>, vector<64x1xi32> -> vector<64x128xi32>
      %slice3A_117 = vector.extract_strided_slice %select_n3A_107 {offsets = [0, 127], sizes = [64, 1], strides = [1, 1]} : vector<64x128xi32> to vector<64x1xi32>
      %slice3A_118 = vector.extract_strided_slice %select_n3A_107 {offsets = [0, 0], sizes = [64, 127], strides = [1, 1]} : vector<64x128xi32> to vector<64x127xi32>
      %concatenate3A_119 = tpu.concatenate %slice3A_117, %slice3A_118 in 1 : vector<64x1xi32>, vector<64x127xi32> -> vector<64x128xi32>
      %and3A_120 = arith.constant 1 : i32
      %and3A_121 = vector.broadcast %and3A_120 : i32 to vector<64x128xi32>
      %and3A_122 = arith.andi %iota3A_45, %and3A_121 : vector<64x128xi32>
      %eq3A_123 = arith.constant 0 : i32
      %eq3A_124 = vector.broadcast %eq3A_123 : i32 to vector<64x128xi32>
      %eq3A_125 = arith.cmpi eq, %and3A_122, %eq3A_124 : vector<64x128xi32>
      %select_n3A_126 = arith.select %eq3A_125, %concatenate3A_110, %concatenate3A_113 : vector<64x128xi1>, vector<64x128xf32>
      %select_n3A_127 = arith.select %eq3A_125, %concatenate3A_116, %concatenate3A_119 : vector<64x128xi1>, vector<64x128xi32>
      %gt3A_128 = arith.cmpf ogt, %select_n3A_106, %select_n3A_126 : vector<64x128xf32>
      %eq3A_129 = arith.cmpf oeq, %select_n3A_106, %select_n3A_126 : vector<64x128xf32>
      %lt3A_130 = arith.cmpi slt, %select_n3A_107, %select_n3A_127 : vector<64x128xi32>
      %and3A_131 = arith.andi %eq3A_129, %lt3A_130 : vector<64x128xi1>
      %or3A_132 = arith.ori %gt3A_128, %and3A_131 : vector<64x128xi1>
      %and3A_133 = arith.constant 4 : i32
      %and3A_134 = vector.broadcast %and3A_133 : i32 to vector<64x128xi32>
      %and3A_135 = arith.andi %iota3A_45, %and3A_134 : vector<64x128xi32>
      %eq3A_136 = arith.constant 0 : i32
      %eq3A_137 = vector.broadcast %eq3A_136 : i32 to vector<64x128xi32>
      %eq3A_138 = arith.cmpi eq, %and3A_135, %eq3A_137 : vector<64x128xi32>
      %xor3A_139 = arith.xori %eq3A_138, %eq3A_125 : vector<64x128xi1>
      %xor3A_140 = arith.xori %or3A_132, %xor3A_139 : vector<64x128xi1>
      %select_n3A_141 = arith.select %xor3A_140, %select_n3A_106, %select_n3A_126 : vector<64x128xi1>, vector<64x128xf32>
      %select_n3A_142 = arith.select %xor3A_140, %select_n3A_107, %select_n3A_127 : vector<64x128xi1>, vector<64x128xi32>
      %slice3A_143 = vector.extract_strided_slice %select_n3A_141 {offsets = [0, 4], sizes = [64, 124], strides = [1, 1]} : vector<64x128xf32> to vector<64x124xf32>
      %slice3A_144 = vector.extract_strided_slice %select_n3A_141 {offsets = [0, 0], sizes = [64, 4], strides = [1, 1]} : vector<64x128xf32> to vector<64x4xf32>
      %concatenate3A_145 = tpu.concatenate %slice3A_143, %slice3A_144 in 1 : vector<64x124xf32>, vector<64x4xf32> -> vector<64x128xf32>
      %slice3A_146 = vector.extract_strided_slice %select_n3A_141 {offsets = [0, 124], sizes = [64, 4], strides = [1, 1]} : vector<64x128xf32> to vector<64x4xf32>
      %slice3A_147 = vector.extract_strided_slice %select_n3A_141 {offsets = [0, 0], sizes = [64, 124], strides = [1, 1]} : vector<64x128xf32> to vector<64x124xf32>
      %concatenate3A_148 = tpu.concatenate %slice3A_146, %slice3A_147 in 1 : vector<64x4xf32>, vector<64x124xf32> -> vector<64x128xf32>
      %slice3A_149 = vector.extract_strided_slice %select_n3A_142 {offsets = [0, 4], sizes = [64, 124], strides = [1, 1]} : vector<64x128xi32> to vector<64x124xi32>
      %slice3A_150 = vector.extract_strided_slice %select_n3A_142 {offsets = [0, 0], sizes = [64, 4], strides = [1, 1]} : vector<64x128xi32> to vector<64x4xi32>
      %concatenate3A_151 = tpu.concatenate %slice3A_149, %slice3A_150 in 1 : vector<64x124xi32>, vector<64x4xi32> -> vector<64x128xi32>
      %slice3A_152 = vector.extract_strided_slice %select_n3A_142 {offsets = [0, 124], sizes = [64, 4], strides = [1, 1]} : vector<64x128xi32> to vector<64x4xi32>
      %slice3A_153 = vector.extract_strided_slice %select_n3A_142 {offsets = [0, 0], sizes = [64, 124], strides = [1, 1]} : vector<64x128xi32> to vector<64x124xi32>
      %concatenate3A_154 = tpu.concatenate %slice3A_152, %slice3A_153 in 1 : vector<64x4xi32>, vector<64x124xi32> -> vector<64x128xi32>
      %and3A_155 = arith.constant 4 : i32
      %and3A_156 = vector.broadcast %and3A_155 : i32 to vector<64x128xi32>
      %and3A_157 = arith.andi %iota3A_45, %and3A_156 : vector<64x128xi32>
      %eq3A_158 = arith.constant 0 : i32
      %eq3A_159 = vector.broadcast %eq3A_158 : i32 to vector<64x128xi32>
      %eq3A_160 = arith.cmpi eq, %and3A_157, %eq3A_159 : vector<64x128xi32>
      %select_n3A_161 = arith.select %eq3A_160, %concatenate3A_145, %concatenate3A_148 : vector<64x128xi1>, vector<64x128xf32>
      %select_n3A_162 = arith.select %eq3A_160, %concatenate3A_151, %concatenate3A_154 : vector<64x128xi1>, vector<64x128xi32>
      %gt3A_163 = arith.cmpf ogt, %select_n3A_141, %select_n3A_161 : vector<64x128xf32>
      %eq3A_164 = arith.cmpf oeq, %select_n3A_141, %select_n3A_161 : vector<64x128xf32>
      %lt3A_165 = arith.cmpi slt, %select_n3A_142, %select_n3A_162 : vector<64x128xi32>
      %and3A_166 = arith.andi %eq3A_164, %lt3A_165 : vector<64x128xi1>
      %or3A_167 = arith.ori %gt3A_163, %and3A_166 : vector<64x128xi1>
      %and3A_168 = arith.constant 8 : i32
      %and3A_169 = vector.broadcast %and3A_168 : i32 to vector<64x128xi32>
      %and3A_170 = arith.andi %iota3A_45, %and3A_169 : vector<64x128xi32>
      %eq3A_171 = arith.constant 0 : i32
      %eq3A_172 = vector.broadcast %eq3A_171 : i32 to vector<64x128xi32>
      %eq3A_173 = arith.cmpi eq, %and3A_170, %eq3A_172 : vector<64x128xi32>
      %xor3A_174 = arith.xori %eq3A_173, %eq3A_160 : vector<64x128xi1>
      %xor3A_175 = arith.xori %or3A_167, %xor3A_174 : vector<64x128xi1>
      %select_n3A_176 = arith.select %xor3A_175, %select_n3A_141, %select_n3A_161 : vector<64x128xi1>, vector<64x128xf32>
      %select_n3A_177 = arith.select %xor3A_175, %select_n3A_142, %select_n3A_162 : vector<64x128xi1>, vector<64x128xi32>
      %slice3A_178 = vector.extract_strided_slice %select_n3A_176 {offsets = [0, 2], sizes = [64, 126], strides = [1, 1]} : vector<64x128xf32> to vector<64x126xf32>
      %slice3A_179 = vector.extract_strided_slice %select_n3A_176 {offsets = [0, 0], sizes = [64, 2], strides = [1, 1]} : vector<64x128xf32> to vector<64x2xf32>
      %concatenate3A_180 = tpu.concatenate %slice3A_178, %slice3A_179 in 1 : vector<64x126xf32>, vector<64x2xf32> -> vector<64x128xf32>
      %slice3A_181 = vector.extract_strided_slice %select_n3A_176 {offsets = [0, 126], sizes = [64, 2], strides = [1, 1]} : vector<64x128xf32> to vector<64x2xf32>
      %slice3A_182 = vector.extract_strided_slice %select_n3A_176 {offsets = [0, 0], sizes = [64, 126], strides = [1, 1]} : vector<64x128xf32> to vector<64x126xf32>
      %concatenate3A_183 = tpu.concatenate %slice3A_181, %slice3A_182 in 1 : vector<64x2xf32>, vector<64x126xf32> -> vector<64x128xf32>
      %slice3A_184 = vector.extract_strided_slice %select_n3A_177 {offsets = [0, 2], sizes = [64, 126], strides = [1, 1]} : vector<64x128xi32> to vector<64x126xi32>
      %slice3A_185 = vector.extract_strided_slice %select_n3A_177 {offsets = [0, 0], sizes = [64, 2], strides = [1, 1]} : vector<64x128xi32> to vector<64x2xi32>
      %concatenate3A_186 = tpu.concatenate %slice3A_184, %slice3A_185 in 1 : vector<64x126xi32>, vector<64x2xi32> -> vector<64x128xi32>
      %slice3A_187 = vector.extract_strided_slice %select_n3A_177 {offsets = [0, 126], sizes = [64, 2], strides = [1, 1]} : vector<64x128xi32> to vector<64x2xi32>
      %slice3A_188 = vector.extract_strided_slice %select_n3A_177 {offsets = [0, 0], sizes = [64, 126], strides = [1, 1]} : vector<64x128xi32> to vector<64x126xi32>
      %concatenate3A_189 = tpu.concatenate %slice3A_187, %slice3A_188 in 1 : vector<64x2xi32>, vector<64x126xi32> -> vector<64x128xi32>
      %and3A_190 = arith.constant 2 : i32
      %and3A_191 = vector.broadcast %and3A_190 : i32 to vector<64x128xi32>
      %and3A_192 = arith.andi %iota3A_45, %and3A_191 : vector<64x128xi32>
      %eq3A_193 = arith.constant 0 : i32
      %eq3A_194 = vector.broadcast %eq3A_193 : i32 to vector<64x128xi32>
      %eq3A_195 = arith.cmpi eq, %and3A_192, %eq3A_194 : vector<64x128xi32>
      %select_n3A_196 = arith.select %eq3A_195, %concatenate3A_180, %concatenate3A_183 : vector<64x128xi1>, vector<64x128xf32>
      %select_n3A_197 = arith.select %eq3A_195, %concatenate3A_186, %concatenate3A_189 : vector<64x128xi1>, vector<64x128xi32>
      %gt3A_198 = arith.cmpf ogt, %select_n3A_176, %select_n3A_196 : vector<64x128xf32>
      %eq3A_199 = arith.cmpf oeq, %select_n3A_176, %select_n3A_196 : vector<64x128xf32>
      %lt3A_200 = arith.cmpi slt, %select_n3A_177, %select_n3A_197 : vector<64x128xi32>
      %and3A_201 = arith.andi %eq3A_199, %lt3A_200 : vector<64x128xi1>
      %or3A_202 = arith.ori %gt3A_198, %and3A_201 : vector<64x128xi1>
      %and3A_203 = arith.constant 8 : i32
      %and3A_204 = vector.broadcast %and3A_203 : i32 to vector<64x128xi32>
      %and3A_205 = arith.andi %iota3A_45, %and3A_204 : vector<64x128xi32>
      %eq3A_206 = arith.constant 0 : i32
      %eq3A_207 = vector.broadcast %eq3A_206 : i32 to vector<64x128xi32>
      %eq3A_208 = arith.cmpi eq, %and3A_205, %eq3A_207 : vector<64x128xi32>
      %xor3A_209 = arith.xori %eq3A_208, %eq3A_195 : vector<64x128xi1>
      %xor3A_210 = arith.xori %or3A_202, %xor3A_209 : vector<64x128xi1>
      %select_n3A_211 = arith.select %xor3A_210, %select_n3A_176, %select_n3A_196 : vector<64x128xi1>, vector<64x128xf32>
      %select_n3A_212 = arith.select %xor3A_210, %select_n3A_177, %select_n3A_197 : vector<64x128xi1>, vector<64x128xi32>
      %slice3A_213 = vector.extract_strided_slice %select_n3A_211 {offsets = [0, 1], sizes = [64, 127], strides = [1, 1]} : vector<64x128xf32> to vector<64x127xf32>
      %slice3A_214 = vector.extract_strided_slice %select_n3A_211 {offsets = [0, 0], sizes = [64, 1], strides = [1, 1]} : vector<64x128xf32> to vector<64x1xf32>
      %concatenate3A_215 = tpu.concatenate %slice3A_213, %slice3A_214 in 1 : vector<64x127xf32>, vector<64x1xf32> -> vector<64x128xf32>
      %slice3A_216 = vector.extract_strided_slice %select_n3A_211 {offsets = [0, 127], sizes = [64, 1], strides = [1, 1]} : vector<64x128xf32> to vector<64x1xf32>
      %slice3A_217 = vector.extract_strided_slice %select_n3A_211 {offsets = [0, 0], sizes = [64, 127], strides = [1, 1]} : vector<64x128xf32> to vector<64x127xf32>
      %concatenate3A_218 = tpu.concatenate %slice3A_216, %slice3A_217 in 1 : vector<64x1xf32>, vector<64x127xf32> -> vector<64x128xf32>
      %slice3A_219 = vector.extract_strided_slice %select_n3A_212 {offsets = [0, 1], sizes = [64, 127], strides = [1, 1]} : vector<64x128xi32> to vector<64x127xi32>
      %slice3A_220 = vector.extract_strided_slice %select_n3A_212 {offsets = [0, 0], sizes = [64, 1], strides = [1, 1]} : vector<64x128xi32> to vector<64x1xi32>
      %concatenate3A_221 = tpu.concatenate %slice3A_219, %slice3A_220 in 1 : vector<64x127xi32>, vector<64x1xi32> -> vector<64x128xi32>
      %slice3A_222 = vector.extract_strided_slice %select_n3A_212 {offsets = [0, 127], sizes = [64, 1], strides = [1, 1]} : vector<64x128xi32> to vector<64x1xi32>
      %slice3A_223 = vector.extract_strided_slice %select_n3A_212 {offsets = [0, 0], sizes = [64, 127], strides = [1, 1]} : vector<64x128xi32> to vector<64x127xi32>
      %concatenate3A_224 = tpu.concatenate %slice3A_222, %slice3A_223 in 1 : vector<64x1xi32>, vector<64x127xi32> -> vector<64x128xi32>
      %and3A_225 = arith.constant 1 : i32
      %and3A_226 = vector.broadcast %and3A_225 : i32 to vector<64x128xi32>
      %and3A_227 = arith.andi %iota3A_45, %and3A_226 : vector<64x128xi32>
      %eq3A_228 = arith.constant 0 : i32
      %eq3A_229 = vector.broadcast %eq3A_228 : i32 to vector<64x128xi32>
      %eq3A_230 = arith.cmpi eq, %and3A_227, %eq3A_229 : vector<64x128xi32>
      %select_n3A_231 = arith.select %eq3A_230, %concatenate3A_215, %concatenate3A_218 : vector<64x128xi1>, vector<64x128xf32>
      %select_n3A_232 = arith.select %eq3A_230, %concatenate3A_221, %concatenate3A_224 : vector<64x128xi1>, vector<64x128xi32>
      %gt3A_233 = arith.cmpf ogt, %select_n3A_211, %select_n3A_231 : vector<64x128xf32>
      %eq3A_234 = arith.cmpf oeq, %select_n3A_211, %select_n3A_231 : vector<64x128xf32>
      %lt3A_235 = arith.cmpi slt, %select_n3A_212, %select_n3A_232 : vector<64x128xi32>
      %and3A_236 = arith.andi %eq3A_234, %lt3A_235 : vector<64x128xi1>
      %or3A_237 = arith.ori %gt3A_233, %and3A_236 : vector<64x128xi1>
      %and3A_238 = arith.constant 8 : i32
      %and3A_239 = vector.broadcast %and3A_238 : i32 to vector<64x128xi32>
      %and3A_240 = arith.andi %iota3A_45, %and3A_239 : vector<64x128xi32>
      %eq3A_241 = arith.constant 0 : i32
      %eq3A_242 = vector.broadcast %eq3A_241 : i32 to vector<64x128xi32>
      %eq3A_243 = arith.cmpi eq, %and3A_240, %eq3A_242 : vector<64x128xi32>
      %xor3A_244 = arith.xori %eq3A_243, %eq3A_230 : vector<64x128xi1>
      %xor3A_245 = arith.xori %or3A_237, %xor3A_244 : vector<64x128xi1>
      %select_n3A_246 = arith.select %xor3A_245, %select_n3A_211, %select_n3A_231 : vector<64x128xi1>, vector<64x128xf32>
      %select_n3A_247 = arith.select %xor3A_245, %select_n3A_212, %select_n3A_232 : vector<64x128xi1>, vector<64x128xi32>
      %slice3A_248 = vector.extract_strided_slice %select_n3A_246 {offsets = [0, 8], sizes = [64, 120], strides = [1, 1]} : vector<64x128xf32> to vector<64x120xf32>
      %slice3A_249 = vector.extract_strided_slice %select_n3A_246 {offsets = [0, 0], sizes = [64, 8], strides = [1, 1]} : vector<64x128xf32> to vector<64x8xf32>
      %concatenate3A_250 = tpu.concatenate %slice3A_248, %slice3A_249 in 1 : vector<64x120xf32>, vector<64x8xf32> -> vector<64x128xf32>
      %slice3A_251 = vector.extract_strided_slice %select_n3A_246 {offsets = [0, 120], sizes = [64, 8], strides = [1, 1]} : vector<64x128xf32> to vector<64x8xf32>
      %slice3A_252 = vector.extract_strided_slice %select_n3A_246 {offsets = [0, 0], sizes = [64, 120], strides = [1, 1]} : vector<64x128xf32> to vector<64x120xf32>
      %concatenate3A_253 = tpu.concatenate %slice3A_251, %slice3A_252 in 1 : vector<64x8xf32>, vector<64x120xf32> -> vector<64x128xf32>
      %slice3A_254 = vector.extract_strided_slice %select_n3A_247 {offsets = [0, 8], sizes = [64, 120], strides = [1, 1]} : vector<64x128xi32> to vector<64x120xi32>
      %slice3A_255 = vector.extract_strided_slice %select_n3A_247 {offsets = [0, 0], sizes = [64, 8], strides = [1, 1]} : vector<64x128xi32> to vector<64x8xi32>
      %concatenate3A_256 = tpu.concatenate %slice3A_254, %slice3A_255 in 1 : vector<64x120xi32>, vector<64x8xi32> -> vector<64x128xi32>
      %slice3A_257 = vector.extract_strided_slice %select_n3A_247 {offsets = [0, 120], sizes = [64, 8], strides = [1, 1]} : vector<64x128xi32> to vector<64x8xi32>
      %slice3A_258 = vector.extract_strided_slice %select_n3A_247 {offsets = [0, 0], sizes = [64, 120], strides = [1, 1]} : vector<64x128xi32> to vector<64x120xi32>
      %concatenate3A_259 = tpu.concatenate %slice3A_257, %slice3A_258 in 1 : vector<64x8xi32>, vector<64x120xi32> -> vector<64x128xi32>
      %and3A_260 = arith.constant 8 : i32
      %and3A_261 = vector.broadcast %and3A_260 : i32 to vector<64x128xi32>
      %and3A_262 = arith.andi %iota3A_45, %and3A_261 : vector<64x128xi32>
      %eq3A_263 = arith.constant 0 : i32
      %eq3A_264 = vector.broadcast %eq3A_263 : i32 to vector<64x128xi32>
      %eq3A_265 = arith.cmpi eq, %and3A_262, %eq3A_264 : vector<64x128xi32>
      %select_n3A_266 = arith.select %eq3A_265, %concatenate3A_250, %concatenate3A_253 : vector<64x128xi1>, vector<64x128xf32>
      %select_n3A_267 = arith.select %eq3A_265, %concatenate3A_256, %concatenate3A_259 : vector<64x128xi1>, vector<64x128xi32>
      %gt3A_268 = arith.cmpf ogt, %select_n3A_246, %select_n3A_266 : vector<64x128xf32>
      %eq3A_269 = arith.cmpf oeq, %select_n3A_246, %select_n3A_266 : vector<64x128xf32>
      %lt3A_270 = arith.cmpi slt, %select_n3A_247, %select_n3A_267 : vector<64x128xi32>
      %and3A_271 = arith.andi %eq3A_269, %lt3A_270 : vector<64x128xi1>
      %or3A_272 = arith.ori %gt3A_268, %and3A_271 : vector<64x128xi1>
      %and3A_273 = arith.constant 16 : i32
      %and3A_274 = vector.broadcast %and3A_273 : i32 to vector<64x128xi32>
      %and3A_275 = arith.andi %iota3A_45, %and3A_274 : vector<64x128xi32>
      %eq3A_276 = arith.constant 0 : i32
      %eq3A_277 = vector.broadcast %eq3A_276 : i32 to vector<64x128xi32>
      %eq3A_278 = arith.cmpi eq, %and3A_275, %eq3A_277 : vector<64x128xi32>
      %xor3A_279 = arith.xori %eq3A_278, %eq3A_265 : vector<64x128xi1>
      %xor3A_280 = arith.xori %or3A_272, %xor3A_279 : vector<64x128xi1>
      %select_n3A_281 = arith.select %xor3A_280, %select_n3A_246, %select_n3A_266 : vector<64x128xi1>, vector<64x128xf32>
      %select_n3A_282 = arith.select %xor3A_280, %select_n3A_247, %select_n3A_267 : vector<64x128xi1>, vector<64x128xi32>
      %slice3A_283 = vector.extract_strided_slice %select_n3A_281 {offsets = [0, 4], sizes = [64, 124], strides = [1, 1]} : vector<64x128xf32> to vector<64x124xf32>
      %slice3A_284 = vector.extract_strided_slice %select_n3A_281 {offsets = [0, 0], sizes = [64, 4], strides = [1, 1]} : vector<64x128xf32> to vector<64x4xf32>
      %concatenate3A_285 = tpu.concatenate %slice3A_283, %slice3A_284 in 1 : vector<64x124xf32>, vector<64x4xf32> -> vector<64x128xf32>
      %slice3A_286 = vector.extract_strided_slice %select_n3A_281 {offsets = [0, 124], sizes = [64, 4], strides = [1, 1]} : vector<64x128xf32> to vector<64x4xf32>
      %slice3A_287 = vector.extract_strided_slice %select_n3A_281 {offsets = [0, 0], sizes = [64, 124], strides = [1, 1]} : vector<64x128xf32> to vector<64x124xf32>
      %concatenate3A_288 = tpu.concatenate %slice3A_286, %slice3A_287 in 1 : vector<64x4xf32>, vector<64x124xf32> -> vector<64x128xf32>
      %slice3A_289 = vector.extract_strided_slice %select_n3A_282 {offsets = [0, 4], sizes = [64, 124], strides = [1, 1]} : vector<64x128xi32> to vector<64x124xi32>
      %slice3A_290 = vector.extract_strided_slice %select_n3A_282 {offsets = [0, 0], sizes = [64, 4], strides = [1, 1]} : vector<64x128xi32> to vector<64x4xi32>
      %concatenate3A_291 = tpu.concatenate %slice3A_289, %slice3A_290 in 1 : vector<64x124xi32>, vector<64x4xi32> -> vector<64x128xi32>
      %slice3A_292 = vector.extract_strided_slice %select_n3A_282 {offsets = [0, 124], sizes = [64, 4], strides = [1, 1]} : vector<64x128xi32> to vector<64x4xi32>
      %slice3A_293 = vector.extract_strided_slice %select_n3A_282 {offsets = [0, 0], sizes = [64, 124], strides = [1, 1]} : vector<64x128xi32> to vector<64x124xi32>
      %concatenate3A_294 = tpu.concatenate %slice3A_292, %slice3A_293 in 1 : vector<64x4xi32>, vector<64x124xi32> -> vector<64x128xi32>
      %and3A_295 = arith.constant 4 : i32
      %and3A_296 = vector.broadcast %and3A_295 : i32 to vector<64x128xi32>
      %and3A_297 = arith.andi %iota3A_45, %and3A_296 : vector<64x128xi32>
      %eq3A_298 = arith.constant 0 : i32
      %eq3A_299 = vector.broadcast %eq3A_298 : i32 to vector<64x128xi32>
      %eq3A_300 = arith.cmpi eq, %and3A_297, %eq3A_299 : vector<64x128xi32>
      %select_n3A_301 = arith.select %eq3A_300, %concatenate3A_285, %concatenate3A_288 : vector<64x128xi1>, vector<64x128xf32>
      %select_n3A_302 = arith.select %eq3A_300, %concatenate3A_291, %concatenate3A_294 : vector<64x128xi1>, vector<64x128xi32>
      %gt3A_303 = arith.cmpf ogt, %select_n3A_281, %select_n3A_301 : vector<64x128xf32>
      %eq3A_304 = arith.cmpf oeq, %select_n3A_281, %select_n3A_301 : vector<64x128xf32>
      %lt3A_305 = arith.cmpi slt, %select_n3A_282, %select_n3A_302 : vector<64x128xi32>
      %and3A_306 = arith.andi %eq3A_304, %lt3A_305 : vector<64x128xi1>
      %or3A_307 = arith.ori %gt3A_303, %and3A_306 : vector<64x128xi1>
      %and3A_308 = arith.constant 16 : i32
      %and3A_309 = vector.broadcast %and3A_308 : i32 to vector<64x128xi32>
      %and3A_310 = arith.andi %iota3A_45, %and3A_309 : vector<64x128xi32>
      %eq3A_311 = arith.constant 0 : i32
      %eq3A_312 = vector.broadcast %eq3A_311 : i32 to vector<64x128xi32>
      %eq3A_313 = arith.cmpi eq, %and3A_310, %eq3A_312 : vector<64x128xi32>
      %xor3A_314 = arith.xori %eq3A_313, %eq3A_300 : vector<64x128xi1>
      %xor3A_315 = arith.xori %or3A_307, %xor3A_314 : vector<64x128xi1>
      %select_n3A_316 = arith.select %xor3A_315, %select_n3A_281, %select_n3A_301 : vector<64x128xi1>, vector<64x128xf32>
      %select_n3A_317 = arith.select %xor3A_315, %select_n3A_282, %select_n3A_302 : vector<64x128xi1>, vector<64x128xi32>
      %slice3A_318 = vector.extract_strided_slice %select_n3A_316 {offsets = [0, 2], sizes = [64, 126], strides = [1, 1]} : vector<64x128xf32> to vector<64x126xf32>
      %slice3A_319 = vector.extract_strided_slice %select_n3A_316 {offsets = [0, 0], sizes = [64, 2], strides = [1, 1]} : vector<64x128xf32> to vector<64x2xf32>
      %concatenate3A_320 = tpu.concatenate %slice3A_318, %slice3A_319 in 1 : vector<64x126xf32>, vector<64x2xf32> -> vector<64x128xf32>
      %slice3A_321 = vector.extract_strided_slice %select_n3A_316 {offsets = [0, 126], sizes = [64, 2], strides = [1, 1]} : vector<64x128xf32> to vector<64x2xf32>
      %slice3A_322 = vector.extract_strided_slice %select_n3A_316 {offsets = [0, 0], sizes = [64, 126], strides = [1, 1]} : vector<64x128xf32> to vector<64x126xf32>
      %concatenate3A_323 = tpu.concatenate %slice3A_321, %slice3A_322 in 1 : vector<64x2xf32>, vector<64x126xf32> -> vector<64x128xf32>
      %slice3A_324 = vector.extract_strided_slice %select_n3A_317 {offsets = [0, 2], sizes = [64, 126], strides = [1, 1]} : vector<64x128xi32> to vector<64x126xi32>
      %slice3A_325 = vector.extract_strided_slice %select_n3A_317 {offsets = [0, 0], sizes = [64, 2], strides = [1, 1]} : vector<64x128xi32> to vector<64x2xi32>
      %concatenate3A_326 = tpu.concatenate %slice3A_324, %slice3A_325 in 1 : vector<64x126xi32>, vector<64x2xi32> -> vector<64x128xi32>
      %slice3A_327 = vector.extract_strided_slice %select_n3A_317 {offsets = [0, 126], sizes = [64, 2], strides = [1, 1]} : vector<64x128xi32> to vector<64x2xi32>
      %slice3A_328 = vector.extract_strided_slice %select_n3A_317 {offsets = [0, 0], sizes = [64, 126], strides = [1, 1]} : vector<64x128xi32> to vector<64x126xi32>
      %concatenate3A_329 = tpu.concatenate %slice3A_327, %slice3A_328 in 1 : vector<64x2xi32>, vector<64x126xi32> -> vector<64x128xi32>
      %and3A_330 = arith.constant 2 : i32
      %and3A_331 = vector.broadcast %and3A_330 : i32 to vector<64x128xi32>
      %and3A_332 = arith.andi %iota3A_45, %and3A_331 : vector<64x128xi32>
      %eq3A_333 = arith.constant 0 : i32
      %eq3A_334 = vector.broadcast %eq3A_333 : i32 to vector<64x128xi32>
      %eq3A_335 = arith.cmpi eq, %and3A_332, %eq3A_334 : vector<64x128xi32>
      %select_n3A_336 = arith.select %eq3A_335, %concatenate3A_320, %concatenate3A_323 : vector<64x128xi1>, vector<64x128xf32>
      %select_n3A_337 = arith.select %eq3A_335, %concatenate3A_326, %concatenate3A_329 : vector<64x128xi1>, vector<64x128xi32>
      %gt3A_338 = arith.cmpf ogt, %select_n3A_316, %select_n3A_336 : vector<64x128xf32>
      %eq3A_339 = arith.cmpf oeq, %select_n3A_316, %select_n3A_336 : vector<64x128xf32>
      %lt3A_340 = arith.cmpi slt, %select_n3A_317, %select_n3A_337 : vector<64x128xi32>
      %and3A_341 = arith.andi %eq3A_339, %lt3A_340 : vector<64x128xi1>
      %or3A_342 = arith.ori %gt3A_338, %and3A_341 : vector<64x128xi1>
      %and3A_343 = arith.constant 16 : i32
      %and3A_344 = vector.broadcast %and3A_343 : i32 to vector<64x128xi32>
      %and3A_345 = arith.andi %iota3A_45, %and3A_344 : vector<64x128xi32>
      %eq3A_346 = arith.constant 0 : i32
      %eq3A_347 = vector.broadcast %eq3A_346 : i32 to vector<64x128xi32>
      %eq3A_348 = arith.cmpi eq, %and3A_345, %eq3A_347 : vector<64x128xi32>
      %xor3A_349 = arith.xori %eq3A_348, %eq3A_335 : vector<64x128xi1>
      %xor3A_350 = arith.xori %or3A_342, %xor3A_349 : vector<64x128xi1>
      %select_n3A_351 = arith.select %xor3A_350, %select_n3A_316, %select_n3A_336 : vector<64x128xi1>, vector<64x128xf32>
      %select_n3A_352 = arith.select %xor3A_350, %select_n3A_317, %select_n3A_337 : vector<64x128xi1>, vector<64x128xi32>
      %slice3A_353 = vector.extract_strided_slice %select_n3A_351 {offsets = [0, 1], sizes = [64, 127], strides = [1, 1]} : vector<64x128xf32> to vector<64x127xf32>
      %slice3A_354 = vector.extract_strided_slice %select_n3A_351 {offsets = [0, 0], sizes = [64, 1], strides = [1, 1]} : vector<64x128xf32> to vector<64x1xf32>
      %concatenate3A_355 = tpu.concatenate %slice3A_353, %slice3A_354 in 1 : vector<64x127xf32>, vector<64x1xf32> -> vector<64x128xf32>
      %slice3A_356 = vector.extract_strided_slice %select_n3A_351 {offsets = [0, 127], sizes = [64, 1], strides = [1, 1]} : vector<64x128xf32> to vector<64x1xf32>
      %slice3A_357 = vector.extract_strided_slice %select_n3A_351 {offsets = [0, 0], sizes = [64, 127], strides = [1, 1]} : vector<64x128xf32> to vector<64x127xf32>
      %concatenate3A_358 = tpu.concatenate %slice3A_356, %slice3A_357 in 1 : vector<64x1xf32>, vector<64x127xf32> -> vector<64x128xf32>
      %slice3A_359 = vector.extract_strided_slice %select_n3A_352 {offsets = [0, 1], sizes = [64, 127], strides = [1, 1]} : vector<64x128xi32> to vector<64x127xi32>
      %slice3A_360 = vector.extract_strided_slice %select_n3A_352 {offsets = [0, 0], sizes = [64, 1], strides = [1, 1]} : vector<64x128xi32> to vector<64x1xi32>
      %concatenate3A_361 = tpu.concatenate %slice3A_359, %slice3A_360 in 1 : vector<64x127xi32>, vector<64x1xi32> -> vector<64x128xi32>
      %slice3A_362 = vector.extract_strided_slice %select_n3A_352 {offsets = [0, 127], sizes = [64, 1], strides = [1, 1]} : vector<64x128xi32> to vector<64x1xi32>
      %slice3A_363 = vector.extract_strided_slice %select_n3A_352 {offsets = [0, 0], sizes = [64, 127], strides = [1, 1]} : vector<64x128xi32> to vector<64x127xi32>
      %concatenate3A_364 = tpu.concatenate %slice3A_362, %slice3A_363 in 1 : vector<64x1xi32>, vector<64x127xi32> -> vector<64x128xi32>
      %and3A_365 = arith.constant 1 : i32
      %and3A_366 = vector.broadcast %and3A_365 : i32 to vector<64x128xi32>
      %and3A_367 = arith.andi %iota3A_45, %and3A_366 : vector<64x128xi32>
      %eq3A_368 = arith.constant 0 : i32
      %eq3A_369 = vector.broadcast %eq3A_368 : i32 to vector<64x128xi32>
      %eq3A_370 = arith.cmpi eq, %and3A_367, %eq3A_369 : vector<64x128xi32>
      %select_n3A_371 = arith.select %eq3A_370, %concatenate3A_355, %concatenate3A_358 : vector<64x128xi1>, vector<64x128xf32>
      %select_n3A_372 = arith.select %eq3A_370, %concatenate3A_361, %concatenate3A_364 : vector<64x128xi1>, vector<64x128xi32>
      %gt3A_373 = arith.cmpf ogt, %select_n3A_351, %select_n3A_371 : vector<64x128xf32>
      %eq3A_374 = arith.cmpf oeq, %select_n3A_351, %select_n3A_371 : vector<64x128xf32>
      %lt3A_375 = arith.cmpi slt, %select_n3A_352, %select_n3A_372 : vector<64x128xi32>
      %and3A_376 = arith.andi %eq3A_374, %lt3A_375 : vector<64x128xi1>
      %or3A_377 = arith.ori %gt3A_373, %and3A_376 : vector<64x128xi1>
      %and3A_378 = arith.constant 16 : i32
      %and3A_379 = vector.broadcast %and3A_378 : i32 to vector<64x128xi32>
      %and3A_380 = arith.andi %iota3A_45, %and3A_379 : vector<64x128xi32>
      %eq3A_381 = arith.constant 0 : i32
      %eq3A_382 = vector.broadcast %eq3A_381 : i32 to vector<64x128xi32>
      %eq3A_383 = arith.cmpi eq, %and3A_380, %eq3A_382 : vector<64x128xi32>
      %xor3A_384 = arith.xori %eq3A_383, %eq3A_370 : vector<64x128xi1>
      %xor3A_385 = arith.xori %or3A_377, %xor3A_384 : vector<64x128xi1>
      %select_n3A_386 = arith.select %xor3A_385, %select_n3A_351, %select_n3A_371 : vector<64x128xi1>, vector<64x128xf32>
      %select_n3A_387 = arith.select %xor3A_385, %select_n3A_352, %select_n3A_372 : vector<64x128xi1>, vector<64x128xi32>
      %slice3A_388 = vector.extract_strided_slice %select_n3A_386 {offsets = [0, 16], sizes = [64, 112], strides = [1, 1]} : vector<64x128xf32> to vector<64x112xf32>
      %slice3A_389 = vector.extract_strided_slice %select_n3A_386 {offsets = [0, 0], sizes = [64, 16], strides = [1, 1]} : vector<64x128xf32> to vector<64x16xf32>
      %concatenate3A_390 = tpu.concatenate %slice3A_388, %slice3A_389 in 1 : vector<64x112xf32>, vector<64x16xf32> -> vector<64x128xf32>
      %slice3A_391 = vector.extract_strided_slice %select_n3A_386 {offsets = [0, 112], sizes = [64, 16], strides = [1, 1]} : vector<64x128xf32> to vector<64x16xf32>
      %slice3A_392 = vector.extract_strided_slice %select_n3A_386 {offsets = [0, 0], sizes = [64, 112], strides = [1, 1]} : vector<64x128xf32> to vector<64x112xf32>
      %concatenate3A_393 = tpu.concatenate %slice3A_391, %slice3A_392 in 1 : vector<64x16xf32>, vector<64x112xf32> -> vector<64x128xf32>
      %slice3A_394 = vector.extract_strided_slice %select_n3A_387 {offsets = [0, 16], sizes = [64, 112], strides = [1, 1]} : vector<64x128xi32> to vector<64x112xi32>
      %slice3A_395 = vector.extract_strided_slice %select_n3A_387 {offsets = [0, 0], sizes = [64, 16], strides = [1, 1]} : vector<64x128xi32> to vector<64x16xi32>
      %concatenate3A_396 = tpu.concatenate %slice3A_394, %slice3A_395 in 1 : vector<64x112xi32>, vector<64x16xi32> -> vector<64x128xi32>
      %slice3A_397 = vector.extract_strided_slice %select_n3A_387 {offsets = [0, 112], sizes = [64, 16], strides = [1, 1]} : vector<64x128xi32> to vector<64x16xi32>
      %slice3A_398 = vector.extract_strided_slice %select_n3A_387 {offsets = [0, 0], sizes = [64, 112], strides = [1, 1]} : vector<64x128xi32> to vector<64x112xi32>
      %concatenate3A_399 = tpu.concatenate %slice3A_397, %slice3A_398 in 1 : vector<64x16xi32>, vector<64x112xi32> -> vector<64x128xi32>
      %and3A_400 = arith.constant 16 : i32
      %and3A_401 = vector.broadcast %and3A_400 : i32 to vector<64x128xi32>
      %and3A_402 = arith.andi %iota3A_45, %and3A_401 : vector<64x128xi32>
      %eq3A_403 = arith.constant 0 : i32
      %eq3A_404 = vector.broadcast %eq3A_403 : i32 to vector<64x128xi32>
      %eq3A_405 = arith.cmpi eq, %and3A_402, %eq3A_404 : vector<64x128xi32>
      %select_n3A_406 = arith.select %eq3A_405, %concatenate3A_390, %concatenate3A_393 : vector<64x128xi1>, vector<64x128xf32>
      %select_n3A_407 = arith.select %eq3A_405, %concatenate3A_396, %concatenate3A_399 : vector<64x128xi1>, vector<64x128xi32>
      %gt3A_408 = arith.cmpf ogt, %select_n3A_386, %select_n3A_406 : vector<64x128xf32>
      %eq3A_409 = arith.cmpf oeq, %select_n3A_386, %select_n3A_406 : vector<64x128xf32>
      %lt3A_410 = arith.cmpi slt, %select_n3A_387, %select_n3A_407 : vector<64x128xi32>
      %and3A_411 = arith.andi %eq3A_409, %lt3A_410 : vector<64x128xi1>
      %or3A_412 = arith.ori %gt3A_408, %and3A_411 : vector<64x128xi1>
      %and3A_413 = arith.constant 32 : i32
      %and3A_414 = vector.broadcast %and3A_413 : i32 to vector<64x128xi32>
      %and3A_415 = arith.andi %iota3A_45, %and3A_414 : vector<64x128xi32>
      %eq3A_416 = arith.constant 0 : i32
      %eq3A_417 = vector.broadcast %eq3A_416 : i32 to vector<64x128xi32>
      %eq3A_418 = arith.cmpi eq, %and3A_415, %eq3A_417 : vector<64x128xi32>
      %xor3A_419 = arith.xori %eq3A_418, %eq3A_405 : vector<64x128xi1>
      %xor3A_420 = arith.xori %or3A_412, %xor3A_419 : vector<64x128xi1>
      %select_n3A_421 = arith.select %xor3A_420, %select_n3A_386, %select_n3A_406 : vector<64x128xi1>, vector<64x128xf32>
      %select_n3A_422 = arith.select %xor3A_420, %select_n3A_387, %select_n3A_407 : vector<64x128xi1>, vector<64x128xi32>
      %slice3A_423 = vector.extract_strided_slice %select_n3A_421 {offsets = [0, 8], sizes = [64, 120], strides = [1, 1]} : vector<64x128xf32> to vector<64x120xf32>
      %slice3A_424 = vector.extract_strided_slice %select_n3A_421 {offsets = [0, 0], sizes = [64, 8], strides = [1, 1]} : vector<64x128xf32> to vector<64x8xf32>
      %concatenate3A_425 = tpu.concatenate %slice3A_423, %slice3A_424 in 1 : vector<64x120xf32>, vector<64x8xf32> -> vector<64x128xf32>
      %slice3A_426 = vector.extract_strided_slice %select_n3A_421 {offsets = [0, 120], sizes = [64, 8], strides = [1, 1]} : vector<64x128xf32> to vector<64x8xf32>
      %slice3A_427 = vector.extract_strided_slice %select_n3A_421 {offsets = [0, 0], sizes = [64, 120], strides = [1, 1]} : vector<64x128xf32> to vector<64x120xf32>
      %concatenate3A_428 = tpu.concatenate %slice3A_426, %slice3A_427 in 1 : vector<64x8xf32>, vector<64x120xf32> -> vector<64x128xf32>
      %slice3A_429 = vector.extract_strided_slice %select_n3A_422 {offsets = [0, 8], sizes = [64, 120], strides = [1, 1]} : vector<64x128xi32> to vector<64x120xi32>
      %slice3A_430 = vector.extract_strided_slice %select_n3A_422 {offsets = [0, 0], sizes = [64, 8], strides = [1, 1]} : vector<64x128xi32> to vector<64x8xi32>
      %concatenate3A_431 = tpu.concatenate %slice3A_429, %slice3A_430 in 1 : vector<64x120xi32>, vector<64x8xi32> -> vector<64x128xi32>
      %slice3A_432 = vector.extract_strided_slice %select_n3A_422 {offsets = [0, 120], sizes = [64, 8], strides = [1, 1]} : vector<64x128xi32> to vector<64x8xi32>
      %slice3A_433 = vector.extract_strided_slice %select_n3A_422 {offsets = [0, 0], sizes = [64, 120], strides = [1, 1]} : vector<64x128xi32> to vector<64x120xi32>
      %concatenate3A_434 = tpu.concatenate %slice3A_432, %slice3A_433 in 1 : vector<64x8xi32>, vector<64x120xi32> -> vector<64x128xi32>
      %and3A_435 = arith.constant 8 : i32
      %and3A_436 = vector.broadcast %and3A_435 : i32 to vector<64x128xi32>
      %and3A_437 = arith.andi %iota3A_45, %and3A_436 : vector<64x128xi32>
      %eq3A_438 = arith.constant 0 : i32
      %eq3A_439 = vector.broadcast %eq3A_438 : i32 to vector<64x128xi32>
      %eq3A_440 = arith.cmpi eq, %and3A_437, %eq3A_439 : vector<64x128xi32>
      %select_n3A_441 = arith.select %eq3A_440, %concatenate3A_425, %concatenate3A_428 : vector<64x128xi1>, vector<64x128xf32>
      %select_n3A_442 = arith.select %eq3A_440, %concatenate3A_431, %concatenate3A_434 : vector<64x128xi1>, vector<64x128xi32>
      %gt3A_443 = arith.cmpf ogt, %select_n3A_421, %select_n3A_441 : vector<64x128xf32>
      %eq3A_444 = arith.cmpf oeq, %select_n3A_421, %select_n3A_441 : vector<64x128xf32>
      %lt3A_445 = arith.cmpi slt, %select_n3A_422, %select_n3A_442 : vector<64x128xi32>
      %and3A_446 = arith.andi %eq3A_444, %lt3A_445 : vector<64x128xi1>
      %or3A_447 = arith.ori %gt3A_443, %and3A_446 : vector<64x128xi1>
      %and3A_448 = arith.constant 32 : i32
      %and3A_449 = vector.broadcast %and3A_448 : i32 to vector<64x128xi32>
      %and3A_450 = arith.andi %iota3A_45, %and3A_449 : vector<64x128xi32>
      %eq3A_451 = arith.constant 0 : i32
      %eq3A_452 = vector.broadcast %eq3A_451 : i32 to vector<64x128xi32>
      %eq3A_453 = arith.cmpi eq, %and3A_450, %eq3A_452 : vector<64x128xi32>
      %xor3A_454 = arith.xori %eq3A_453, %eq3A_440 : vector<64x128xi1>
      %xor3A_455 = arith.xori %or3A_447, %xor3A_454 : vector<64x128xi1>
      %select_n3A_456 = arith.select %xor3A_455, %select_n3A_421, %select_n3A_441 : vector<64x128xi1>, vector<64x128xf32>
      %select_n3A_457 = arith.select %xor3A_455, %select_n3A_422, %select_n3A_442 : vector<64x128xi1>, vector<64x128xi32>
      %slice3A_458 = vector.extract_strided_slice %select_n3A_456 {offsets = [0, 4], sizes = [64, 124], strides = [1, 1]} : vector<64x128xf32> to vector<64x124xf32>
      %slice3A_459 = vector.extract_strided_slice %select_n3A_456 {offsets = [0, 0], sizes = [64, 4], strides = [1, 1]} : vector<64x128xf32> to vector<64x4xf32>
      %concatenate3A_460 = tpu.concatenate %slice3A_458, %slice3A_459 in 1 : vector<64x124xf32>, vector<64x4xf32> -> vector<64x128xf32>
      %slice3A_461 = vector.extract_strided_slice %select_n3A_456 {offsets = [0, 124], sizes = [64, 4], strides = [1, 1]} : vector<64x128xf32> to vector<64x4xf32>
      %slice3A_462 = vector.extract_strided_slice %select_n3A_456 {offsets = [0, 0], sizes = [64, 124], strides = [1, 1]} : vector<64x128xf32> to vector<64x124xf32>
      %concatenate3A_463 = tpu.concatenate %slice3A_461, %slice3A_462 in 1 : vector<64x4xf32>, vector<64x124xf32> -> vector<64x128xf32>
      %slice3A_464 = vector.extract_strided_slice %select_n3A_457 {offsets = [0, 4], sizes = [64, 124], strides = [1, 1]} : vector<64x128xi32> to vector<64x124xi32>
      %slice3A_465 = vector.extract_strided_slice %select_n3A_457 {offsets = [0, 0], sizes = [64, 4], strides = [1, 1]} : vector<64x128xi32> to vector<64x4xi32>
      %concatenate3A_466 = tpu.concatenate %slice3A_464, %slice3A_465 in 1 : vector<64x124xi32>, vector<64x4xi32> -> vector<64x128xi32>
      %slice3A_467 = vector.extract_strided_slice %select_n3A_457 {offsets = [0, 124], sizes = [64, 4], strides = [1, 1]} : vector<64x128xi32> to vector<64x4xi32>
      %slice3A_468 = vector.extract_strided_slice %select_n3A_457 {offsets = [0, 0], sizes = [64, 124], strides = [1, 1]} : vector<64x128xi32> to vector<64x124xi32>
      %concatenate3A_469 = tpu.concatenate %slice3A_467, %slice3A_468 in 1 : vector<64x4xi32>, vector<64x124xi32> -> vector<64x128xi32>
      %and3A_470 = arith.constant 4 : i32
      %and3A_471 = vector.broadcast %and3A_470 : i32 to vector<64x128xi32>
      %and3A_472 = arith.andi %iota3A_45, %and3A_471 : vector<64x128xi32>
      %eq3A_473 = arith.constant 0 : i32
      %eq3A_474 = vector.broadcast %eq3A_473 : i32 to vector<64x128xi32>
      %eq3A_475 = arith.cmpi eq, %and3A_472, %eq3A_474 : vector<64x128xi32>
      %select_n3A_476 = arith.select %eq3A_475, %concatenate3A_460, %concatenate3A_463 : vector<64x128xi1>, vector<64x128xf32>
      %select_n3A_477 = arith.select %eq3A_475, %concatenate3A_466, %concatenate3A_469 : vector<64x128xi1>, vector<64x128xi32>
      %gt3A_478 = arith.cmpf ogt, %select_n3A_456, %select_n3A_476 : vector<64x128xf32>
      %eq3A_479 = arith.cmpf oeq, %select_n3A_456, %select_n3A_476 : vector<64x128xf32>
      %lt3A_480 = arith.cmpi slt, %select_n3A_457, %select_n3A_477 : vector<64x128xi32>
      %and3A_481 = arith.andi %eq3A_479, %lt3A_480 : vector<64x128xi1>
      %or3A_482 = arith.ori %gt3A_478, %and3A_481 : vector<64x128xi1>
      %and3A_483 = arith.constant 32 : i32
      %and3A_484 = vector.broadcast %and3A_483 : i32 to vector<64x128xi32>
      %and3A_485 = arith.andi %iota3A_45, %and3A_484 : vector<64x128xi32>
      %eq3A_486 = arith.constant 0 : i32
      %eq3A_487 = vector.broadcast %eq3A_486 : i32 to vector<64x128xi32>
      %eq3A_488 = arith.cmpi eq, %and3A_485, %eq3A_487 : vector<64x128xi32>
      %xor3A_489 = arith.xori %eq3A_488, %eq3A_475 : vector<64x128xi1>
      %xor3A_490 = arith.xori %or3A_482, %xor3A_489 : vector<64x128xi1>
      %select_n3A_491 = arith.select %xor3A_490, %select_n3A_456, %select_n3A_476 : vector<64x128xi1>, vector<64x128xf32>
      %select_n3A_492 = arith.select %xor3A_490, %select_n3A_457, %select_n3A_477 : vector<64x128xi1>, vector<64x128xi32>
      %slice3A_493 = vector.extract_strided_slice %select_n3A_491 {offsets = [0, 2], sizes = [64, 126], strides = [1, 1]} : vector<64x128xf32> to vector<64x126xf32>
      %slice3A_494 = vector.extract_strided_slice %select_n3A_491 {offsets = [0, 0], sizes = [64, 2], strides = [1, 1]} : vector<64x128xf32> to vector<64x2xf32>
      %concatenate3A_495 = tpu.concatenate %slice3A_493, %slice3A_494 in 1 : vector<64x126xf32>, vector<64x2xf32> -> vector<64x128xf32>
      %slice3A_496 = vector.extract_strided_slice %select_n3A_491 {offsets = [0, 126], sizes = [64, 2], strides = [1, 1]} : vector<64x128xf32> to vector<64x2xf32>
      %slice3A_497 = vector.extract_strided_slice %select_n3A_491 {offsets = [0, 0], sizes = [64, 126], strides = [1, 1]} : vector<64x128xf32> to vector<64x126xf32>
      %concatenate3A_498 = tpu.concatenate %slice3A_496, %slice3A_497 in 1 : vector<64x2xf32>, vector<64x126xf32> -> vector<64x128xf32>
      %slice3A_499 = vector.extract_strided_slice %select_n3A_492 {offsets = [0, 2], sizes = [64, 126], strides = [1, 1]} : vector<64x128xi32> to vector<64x126xi32>
      %slice3A_500 = vector.extract_strided_slice %select_n3A_492 {offsets = [0, 0], sizes = [64, 2], strides = [1, 1]} : vector<64x128xi32> to vector<64x2xi32>
      %concatenate3A_501 = tpu.concatenate %slice3A_499, %slice3A_500 in 1 : vector<64x126xi32>, vector<64x2xi32> -> vector<64x128xi32>
      %slice3A_502 = vector.extract_strided_slice %select_n3A_492 {offsets = [0, 126], sizes = [64, 2], strides = [1, 1]} : vector<64x128xi32> to vector<64x2xi32>
      %slice3A_503 = vector.extract_strided_slice %select_n3A_492 {offsets = [0, 0], sizes = [64, 126], strides = [1, 1]} : vector<64x128xi32> to vector<64x126xi32>
      %concatenate3A_504 = tpu.concatenate %slice3A_502, %slice3A_503 in 1 : vector<64x2xi32>, vector<64x126xi32> -> vector<64x128xi32>
      %and3A_505 = arith.constant 2 : i32
      %and3A_506 = vector.broadcast %and3A_505 : i32 to vector<64x128xi32>
      %and3A_507 = arith.andi %iota3A_45, %and3A_506 : vector<64x128xi32>
      %eq3A_508 = arith.constant 0 : i32
      %eq3A_509 = vector.broadcast %eq3A_508 : i32 to vector<64x128xi32>
      %eq3A_510 = arith.cmpi eq, %and3A_507, %eq3A_509 : vector<64x128xi32>
      %select_n3A_511 = arith.select %eq3A_510, %concatenate3A_495, %concatenate3A_498 : vector<64x128xi1>, vector<64x128xf32>
      %select_n3A_512 = arith.select %eq3A_510, %concatenate3A_501, %concatenate3A_504 : vector<64x128xi1>, vector<64x128xi32>
      %gt3A_513 = arith.cmpf ogt, %select_n3A_491, %select_n3A_511 : vector<64x128xf32>
      %eq3A_514 = arith.cmpf oeq, %select_n3A_491, %select_n3A_511 : vector<64x128xf32>
      %lt3A_515 = arith.cmpi slt, %select_n3A_492, %select_n3A_512 : vector<64x128xi32>
      %and3A_516 = arith.andi %eq3A_514, %lt3A_515 : vector<64x128xi1>
      %or3A_517 = arith.ori %gt3A_513, %and3A_516 : vector<64x128xi1>
      %and3A_518 = arith.constant 32 : i32
      %and3A_519 = vector.broadcast %and3A_518 : i32 to vector<64x128xi32>
      %and3A_520 = arith.andi %iota3A_45, %and3A_519 : vector<64x128xi32>
      %eq3A_521 = arith.constant 0 : i32
      %eq3A_522 = vector.broadcast %eq3A_521 : i32 to vector<64x128xi32>
      %eq3A_523 = arith.cmpi eq, %and3A_520, %eq3A_522 : vector<64x128xi32>
      %xor3A_524 = arith.xori %eq3A_523, %eq3A_510 : vector<64x128xi1>
      %xor3A_525 = arith.xori %or3A_517, %xor3A_524 : vector<64x128xi1>
      %select_n3A_526 = arith.select %xor3A_525, %select_n3A_491, %select_n3A_511 : vector<64x128xi1>, vector<64x128xf32>
      %select_n3A_527 = arith.select %xor3A_525, %select_n3A_492, %select_n3A_512 : vector<64x128xi1>, vector<64x128xi32>
      %slice3A_528 = vector.extract_strided_slice %select_n3A_526 {offsets = [0, 1], sizes = [64, 127], strides = [1, 1]} : vector<64x128xf32> to vector<64x127xf32>
      %slice3A_529 = vector.extract_strided_slice %select_n3A_526 {offsets = [0, 0], sizes = [64, 1], strides = [1, 1]} : vector<64x128xf32> to vector<64x1xf32>
      %concatenate3A_530 = tpu.concatenate %slice3A_528, %slice3A_529 in 1 : vector<64x127xf32>, vector<64x1xf32> -> vector<64x128xf32>
      %slice3A_531 = vector.extract_strided_slice %select_n3A_526 {offsets = [0, 127], sizes = [64, 1], strides = [1, 1]} : vector<64x128xf32> to vector<64x1xf32>
      %slice3A_532 = vector.extract_strided_slice %select_n3A_526 {offsets = [0, 0], sizes = [64, 127], strides = [1, 1]} : vector<64x128xf32> to vector<64x127xf32>
      %concatenate3A_533 = tpu.concatenate %slice3A_531, %slice3A_532 in 1 : vector<64x1xf32>, vector<64x127xf32> -> vector<64x128xf32>
      %slice3A_534 = vector.extract_strided_slice %select_n3A_527 {offsets = [0, 1], sizes = [64, 127], strides = [1, 1]} : vector<64x128xi32> to vector<64x127xi32>
      %slice3A_535 = vector.extract_strided_slice %select_n3A_527 {offsets = [0, 0], sizes = [64, 1], strides = [1, 1]} : vector<64x128xi32> to vector<64x1xi32>
      %concatenate3A_536 = tpu.concatenate %slice3A_534, %slice3A_535 in 1 : vector<64x127xi32>, vector<64x1xi32> -> vector<64x128xi32>
      %slice3A_537 = vector.extract_strided_slice %select_n3A_527 {offsets = [0, 127], sizes = [64, 1], strides = [1, 1]} : vector<64x128xi32> to vector<64x1xi32>
      %slice3A_538 = vector.extract_strided_slice %select_n3A_527 {offsets = [0, 0], sizes = [64, 127], strides = [1, 1]} : vector<64x128xi32> to vector<64x127xi32>
      %concatenate3A_539 = tpu.concatenate %slice3A_537, %slice3A_538 in 1 : vector<64x1xi32>, vector<64x127xi32> -> vector<64x128xi32>
      %and3A_540 = arith.constant 1 : i32
      %and3A_541 = vector.broadcast %and3A_540 : i32 to vector<64x128xi32>
      %and3A_542 = arith.andi %iota3A_45, %and3A_541 : vector<64x128xi32>
      %eq3A_543 = arith.constant 0 : i32
      %eq3A_544 = vector.broadcast %eq3A_543 : i32 to vector<64x128xi32>
      %eq3A_545 = arith.cmpi eq, %and3A_542, %eq3A_544 : vector<64x128xi32>
      %select_n3A_546 = arith.select %eq3A_545, %concatenate3A_530, %concatenate3A_533 : vector<64x128xi1>, vector<64x128xf32>
      %select_n3A_547 = arith.select %eq3A_545, %concatenate3A_536, %concatenate3A_539 : vector<64x128xi1>, vector<64x128xi32>
      %gt3A_548 = arith.cmpf ogt, %select_n3A_526, %select_n3A_546 : vector<64x128xf32>
      %eq3A_549 = arith.cmpf oeq, %select_n3A_526, %select_n3A_546 : vector<64x128xf32>
      %lt3A_550 = arith.cmpi slt, %select_n3A_527, %select_n3A_547 : vector<64x128xi32>
      %and3A_551 = arith.andi %eq3A_549, %lt3A_550 : vector<64x128xi1>
      %or3A_552 = arith.ori %gt3A_548, %and3A_551 : vector<64x128xi1>
      %and3A_553 = arith.constant 32 : i32
      %and3A_554 = vector.broadcast %and3A_553 : i32 to vector<64x128xi32>
      %and3A_555 = arith.andi %iota3A_45, %and3A_554 : vector<64x128xi32>
      %eq3A_556 = arith.constant 0 : i32
      %eq3A_557 = vector.broadcast %eq3A_556 : i32 to vector<64x128xi32>
      %eq3A_558 = arith.cmpi eq, %and3A_555, %eq3A_557 : vector<64x128xi32>
      %xor3A_559 = arith.xori %eq3A_558, %eq3A_545 : vector<64x128xi1>
      %xor3A_560 = arith.xori %or3A_552, %xor3A_559 : vector<64x128xi1>
      %select_n3A_561 = arith.select %xor3A_560, %select_n3A_526, %select_n3A_546 : vector<64x128xi1>, vector<64x128xf32>
      %select_n3A_562 = arith.select %xor3A_560, %select_n3A_527, %select_n3A_547 : vector<64x128xi1>, vector<64x128xi32>
      %slice3A_563 = vector.extract_strided_slice %select_n3A_561 {offsets = [0, 32], sizes = [64, 96], strides = [1, 1]} : vector<64x128xf32> to vector<64x96xf32>
      %slice3A_564 = vector.extract_strided_slice %select_n3A_561 {offsets = [0, 0], sizes = [64, 32], strides = [1, 1]} : vector<64x128xf32> to vector<64x32xf32>
      %concatenate3A_565 = tpu.concatenate %slice3A_563, %slice3A_564 in 1 : vector<64x96xf32>, vector<64x32xf32> -> vector<64x128xf32>
      %slice3A_566 = vector.extract_strided_slice %select_n3A_561 {offsets = [0, 96], sizes = [64, 32], strides = [1, 1]} : vector<64x128xf32> to vector<64x32xf32>
      %slice3A_567 = vector.extract_strided_slice %select_n3A_561 {offsets = [0, 0], sizes = [64, 96], strides = [1, 1]} : vector<64x128xf32> to vector<64x96xf32>
      %concatenate3A_568 = tpu.concatenate %slice3A_566, %slice3A_567 in 1 : vector<64x32xf32>, vector<64x96xf32> -> vector<64x128xf32>
      %slice3A_569 = vector.extract_strided_slice %select_n3A_562 {offsets = [0, 32], sizes = [64, 96], strides = [1, 1]} : vector<64x128xi32> to vector<64x96xi32>
      %slice3A_570 = vector.extract_strided_slice %select_n3A_562 {offsets = [0, 0], sizes = [64, 32], strides = [1, 1]} : vector<64x128xi32> to vector<64x32xi32>
      %concatenate3A_571 = tpu.concatenate %slice3A_569, %slice3A_570 in 1 : vector<64x96xi32>, vector<64x32xi32> -> vector<64x128xi32>
      %slice3A_572 = vector.extract_strided_slice %select_n3A_562 {offsets = [0, 96], sizes = [64, 32], strides = [1, 1]} : vector<64x128xi32> to vector<64x32xi32>
      %slice3A_573 = vector.extract_strided_slice %select_n3A_562 {offsets = [0, 0], sizes = [64, 96], strides = [1, 1]} : vector<64x128xi32> to vector<64x96xi32>
      %concatenate3A_574 = tpu.concatenate %slice3A_572, %slice3A_573 in 1 : vector<64x32xi32>, vector<64x96xi32> -> vector<64x128xi32>
      %and3A_575 = arith.constant 32 : i32
      %and3A_576 = vector.broadcast %and3A_575 : i32 to vector<64x128xi32>
      %and3A_577 = arith.andi %iota3A_45, %and3A_576 : vector<64x128xi32>
      %eq3A_578 = arith.constant 0 : i32
      %eq3A_579 = vector.broadcast %eq3A_578 : i32 to vector<64x128xi32>
      %eq3A_580 = arith.cmpi eq, %and3A_577, %eq3A_579 : vector<64x128xi32>
      %select_n3A_581 = arith.select %eq3A_580, %concatenate3A_565, %concatenate3A_568 : vector<64x128xi1>, vector<64x128xf32>
      %select_n3A_582 = arith.select %eq3A_580, %concatenate3A_571, %concatenate3A_574 : vector<64x128xi1>, vector<64x128xi32>
      %gt3A_583 = arith.cmpf ogt, %select_n3A_561, %select_n3A_581 : vector<64x128xf32>
      %eq3A_584 = arith.cmpf oeq, %select_n3A_561, %select_n3A_581 : vector<64x128xf32>
      %lt3A_585 = arith.cmpi slt, %select_n3A_562, %select_n3A_582 : vector<64x128xi32>
      %and3A_586 = arith.andi %eq3A_584, %lt3A_585 : vector<64x128xi1>
      %or3A_587 = arith.ori %gt3A_583, %and3A_586 : vector<64x128xi1>
      %and3A_588 = arith.constant 64 : i32
      %and3A_589 = vector.broadcast %and3A_588 : i32 to vector<64x128xi32>
      %and3A_590 = arith.andi %iota3A_45, %and3A_589 : vector<64x128xi32>
      %eq3A_591 = arith.constant 0 : i32
      %eq3A_592 = vector.broadcast %eq3A_591 : i32 to vector<64x128xi32>
      %eq3A_593 = arith.cmpi eq, %and3A_590, %eq3A_592 : vector<64x128xi32>
      %xor3A_594 = arith.xori %eq3A_593, %eq3A_580 : vector<64x128xi1>
      %xor3A_595 = arith.xori %or3A_587, %xor3A_594 : vector<64x128xi1>
      %select_n3A_596 = arith.select %xor3A_595, %select_n3A_561, %select_n3A_581 : vector<64x128xi1>, vector<64x128xf32>
      %select_n3A_597 = arith.select %xor3A_595, %select_n3A_562, %select_n3A_582 : vector<64x128xi1>, vector<64x128xi32>
      %slice3A_598 = vector.extract_strided_slice %select_n3A_596 {offsets = [0, 16], sizes = [64, 112], strides = [1, 1]} : vector<64x128xf32> to vector<64x112xf32>
      %slice3A_599 = vector.extract_strided_slice %select_n3A_596 {offsets = [0, 0], sizes = [64, 16], strides = [1, 1]} : vector<64x128xf32> to vector<64x16xf32>
      %concatenate3A_600 = tpu.concatenate %slice3A_598, %slice3A_599 in 1 : vector<64x112xf32>, vector<64x16xf32> -> vector<64x128xf32>
      %slice3A_601 = vector.extract_strided_slice %select_n3A_596 {offsets = [0, 112], sizes = [64, 16], strides = [1, 1]} : vector<64x128xf32> to vector<64x16xf32>
      %slice3A_602 = vector.extract_strided_slice %select_n3A_596 {offsets = [0, 0], sizes = [64, 112], strides = [1, 1]} : vector<64x128xf32> to vector<64x112xf32>
      %concatenate3A_603 = tpu.concatenate %slice3A_601, %slice3A_602 in 1 : vector<64x16xf32>, vector<64x112xf32> -> vector<64x128xf32>
      %slice3A_604 = vector.extract_strided_slice %select_n3A_597 {offsets = [0, 16], sizes = [64, 112], strides = [1, 1]} : vector<64x128xi32> to vector<64x112xi32>
      %slice3A_605 = vector.extract_strided_slice %select_n3A_597 {offsets = [0, 0], sizes = [64, 16], strides = [1, 1]} : vector<64x128xi32> to vector<64x16xi32>
      %concatenate3A_606 = tpu.concatenate %slice3A_604, %slice3A_605 in 1 : vector<64x112xi32>, vector<64x16xi32> -> vector<64x128xi32>
      %slice3A_607 = vector.extract_strided_slice %select_n3A_597 {offsets = [0, 112], sizes = [64, 16], strides = [1, 1]} : vector<64x128xi32> to vector<64x16xi32>
      %slice3A_608 = vector.extract_strided_slice %select_n3A_597 {offsets = [0, 0], sizes = [64, 112], strides = [1, 1]} : vector<64x128xi32> to vector<64x112xi32>
      %concatenate3A_609 = tpu.concatenate %slice3A_607, %slice3A_608 in 1 : vector<64x16xi32>, vector<64x112xi32> -> vector<64x128xi32>
      %and3A_610 = arith.constant 16 : i32
      %and3A_611 = vector.broadcast %and3A_610 : i32 to vector<64x128xi32>
      %and3A_612 = arith.andi %iota3A_45, %and3A_611 : vector<64x128xi32>
      %eq3A_613 = arith.constant 0 : i32
      %eq3A_614 = vector.broadcast %eq3A_613 : i32 to vector<64x128xi32>
      %eq3A_615 = arith.cmpi eq, %and3A_612, %eq3A_614 : vector<64x128xi32>
      %select_n3A_616 = arith.select %eq3A_615, %concatenate3A_600, %concatenate3A_603 : vector<64x128xi1>, vector<64x128xf32>
      %select_n3A_617 = arith.select %eq3A_615, %concatenate3A_606, %concatenate3A_609 : vector<64x128xi1>, vector<64x128xi32>
      %gt3A_618 = arith.cmpf ogt, %select_n3A_596, %select_n3A_616 : vector<64x128xf32>
      %eq3A_619 = arith.cmpf oeq, %select_n3A_596, %select_n3A_616 : vector<64x128xf32>
      %lt3A_620 = arith.cmpi slt, %select_n3A_597, %select_n3A_617 : vector<64x128xi32>
      %and3A_621 = arith.andi %eq3A_619, %lt3A_620 : vector<64x128xi1>
      %or3A_622 = arith.ori %gt3A_618, %and3A_621 : vector<64x128xi1>
      %and3A_623 = arith.constant 64 : i32
      %and3A_624 = vector.broadcast %and3A_623 : i32 to vector<64x128xi32>
      %and3A_625 = arith.andi %iota3A_45, %and3A_624 : vector<64x128xi32>
      %eq3A_626 = arith.constant 0 : i32
      %eq3A_627 = vector.broadcast %eq3A_626 : i32 to vector<64x128xi32>
      %eq3A_628 = arith.cmpi eq, %and3A_625, %eq3A_627 : vector<64x128xi32>
      %xor3A_629 = arith.xori %eq3A_628, %eq3A_615 : vector<64x128xi1>
      %xor3A_630 = arith.xori %or3A_622, %xor3A_629 : vector<64x128xi1>
      %select_n3A_631 = arith.select %xor3A_630, %select_n3A_596, %select_n3A_616 : vector<64x128xi1>, vector<64x128xf32>
      %select_n3A_632 = arith.select %xor3A_630, %select_n3A_597, %select_n3A_617 : vector<64x128xi1>, vector<64x128xi32>
      %slice3A_633 = vector.extract_strided_slice %select_n3A_631 {offsets = [0, 8], sizes = [64, 120], strides = [1, 1]} : vector<64x128xf32> to vector<64x120xf32>
      %slice3A_634 = vector.extract_strided_slice %select_n3A_631 {offsets = [0, 0], sizes = [64, 8], strides = [1, 1]} : vector<64x128xf32> to vector<64x8xf32>
      %concatenate3A_635 = tpu.concatenate %slice3A_633, %slice3A_634 in 1 : vector<64x120xf32>, vector<64x8xf32> -> vector<64x128xf32>
      %slice3A_636 = vector.extract_strided_slice %select_n3A_631 {offsets = [0, 120], sizes = [64, 8], strides = [1, 1]} : vector<64x128xf32> to vector<64x8xf32>
      %slice3A_637 = vector.extract_strided_slice %select_n3A_631 {offsets = [0, 0], sizes = [64, 120], strides = [1, 1]} : vector<64x128xf32> to vector<64x120xf32>
      %concatenate3A_638 = tpu.concatenate %slice3A_636, %slice3A_637 in 1 : vector<64x8xf32>, vector<64x120xf32> -> vector<64x128xf32>
      %slice3A_639 = vector.extract_strided_slice %select_n3A_632 {offsets = [0, 8], sizes = [64, 120], strides = [1, 1]} : vector<64x128xi32> to vector<64x120xi32>
      %slice3A_640 = vector.extract_strided_slice %select_n3A_632 {offsets = [0, 0], sizes = [64, 8], strides = [1, 1]} : vector<64x128xi32> to vector<64x8xi32>
      %concatenate3A_641 = tpu.concatenate %slice3A_639, %slice3A_640 in 1 : vector<64x120xi32>, vector<64x8xi32> -> vector<64x128xi32>
      %slice3A_642 = vector.extract_strided_slice %select_n3A_632 {offsets = [0, 120], sizes = [64, 8], strides = [1, 1]} : vector<64x128xi32> to vector<64x8xi32>
      %slice3A_643 = vector.extract_strided_slice %select_n3A_632 {offsets = [0, 0], sizes = [64, 120], strides = [1, 1]} : vector<64x128xi32> to vector<64x120xi32>
      %concatenate3A_644 = tpu.concatenate %slice3A_642, %slice3A_643 in 1 : vector<64x8xi32>, vector<64x120xi32> -> vector<64x128xi32>
      %and3A_645 = arith.constant 8 : i32
      %and3A_646 = vector.broadcast %and3A_645 : i32 to vector<64x128xi32>
      %and3A_647 = arith.andi %iota3A_45, %and3A_646 : vector<64x128xi32>
      %eq3A_648 = arith.constant 0 : i32
      %eq3A_649 = vector.broadcast %eq3A_648 : i32 to vector<64x128xi32>
      %eq3A_650 = arith.cmpi eq, %and3A_647, %eq3A_649 : vector<64x128xi32>
      %select_n3A_651 = arith.select %eq3A_650, %concatenate3A_635, %concatenate3A_638 : vector<64x128xi1>, vector<64x128xf32>
      %select_n3A_652 = arith.select %eq3A_650, %concatenate3A_641, %concatenate3A_644 : vector<64x128xi1>, vector<64x128xi32>
      %gt3A_653 = arith.cmpf ogt, %select_n3A_631, %select_n3A_651 : vector<64x128xf32>
      %eq3A_654 = arith.cmpf oeq, %select_n3A_631, %select_n3A_651 : vector<64x128xf32>
      %lt3A_655 = arith.cmpi slt, %select_n3A_632, %select_n3A_652 : vector<64x128xi32>
      %and3A_656 = arith.andi %eq3A_654, %lt3A_655 : vector<64x128xi1>
      %or3A_657 = arith.ori %gt3A_653, %and3A_656 : vector<64x128xi1>
      %and3A_658 = arith.constant 64 : i32
      %and3A_659 = vector.broadcast %and3A_658 : i32 to vector<64x128xi32>
      %and3A_660 = arith.andi %iota3A_45, %and3A_659 : vector<64x128xi32>
      %eq3A_661 = arith.constant 0 : i32
      %eq3A_662 = vector.broadcast %eq3A_661 : i32 to vector<64x128xi32>
      %eq3A_663 = arith.cmpi eq, %and3A_660, %eq3A_662 : vector<64x128xi32>
      %xor3A_664 = arith.xori %eq3A_663, %eq3A_650 : vector<64x128xi1>
      %xor3A_665 = arith.xori %or3A_657, %xor3A_664 : vector<64x128xi1>
      %select_n3A_666 = arith.select %xor3A_665, %select_n3A_631, %select_n3A_651 : vector<64x128xi1>, vector<64x128xf32>
      %select_n3A_667 = arith.select %xor3A_665, %select_n3A_632, %select_n3A_652 : vector<64x128xi1>, vector<64x128xi32>
      %slice3A_668 = vector.extract_strided_slice %select_n3A_666 {offsets = [0, 4], sizes = [64, 124], strides = [1, 1]} : vector<64x128xf32> to vector<64x124xf32>
      %slice3A_669 = vector.extract_strided_slice %select_n3A_666 {offsets = [0, 0], sizes = [64, 4], strides = [1, 1]} : vector<64x128xf32> to vector<64x4xf32>
      %concatenate3A_670 = tpu.concatenate %slice3A_668, %slice3A_669 in 1 : vector<64x124xf32>, vector<64x4xf32> -> vector<64x128xf32>
      %slice3A_671 = vector.extract_strided_slice %select_n3A_666 {offsets = [0, 124], sizes = [64, 4], strides = [1, 1]} : vector<64x128xf32> to vector<64x4xf32>
      %slice3A_672 = vector.extract_strided_slice %select_n3A_666 {offsets = [0, 0], sizes = [64, 124], strides = [1, 1]} : vector<64x128xf32> to vector<64x124xf32>
      %concatenate3A_673 = tpu.concatenate %slice3A_671, %slice3A_672 in 1 : vector<64x4xf32>, vector<64x124xf32> -> vector<64x128xf32>
      %slice3A_674 = vector.extract_strided_slice %select_n3A_667 {offsets = [0, 4], sizes = [64, 124], strides = [1, 1]} : vector<64x128xi32> to vector<64x124xi32>
      %slice3A_675 = vector.extract_strided_slice %select_n3A_667 {offsets = [0, 0], sizes = [64, 4], strides = [1, 1]} : vector<64x128xi32> to vector<64x4xi32>
      %concatenate3A_676 = tpu.concatenate %slice3A_674, %slice3A_675 in 1 : vector<64x124xi32>, vector<64x4xi32> -> vector<64x128xi32>
      %slice3A_677 = vector.extract_strided_slice %select_n3A_667 {offsets = [0, 124], sizes = [64, 4], strides = [1, 1]} : vector<64x128xi32> to vector<64x4xi32>
      %slice3A_678 = vector.extract_strided_slice %select_n3A_667 {offsets = [0, 0], sizes = [64, 124], strides = [1, 1]} : vector<64x128xi32> to vector<64x124xi32>
      %concatenate3A_679 = tpu.concatenate %slice3A_677, %slice3A_678 in 1 : vector<64x4xi32>, vector<64x124xi32> -> vector<64x128xi32>
      %and3A_680 = arith.constant 4 : i32
      %and3A_681 = vector.broadcast %and3A_680 : i32 to vector<64x128xi32>
      %and3A_682 = arith.andi %iota3A_45, %and3A_681 : vector<64x128xi32>
      %eq3A_683 = arith.constant 0 : i32
      %eq3A_684 = vector.broadcast %eq3A_683 : i32 to vector<64x128xi32>
      %eq3A_685 = arith.cmpi eq, %and3A_682, %eq3A_684 : vector<64x128xi32>
      %select_n3A_686 = arith.select %eq3A_685, %concatenate3A_670, %concatenate3A_673 : vector<64x128xi1>, vector<64x128xf32>
      %select_n3A_687 = arith.select %eq3A_685, %concatenate3A_676, %concatenate3A_679 : vector<64x128xi1>, vector<64x128xi32>
      %gt3A_688 = arith.cmpf ogt, %select_n3A_666, %select_n3A_686 : vector<64x128xf32>
      %eq3A_689 = arith.cmpf oeq, %select_n3A_666, %select_n3A_686 : vector<64x128xf32>
      %lt3A_690 = arith.cmpi slt, %select_n3A_667, %select_n3A_687 : vector<64x128xi32>
      %and3A_691 = arith.andi %eq3A_689, %lt3A_690 : vector<64x128xi1>
      %or3A_692 = arith.ori %gt3A_688, %and3A_691 : vector<64x128xi1>
      %and3A_693 = arith.constant 64 : i32
      %and3A_694 = vector.broadcast %and3A_693 : i32 to vector<64x128xi32>
      %and3A_695 = arith.andi %iota3A_45, %and3A_694 : vector<64x128xi32>
      %eq3A_696 = arith.constant 0 : i32
      %eq3A_697 = vector.broadcast %eq3A_696 : i32 to vector<64x128xi32>
      %eq3A_698 = arith.cmpi eq, %and3A_695, %eq3A_697 : vector<64x128xi32>
      %xor3A_699 = arith.xori %eq3A_698, %eq3A_685 : vector<64x128xi1>
      %xor3A_700 = arith.xori %or3A_692, %xor3A_699 : vector<64x128xi1>
      %select_n3A_701 = arith.select %xor3A_700, %select_n3A_666, %select_n3A_686 : vector<64x128xi1>, vector<64x128xf32>
      %select_n3A_702 = arith.select %xor3A_700, %select_n3A_667, %select_n3A_687 : vector<64x128xi1>, vector<64x128xi32>
      %slice3A_703 = vector.extract_strided_slice %select_n3A_701 {offsets = [0, 2], sizes = [64, 126], strides = [1, 1]} : vector<64x128xf32> to vector<64x126xf32>
      %slice3A_704 = vector.extract_strided_slice %select_n3A_701 {offsets = [0, 0], sizes = [64, 2], strides = [1, 1]} : vector<64x128xf32> to vector<64x2xf32>
      %concatenate3A_705 = tpu.concatenate %slice3A_703, %slice3A_704 in 1 : vector<64x126xf32>, vector<64x2xf32> -> vector<64x128xf32>
      %slice3A_706 = vector.extract_strided_slice %select_n3A_701 {offsets = [0, 126], sizes = [64, 2], strides = [1, 1]} : vector<64x128xf32> to vector<64x2xf32>
      %slice3A_707 = vector.extract_strided_slice %select_n3A_701 {offsets = [0, 0], sizes = [64, 126], strides = [1, 1]} : vector<64x128xf32> to vector<64x126xf32>
      %concatenate3A_708 = tpu.concatenate %slice3A_706, %slice3A_707 in 1 : vector<64x2xf32>, vector<64x126xf32> -> vector<64x128xf32>
      %slice3A_709 = vector.extract_strided_slice %select_n3A_702 {offsets = [0, 2], sizes = [64, 126], strides = [1, 1]} : vector<64x128xi32> to vector<64x126xi32>
      %slice3A_710 = vector.extract_strided_slice %select_n3A_702 {offsets = [0, 0], sizes = [64, 2], strides = [1, 1]} : vector<64x128xi32> to vector<64x2xi32>
      %concatenate3A_711 = tpu.concatenate %slice3A_709, %slice3A_710 in 1 : vector<64x126xi32>, vector<64x2xi32> -> vector<64x128xi32>
      %slice3A_712 = vector.extract_strided_slice %select_n3A_702 {offsets = [0, 126], sizes = [64, 2], strides = [1, 1]} : vector<64x128xi32> to vector<64x2xi32>
      %slice3A_713 = vector.extract_strided_slice %select_n3A_702 {offsets = [0, 0], sizes = [64, 126], strides = [1, 1]} : vector<64x128xi32> to vector<64x126xi32>
      %concatenate3A_714 = tpu.concatenate %slice3A_712, %slice3A_713 in 1 : vector<64x2xi32>, vector<64x126xi32> -> vector<64x128xi32>
      %and3A_715 = arith.constant 2 : i32
      %and3A_716 = vector.broadcast %and3A_715 : i32 to vector<64x128xi32>
      %and3A_717 = arith.andi %iota3A_45, %and3A_716 : vector<64x128xi32>
      %eq3A_718 = arith.constant 0 : i32
      %eq3A_719 = vector.broadcast %eq3A_718 : i32 to vector<64x128xi32>
      %eq3A_720 = arith.cmpi eq, %and3A_717, %eq3A_719 : vector<64x128xi32>
      %select_n3A_721 = arith.select %eq3A_720, %concatenate3A_705, %concatenate3A_708 : vector<64x128xi1>, vector<64x128xf32>
      %select_n3A_722 = arith.select %eq3A_720, %concatenate3A_711, %concatenate3A_714 : vector<64x128xi1>, vector<64x128xi32>
      %gt3A_723 = arith.cmpf ogt, %select_n3A_701, %select_n3A_721 : vector<64x128xf32>
      %eq3A_724 = arith.cmpf oeq, %select_n3A_701, %select_n3A_721 : vector<64x128xf32>
      %lt3A_725 = arith.cmpi slt, %select_n3A_702, %select_n3A_722 : vector<64x128xi32>
      %and3A_726 = arith.andi %eq3A_724, %lt3A_725 : vector<64x128xi1>
      %or3A_727 = arith.ori %gt3A_723, %and3A_726 : vector<64x128xi1>
      %and3A_728 = arith.constant 64 : i32
      %and3A_729 = vector.broadcast %and3A_728 : i32 to vector<64x128xi32>
      %and3A_730 = arith.andi %iota3A_45, %and3A_729 : vector<64x128xi32>
      %eq3A_731 = arith.constant 0 : i32
      %eq3A_732 = vector.broadcast %eq3A_731 : i32 to vector<64x128xi32>
      %eq3A_733 = arith.cmpi eq, %and3A_730, %eq3A_732 : vector<64x128xi32>
      %xor3A_734 = arith.xori %eq3A_733, %eq3A_720 : vector<64x128xi1>
      %xor3A_735 = arith.xori %or3A_727, %xor3A_734 : vector<64x128xi1>
      %select_n3A_736 = arith.select %xor3A_735, %select_n3A_701, %select_n3A_721 : vector<64x128xi1>, vector<64x128xf32>
      %select_n3A_737 = arith.select %xor3A_735, %select_n3A_702, %select_n3A_722 : vector<64x128xi1>, vector<64x128xi32>
      %slice3A_738 = vector.extract_strided_slice %select_n3A_736 {offsets = [0, 1], sizes = [64, 127], strides = [1, 1]} : vector<64x128xf32> to vector<64x127xf32>
      %slice3A_739 = vector.extract_strided_slice %select_n3A_736 {offsets = [0, 0], sizes = [64, 1], strides = [1, 1]} : vector<64x128xf32> to vector<64x1xf32>
      %concatenate3A_740 = tpu.concatenate %slice3A_738, %slice3A_739 in 1 : vector<64x127xf32>, vector<64x1xf32> -> vector<64x128xf32>
      %slice3A_741 = vector.extract_strided_slice %select_n3A_736 {offsets = [0, 127], sizes = [64, 1], strides = [1, 1]} : vector<64x128xf32> to vector<64x1xf32>
      %slice3A_742 = vector.extract_strided_slice %select_n3A_736 {offsets = [0, 0], sizes = [64, 127], strides = [1, 1]} : vector<64x128xf32> to vector<64x127xf32>
      %concatenate3A_743 = tpu.concatenate %slice3A_741, %slice3A_742 in 1 : vector<64x1xf32>, vector<64x127xf32> -> vector<64x128xf32>
      %slice3A_744 = vector.extract_strided_slice %select_n3A_737 {offsets = [0, 1], sizes = [64, 127], strides = [1, 1]} : vector<64x128xi32> to vector<64x127xi32>
      %slice3A_745 = vector.extract_strided_slice %select_n3A_737 {offsets = [0, 0], sizes = [64, 1], strides = [1, 1]} : vector<64x128xi32> to vector<64x1xi32>
      %concatenate3A_746 = tpu.concatenate %slice3A_744, %slice3A_745 in 1 : vector<64x127xi32>, vector<64x1xi32> -> vector<64x128xi32>
      %slice3A_747 = vector.extract_strided_slice %select_n3A_737 {offsets = [0, 127], sizes = [64, 1], strides = [1, 1]} : vector<64x128xi32> to vector<64x1xi32>
      %slice3A_748 = vector.extract_strided_slice %select_n3A_737 {offsets = [0, 0], sizes = [64, 127], strides = [1, 1]} : vector<64x128xi32> to vector<64x127xi32>
      %concatenate3A_749 = tpu.concatenate %slice3A_747, %slice3A_748 in 1 : vector<64x1xi32>, vector<64x127xi32> -> vector<64x128xi32>
      %and3A_750 = arith.constant 1 : i32
      %and3A_751 = vector.broadcast %and3A_750 : i32 to vector<64x128xi32>
      %and3A_752 = arith.andi %iota3A_45, %and3A_751 : vector<64x128xi32>
      %eq3A_753 = arith.constant 0 : i32
      %eq3A_754 = vector.broadcast %eq3A_753 : i32 to vector<64x128xi32>
      %eq3A_755 = arith.cmpi eq, %and3A_752, %eq3A_754 : vector<64x128xi32>
      %select_n3A_756 = arith.select %eq3A_755, %concatenate3A_740, %concatenate3A_743 : vector<64x128xi1>, vector<64x128xf32>
      %select_n3A_757 = arith.select %eq3A_755, %concatenate3A_746, %concatenate3A_749 : vector<64x128xi1>, vector<64x128xi32>
      %gt3A_758 = arith.cmpf ogt, %select_n3A_736, %select_n3A_756 : vector<64x128xf32>
      %eq3A_759 = arith.cmpf oeq, %select_n3A_736, %select_n3A_756 : vector<64x128xf32>
      %lt3A_760 = arith.cmpi slt, %select_n3A_737, %select_n3A_757 : vector<64x128xi32>
      %and3A_761 = arith.andi %eq3A_759, %lt3A_760 : vector<64x128xi1>
      %or3A_762 = arith.ori %gt3A_758, %and3A_761 : vector<64x128xi1>
      %and3A_763 = arith.constant 64 : i32
      %and3A_764 = vector.broadcast %and3A_763 : i32 to vector<64x128xi32>
      %and3A_765 = arith.andi %iota3A_45, %and3A_764 : vector<64x128xi32>
      %eq3A_766 = arith.constant 0 : i32
      %eq3A_767 = vector.broadcast %eq3A_766 : i32 to vector<64x128xi32>
      %eq3A_768 = arith.cmpi eq, %and3A_765, %eq3A_767 : vector<64x128xi32>
      %xor3A_769 = arith.xori %eq3A_768, %eq3A_755 : vector<64x128xi1>
      %xor3A_770 = arith.xori %or3A_762, %xor3A_769 : vector<64x128xi1>
      %select_n3A_771 = arith.select %xor3A_770, %select_n3A_736, %select_n3A_756 : vector<64x128xi1>, vector<64x128xf32>
      %select_n3A_772 = arith.select %xor3A_770, %select_n3A_737, %select_n3A_757 : vector<64x128xi1>, vector<64x128xi32>
      %slice3A_773 = vector.extract_strided_slice %select_n3A_771 {offsets = [0, 64], sizes = [64, 64], strides = [1, 1]} : vector<64x128xf32> to vector<64x64xf32>
      %slice3A_774 = vector.extract_strided_slice %select_n3A_771 {offsets = [0, 0], sizes = [64, 64], strides = [1, 1]} : vector<64x128xf32> to vector<64x64xf32>
      %concatenate3A_775 = tpu.concatenate %slice3A_773, %slice3A_774 in 1 : vector<64x64xf32>, vector<64x64xf32> -> vector<64x128xf32>
      %slice3A_776 = vector.extract_strided_slice %select_n3A_771 {offsets = [0, 64], sizes = [64, 64], strides = [1, 1]} : vector<64x128xf32> to vector<64x64xf32>
      %slice3A_777 = vector.extract_strided_slice %select_n3A_771 {offsets = [0, 0], sizes = [64, 64], strides = [1, 1]} : vector<64x128xf32> to vector<64x64xf32>
      %concatenate3A_778 = tpu.concatenate %slice3A_776, %slice3A_777 in 1 : vector<64x64xf32>, vector<64x64xf32> -> vector<64x128xf32>
      %slice3A_779 = vector.extract_strided_slice %select_n3A_772 {offsets = [0, 64], sizes = [64, 64], strides = [1, 1]} : vector<64x128xi32> to vector<64x64xi32>
      %slice3A_780 = vector.extract_strided_slice %select_n3A_772 {offsets = [0, 0], sizes = [64, 64], strides = [1, 1]} : vector<64x128xi32> to vector<64x64xi32>
      %concatenate3A_781 = tpu.concatenate %slice3A_779, %slice3A_780 in 1 : vector<64x64xi32>, vector<64x64xi32> -> vector<64x128xi32>
      %slice3A_782 = vector.extract_strided_slice %select_n3A_772 {offsets = [0, 64], sizes = [64, 64], strides = [1, 1]} : vector<64x128xi32> to vector<64x64xi32>
      %slice3A_783 = vector.extract_strided_slice %select_n3A_772 {offsets = [0, 0], sizes = [64, 64], strides = [1, 1]} : vector<64x128xi32> to vector<64x64xi32>
      %concatenate3A_784 = tpu.concatenate %slice3A_782, %slice3A_783 in 1 : vector<64x64xi32>, vector<64x64xi32> -> vector<64x128xi32>
      %and3A_785 = arith.constant 64 : i32
      %and3A_786 = vector.broadcast %and3A_785 : i32 to vector<64x128xi32>
      %and3A_787 = arith.andi %iota3A_45, %and3A_786 : vector<64x128xi32>
      %eq3A_788 = arith.constant 0 : i32
      %eq3A_789 = vector.broadcast %eq3A_788 : i32 to vector<64x128xi32>
      %eq3A_790 = arith.cmpi eq, %and3A_787, %eq3A_789 : vector<64x128xi32>
      %select_n3A_791 = arith.select %eq3A_790, %concatenate3A_775, %concatenate3A_778 : vector<64x128xi1>, vector<64x128xf32>
      %select_n3A_792 = arith.select %eq3A_790, %concatenate3A_781, %concatenate3A_784 : vector<64x128xi1>, vector<64x128xi32>
      %gt3A_793 = arith.cmpf ogt, %select_n3A_771, %select_n3A_791 : vector<64x128xf32>
      %eq3A_794 = arith.cmpf oeq, %select_n3A_771, %select_n3A_791 : vector<64x128xf32>
      %lt3A_795 = arith.cmpi slt, %select_n3A_772, %select_n3A_792 : vector<64x128xi32>
      %and3A_796 = arith.andi %eq3A_794, %lt3A_795 : vector<64x128xi1>
      %or3A_797 = arith.ori %gt3A_793, %and3A_796 : vector<64x128xi1>
      %and3A_798 = arith.constant 128 : i32
      %and3A_799 = vector.broadcast %and3A_798 : i32 to vector<64x128xi32>
      %and3A_800 = arith.andi %iota3A_45, %and3A_799 : vector<64x128xi32>
      %eq3A_801 = arith.constant 0 : i32
      %eq3A_802 = vector.broadcast %eq3A_801 : i32 to vector<64x128xi32>
      %eq3A_803 = arith.cmpi eq, %and3A_800, %eq3A_802 : vector<64x128xi32>
      %xor3A_804 = arith.xori %eq3A_803, %eq3A_790 : vector<64x128xi1>
      %xor3A_805 = arith.xori %or3A_797, %xor3A_804 : vector<64x128xi1>
      %select_n3A_806 = arith.select %xor3A_805, %select_n3A_771, %select_n3A_791 : vector<64x128xi1>, vector<64x128xf32>
      %select_n3A_807 = arith.select %xor3A_805, %select_n3A_772, %select_n3A_792 : vector<64x128xi1>, vector<64x128xi32>
      %slice3A_808 = vector.extract_strided_slice %select_n3A_806 {offsets = [0, 32], sizes = [64, 96], strides = [1, 1]} : vector<64x128xf32> to vector<64x96xf32>
      %slice3A_809 = vector.extract_strided_slice %select_n3A_806 {offsets = [0, 0], sizes = [64, 32], strides = [1, 1]} : vector<64x128xf32> to vector<64x32xf32>
      %concatenate3A_810 = tpu.concatenate %slice3A_808, %slice3A_809 in 1 : vector<64x96xf32>, vector<64x32xf32> -> vector<64x128xf32>
      %slice3A_811 = vector.extract_strided_slice %select_n3A_806 {offsets = [0, 96], sizes = [64, 32], strides = [1, 1]} : vector<64x128xf32> to vector<64x32xf32>
      %slice3A_812 = vector.extract_strided_slice %select_n3A_806 {offsets = [0, 0], sizes = [64, 96], strides = [1, 1]} : vector<64x128xf32> to vector<64x96xf32>
      %concatenate3A_813 = tpu.concatenate %slice3A_811, %slice3A_812 in 1 : vector<64x32xf32>, vector<64x96xf32> -> vector<64x128xf32>
      %slice3A_814 = vector.extract_strided_slice %select_n3A_807 {offsets = [0, 32], sizes = [64, 96], strides = [1, 1]} : vector<64x128xi32> to vector<64x96xi32>
      %slice3A_815 = vector.extract_strided_slice %select_n3A_807 {offsets = [0, 0], sizes = [64, 32], strides = [1, 1]} : vector<64x128xi32> to vector<64x32xi32>
      %concatenate3A_816 = tpu.concatenate %slice3A_814, %slice3A_815 in 1 : vector<64x96xi32>, vector<64x32xi32> -> vector<64x128xi32>
      %slice3A_817 = vector.extract_strided_slice %select_n3A_807 {offsets = [0, 96], sizes = [64, 32], strides = [1, 1]} : vector<64x128xi32> to vector<64x32xi32>
      %slice3A_818 = vector.extract_strided_slice %select_n3A_807 {offsets = [0, 0], sizes = [64, 96], strides = [1, 1]} : vector<64x128xi32> to vector<64x96xi32>
      %concatenate3A_819 = tpu.concatenate %slice3A_817, %slice3A_818 in 1 : vector<64x32xi32>, vector<64x96xi32> -> vector<64x128xi32>
      %and3A_820 = arith.constant 32 : i32
      %and3A_821 = vector.broadcast %and3A_820 : i32 to vector<64x128xi32>
      %and3A_822 = arith.andi %iota3A_45, %and3A_821 : vector<64x128xi32>
      %eq3A_823 = arith.constant 0 : i32
      %eq3A_824 = vector.broadcast %eq3A_823 : i32 to vector<64x128xi32>
      %eq3A_825 = arith.cmpi eq, %and3A_822, %eq3A_824 : vector<64x128xi32>
      %select_n3A_826 = arith.select %eq3A_825, %concatenate3A_810, %concatenate3A_813 : vector<64x128xi1>, vector<64x128xf32>
      %select_n3A_827 = arith.select %eq3A_825, %concatenate3A_816, %concatenate3A_819 : vector<64x128xi1>, vector<64x128xi32>
      %gt3A_828 = arith.cmpf ogt, %select_n3A_806, %select_n3A_826 : vector<64x128xf32>
      %eq3A_829 = arith.cmpf oeq, %select_n3A_806, %select_n3A_826 : vector<64x128xf32>
      %lt3A_830 = arith.cmpi slt, %select_n3A_807, %select_n3A_827 : vector<64x128xi32>
      %and3A_831 = arith.andi %eq3A_829, %lt3A_830 : vector<64x128xi1>
      %or3A_832 = arith.ori %gt3A_828, %and3A_831 : vector<64x128xi1>
      %and3A_833 = arith.constant 128 : i32
      %and3A_834 = vector.broadcast %and3A_833 : i32 to vector<64x128xi32>
      %and3A_835 = arith.andi %iota3A_45, %and3A_834 : vector<64x128xi32>
      %eq3A_836 = arith.constant 0 : i32
      %eq3A_837 = vector.broadcast %eq3A_836 : i32 to vector<64x128xi32>
      %eq3A_838 = arith.cmpi eq, %and3A_835, %eq3A_837 : vector<64x128xi32>
      %xor3A_839 = arith.xori %eq3A_838, %eq3A_825 : vector<64x128xi1>
      %xor3A_840 = arith.xori %or3A_832, %xor3A_839 : vector<64x128xi1>
      %select_n3A_841 = arith.select %xor3A_840, %select_n3A_806, %select_n3A_826 : vector<64x128xi1>, vector<64x128xf32>
      %select_n3A_842 = arith.select %xor3A_840, %select_n3A_807, %select_n3A_827 : vector<64x128xi1>, vector<64x128xi32>
      %slice3A_843 = vector.extract_strided_slice %select_n3A_841 {offsets = [0, 16], sizes = [64, 112], strides = [1, 1]} : vector<64x128xf32> to vector<64x112xf32>
      %slice3A_844 = vector.extract_strided_slice %select_n3A_841 {offsets = [0, 0], sizes = [64, 16], strides = [1, 1]} : vector<64x128xf32> to vector<64x16xf32>
      %concatenate3A_845 = tpu.concatenate %slice3A_843, %slice3A_844 in 1 : vector<64x112xf32>, vector<64x16xf32> -> vector<64x128xf32>
      %slice3A_846 = vector.extract_strided_slice %select_n3A_841 {offsets = [0, 112], sizes = [64, 16], strides = [1, 1]} : vector<64x128xf32> to vector<64x16xf32>
      %slice3A_847 = vector.extract_strided_slice %select_n3A_841 {offsets = [0, 0], sizes = [64, 112], strides = [1, 1]} : vector<64x128xf32> to vector<64x112xf32>
      %concatenate3A_848 = tpu.concatenate %slice3A_846, %slice3A_847 in 1 : vector<64x16xf32>, vector<64x112xf32> -> vector<64x128xf32>
      %slice3A_849 = vector.extract_strided_slice %select_n3A_842 {offsets = [0, 16], sizes = [64, 112], strides = [1, 1]} : vector<64x128xi32> to vector<64x112xi32>
      %slice3A_850 = vector.extract_strided_slice %select_n3A_842 {offsets = [0, 0], sizes = [64, 16], strides = [1, 1]} : vector<64x128xi32> to vector<64x16xi32>
      %concatenate3A_851 = tpu.concatenate %slice3A_849, %slice3A_850 in 1 : vector<64x112xi32>, vector<64x16xi32> -> vector<64x128xi32>
      %slice3A_852 = vector.extract_strided_slice %select_n3A_842 {offsets = [0, 112], sizes = [64, 16], strides = [1, 1]} : vector<64x128xi32> to vector<64x16xi32>
      %slice3A_853 = vector.extract_strided_slice %select_n3A_842 {offsets = [0, 0], sizes = [64, 112], strides = [1, 1]} : vector<64x128xi32> to vector<64x112xi32>
      %concatenate3A_854 = tpu.concatenate %slice3A_852, %slice3A_853 in 1 : vector<64x16xi32>, vector<64x112xi32> -> vector<64x128xi32>
      %and3A_855 = arith.constant 16 : i32
      %and3A_856 = vector.broadcast %and3A_855 : i32 to vector<64x128xi32>
      %and3A_857 = arith.andi %iota3A_45, %and3A_856 : vector<64x128xi32>
      %eq3A_858 = arith.constant 0 : i32
      %eq3A_859 = vector.broadcast %eq3A_858 : i32 to vector<64x128xi32>
      %eq3A_860 = arith.cmpi eq, %and3A_857, %eq3A_859 : vector<64x128xi32>
      %select_n3A_861 = arith.select %eq3A_860, %concatenate3A_845, %concatenate3A_848 : vector<64x128xi1>, vector<64x128xf32>
      %select_n3A_862 = arith.select %eq3A_860, %concatenate3A_851, %concatenate3A_854 : vector<64x128xi1>, vector<64x128xi32>
      %gt3A_863 = arith.cmpf ogt, %select_n3A_841, %select_n3A_861 : vector<64x128xf32>
      %eq3A_864 = arith.cmpf oeq, %select_n3A_841, %select_n3A_861 : vector<64x128xf32>
      %lt3A_865 = arith.cmpi slt, %select_n3A_842, %select_n3A_862 : vector<64x128xi32>
      %and3A_866 = arith.andi %eq3A_864, %lt3A_865 : vector<64x128xi1>
      %or3A_867 = arith.ori %gt3A_863, %and3A_866 : vector<64x128xi1>
      %and3A_868 = arith.constant 128 : i32
      %and3A_869 = vector.broadcast %and3A_868 : i32 to vector<64x128xi32>
      %and3A_870 = arith.andi %iota3A_45, %and3A_869 : vector<64x128xi32>
      %eq3A_871 = arith.constant 0 : i32
      %eq3A_872 = vector.broadcast %eq3A_871 : i32 to vector<64x128xi32>
      %eq3A_873 = arith.cmpi eq, %and3A_870, %eq3A_872 : vector<64x128xi32>
      %xor3A_874 = arith.xori %eq3A_873, %eq3A_860 : vector<64x128xi1>
      %xor3A_875 = arith.xori %or3A_867, %xor3A_874 : vector<64x128xi1>
      %select_n3A_876 = arith.select %xor3A_875, %select_n3A_841, %select_n3A_861 : vector<64x128xi1>, vector<64x128xf32>
      %select_n3A_877 = arith.select %xor3A_875, %select_n3A_842, %select_n3A_862 : vector<64x128xi1>, vector<64x128xi32>
      %slice3A_878 = vector.extract_strided_slice %select_n3A_876 {offsets = [0, 8], sizes = [64, 120], strides = [1, 1]} : vector<64x128xf32> to vector<64x120xf32>
      %slice3A_879 = vector.extract_strided_slice %select_n3A_876 {offsets = [0, 0], sizes = [64, 8], strides = [1, 1]} : vector<64x128xf32> to vector<64x8xf32>
      %concatenate3A_880 = tpu.concatenate %slice3A_878, %slice3A_879 in 1 : vector<64x120xf32>, vector<64x8xf32> -> vector<64x128xf32>
      %slice3A_881 = vector.extract_strided_slice %select_n3A_876 {offsets = [0, 120], sizes = [64, 8], strides = [1, 1]} : vector<64x128xf32> to vector<64x8xf32>
      %slice3A_882 = vector.extract_strided_slice %select_n3A_876 {offsets = [0, 0], sizes = [64, 120], strides = [1, 1]} : vector<64x128xf32> to vector<64x120xf32>
      %concatenate3A_883 = tpu.concatenate %slice3A_881, %slice3A_882 in 1 : vector<64x8xf32>, vector<64x120xf32> -> vector<64x128xf32>
      %slice3A_884 = vector.extract_strided_slice %select_n3A_877 {offsets = [0, 8], sizes = [64, 120], strides = [1, 1]} : vector<64x128xi32> to vector<64x120xi32>
      %slice3A_885 = vector.extract_strided_slice %select_n3A_877 {offsets = [0, 0], sizes = [64, 8], strides = [1, 1]} : vector<64x128xi32> to vector<64x8xi32>
      %concatenate3A_886 = tpu.concatenate %slice3A_884, %slice3A_885 in 1 : vector<64x120xi32>, vector<64x8xi32> -> vector<64x128xi32>
      %slice3A_887 = vector.extract_strided_slice %select_n3A_877 {offsets = [0, 120], sizes = [64, 8], strides = [1, 1]} : vector<64x128xi32> to vector<64x8xi32>
      %slice3A_888 = vector.extract_strided_slice %select_n3A_877 {offsets = [0, 0], sizes = [64, 120], strides = [1, 1]} : vector<64x128xi32> to vector<64x120xi32>
      %concatenate3A_889 = tpu.concatenate %slice3A_887, %slice3A_888 in 1 : vector<64x8xi32>, vector<64x120xi32> -> vector<64x128xi32>
      %and3A_890 = arith.constant 8 : i32
      %and3A_891 = vector.broadcast %and3A_890 : i32 to vector<64x128xi32>
      %and3A_892 = arith.andi %iota3A_45, %and3A_891 : vector<64x128xi32>
      %eq3A_893 = arith.constant 0 : i32
      %eq3A_894 = vector.broadcast %eq3A_893 : i32 to vector<64x128xi32>
      %eq3A_895 = arith.cmpi eq, %and3A_892, %eq3A_894 : vector<64x128xi32>
      %select_n3A_896 = arith.select %eq3A_895, %concatenate3A_880, %concatenate3A_883 : vector<64x128xi1>, vector<64x128xf32>
      %select_n3A_897 = arith.select %eq3A_895, %concatenate3A_886, %concatenate3A_889 : vector<64x128xi1>, vector<64x128xi32>
      %gt3A_898 = arith.cmpf ogt, %select_n3A_876, %select_n3A_896 : vector<64x128xf32>
      %eq3A_899 = arith.cmpf oeq, %select_n3A_876, %select_n3A_896 : vector<64x128xf32>
      %lt3A_900 = arith.cmpi slt, %select_n3A_877, %select_n3A_897 : vector<64x128xi32>
      %and3A_901 = arith.andi %eq3A_899, %lt3A_900 : vector<64x128xi1>
      %or3A_902 = arith.ori %gt3A_898, %and3A_901 : vector<64x128xi1>
      %and3A_903 = arith.constant 128 : i32
      %and3A_904 = vector.broadcast %and3A_903 : i32 to vector<64x128xi32>
      %and3A_905 = arith.andi %iota3A_45, %and3A_904 : vector<64x128xi32>
      %eq3A_906 = arith.constant 0 : i32
      %eq3A_907 = vector.broadcast %eq3A_906 : i32 to vector<64x128xi32>
      %eq3A_908 = arith.cmpi eq, %and3A_905, %eq3A_907 : vector<64x128xi32>
      %xor3A_909 = arith.xori %eq3A_908, %eq3A_895 : vector<64x128xi1>
      %xor3A_910 = arith.xori %or3A_902, %xor3A_909 : vector<64x128xi1>
      %select_n3A_911 = arith.select %xor3A_910, %select_n3A_876, %select_n3A_896 : vector<64x128xi1>, vector<64x128xf32>
      %select_n3A_912 = arith.select %xor3A_910, %select_n3A_877, %select_n3A_897 : vector<64x128xi1>, vector<64x128xi32>
      %slice3A_913 = vector.extract_strided_slice %select_n3A_911 {offsets = [0, 4], sizes = [64, 124], strides = [1, 1]} : vector<64x128xf32> to vector<64x124xf32>
      %slice3A_914 = vector.extract_strided_slice %select_n3A_911 {offsets = [0, 0], sizes = [64, 4], strides = [1, 1]} : vector<64x128xf32> to vector<64x4xf32>
      %concatenate3A_915 = tpu.concatenate %slice3A_913, %slice3A_914 in 1 : vector<64x124xf32>, vector<64x4xf32> -> vector<64x128xf32>
      %slice3A_916 = vector.extract_strided_slice %select_n3A_911 {offsets = [0, 124], sizes = [64, 4], strides = [1, 1]} : vector<64x128xf32> to vector<64x4xf32>
      %slice3A_917 = vector.extract_strided_slice %select_n3A_911 {offsets = [0, 0], sizes = [64, 124], strides = [1, 1]} : vector<64x128xf32> to vector<64x124xf32>
      %concatenate3A_918 = tpu.concatenate %slice3A_916, %slice3A_917 in 1 : vector<64x4xf32>, vector<64x124xf32> -> vector<64x128xf32>
      %slice3A_919 = vector.extract_strided_slice %select_n3A_912 {offsets = [0, 4], sizes = [64, 124], strides = [1, 1]} : vector<64x128xi32> to vector<64x124xi32>
      %slice3A_920 = vector.extract_strided_slice %select_n3A_912 {offsets = [0, 0], sizes = [64, 4], strides = [1, 1]} : vector<64x128xi32> to vector<64x4xi32>
      %concatenate3A_921 = tpu.concatenate %slice3A_919, %slice3A_920 in 1 : vector<64x124xi32>, vector<64x4xi32> -> vector<64x128xi32>
      %slice3A_922 = vector.extract_strided_slice %select_n3A_912 {offsets = [0, 124], sizes = [64, 4], strides = [1, 1]} : vector<64x128xi32> to vector<64x4xi32>
      %slice3A_923 = vector.extract_strided_slice %select_n3A_912 {offsets = [0, 0], sizes = [64, 124], strides = [1, 1]} : vector<64x128xi32> to vector<64x124xi32>
      %concatenate3A_924 = tpu.concatenate %slice3A_922, %slice3A_923 in 1 : vector<64x4xi32>, vector<64x124xi32> -> vector<64x128xi32>
      %and3A_925 = arith.constant 4 : i32
      %and3A_926 = vector.broadcast %and3A_925 : i32 to vector<64x128xi32>
      %and3A_927 = arith.andi %iota3A_45, %and3A_926 : vector<64x128xi32>
      %eq3A_928 = arith.constant 0 : i32
      %eq3A_929 = vector.broadcast %eq3A_928 : i32 to vector<64x128xi32>
      %eq3A_930 = arith.cmpi eq, %and3A_927, %eq3A_929 : vector<64x128xi32>
      %select_n3A_931 = arith.select %eq3A_930, %concatenate3A_915, %concatenate3A_918 : vector<64x128xi1>, vector<64x128xf32>
      %select_n3A_932 = arith.select %eq3A_930, %concatenate3A_921, %concatenate3A_924 : vector<64x128xi1>, vector<64x128xi32>
      %gt3A_933 = arith.cmpf ogt, %select_n3A_911, %select_n3A_931 : vector<64x128xf32>
      %eq3A_934 = arith.cmpf oeq, %select_n3A_911, %select_n3A_931 : vector<64x128xf32>
      %lt3A_935 = arith.cmpi slt, %select_n3A_912, %select_n3A_932 : vector<64x128xi32>
      %and3A_936 = arith.andi %eq3A_934, %lt3A_935 : vector<64x128xi1>
      %or3A_937 = arith.ori %gt3A_933, %and3A_936 : vector<64x128xi1>
      %and3A_938 = arith.constant 128 : i32
      %and3A_939 = vector.broadcast %and3A_938 : i32 to vector<64x128xi32>
      %and3A_940 = arith.andi %iota3A_45, %and3A_939 : vector<64x128xi32>
      %eq3A_941 = arith.constant 0 : i32
      %eq3A_942 = vector.broadcast %eq3A_941 : i32 to vector<64x128xi32>
      %eq3A_943 = arith.cmpi eq, %and3A_940, %eq3A_942 : vector<64x128xi32>
      %xor3A_944 = arith.xori %eq3A_943, %eq3A_930 : vector<64x128xi1>
      %xor3A_945 = arith.xori %or3A_937, %xor3A_944 : vector<64x128xi1>
      %select_n3A_946 = arith.select %xor3A_945, %select_n3A_911, %select_n3A_931 : vector<64x128xi1>, vector<64x128xf32>
      %select_n3A_947 = arith.select %xor3A_945, %select_n3A_912, %select_n3A_932 : vector<64x128xi1>, vector<64x128xi32>
      %slice3A_948 = vector.extract_strided_slice %select_n3A_946 {offsets = [0, 2], sizes = [64, 126], strides = [1, 1]} : vector<64x128xf32> to vector<64x126xf32>
      %slice3A_949 = vector.extract_strided_slice %select_n3A_946 {offsets = [0, 0], sizes = [64, 2], strides = [1, 1]} : vector<64x128xf32> to vector<64x2xf32>
      %concatenate3A_950 = tpu.concatenate %slice3A_948, %slice3A_949 in 1 : vector<64x126xf32>, vector<64x2xf32> -> vector<64x128xf32>
      %slice3A_951 = vector.extract_strided_slice %select_n3A_946 {offsets = [0, 126], sizes = [64, 2], strides = [1, 1]} : vector<64x128xf32> to vector<64x2xf32>
      %slice3A_952 = vector.extract_strided_slice %select_n3A_946 {offsets = [0, 0], sizes = [64, 126], strides = [1, 1]} : vector<64x128xf32> to vector<64x126xf32>
      %concatenate3A_953 = tpu.concatenate %slice3A_951, %slice3A_952 in 1 : vector<64x2xf32>, vector<64x126xf32> -> vector<64x128xf32>
      %slice3A_954 = vector.extract_strided_slice %select_n3A_947 {offsets = [0, 2], sizes = [64, 126], strides = [1, 1]} : vector<64x128xi32> to vector<64x126xi32>
      %slice3A_955 = vector.extract_strided_slice %select_n3A_947 {offsets = [0, 0], sizes = [64, 2], strides = [1, 1]} : vector<64x128xi32> to vector<64x2xi32>
      %concatenate3A_956 = tpu.concatenate %slice3A_954, %slice3A_955 in 1 : vector<64x126xi32>, vector<64x2xi32> -> vector<64x128xi32>
      %slice3A_957 = vector.extract_strided_slice %select_n3A_947 {offsets = [0, 126], sizes = [64, 2], strides = [1, 1]} : vector<64x128xi32> to vector<64x2xi32>
      %slice3A_958 = vector.extract_strided_slice %select_n3A_947 {offsets = [0, 0], sizes = [64, 126], strides = [1, 1]} : vector<64x128xi32> to vector<64x126xi32>
      %concatenate3A_959 = tpu.concatenate %slice3A_957, %slice3A_958 in 1 : vector<64x2xi32>, vector<64x126xi32> -> vector<64x128xi32>
      %and3A_960 = arith.constant 2 : i32
      %and3A_961 = vector.broadcast %and3A_960 : i32 to vector<64x128xi32>
      %and3A_962 = arith.andi %iota3A_45, %and3A_961 : vector<64x128xi32>
      %eq3A_963 = arith.constant 0 : i32
      %eq3A_964 = vector.broadcast %eq3A_963 : i32 to vector<64x128xi32>
      %eq3A_965 = arith.cmpi eq, %and3A_962, %eq3A_964 : vector<64x128xi32>
      %select_n3A_966 = arith.select %eq3A_965, %concatenate3A_950, %concatenate3A_953 : vector<64x128xi1>, vector<64x128xf32>
      %select_n3A_967 = arith.select %eq3A_965, %concatenate3A_956, %concatenate3A_959 : vector<64x128xi1>, vector<64x128xi32>
      %gt3A_968 = arith.cmpf ogt, %select_n3A_946, %select_n3A_966 : vector<64x128xf32>
      %eq3A_969 = arith.cmpf oeq, %select_n3A_946, %select_n3A_966 : vector<64x128xf32>
      %lt3A_970 = arith.cmpi slt, %select_n3A_947, %select_n3A_967 : vector<64x128xi32>
      %and3A_971 = arith.andi %eq3A_969, %lt3A_970 : vector<64x128xi1>
      %or3A_972 = arith.ori %gt3A_968, %and3A_971 : vector<64x128xi1>
      %and3A_973 = arith.constant 128 : i32
      %and3A_974 = vector.broadcast %and3A_973 : i32 to vector<64x128xi32>
      %and3A_975 = arith.andi %iota3A_45, %and3A_974 : vector<64x128xi32>
      %eq3A_976 = arith.constant 0 : i32
      %eq3A_977 = vector.broadcast %eq3A_976 : i32 to vector<64x128xi32>
      %eq3A_978 = arith.cmpi eq, %and3A_975, %eq3A_977 : vector<64x128xi32>
      %xor3A_979 = arith.xori %eq3A_978, %eq3A_965 : vector<64x128xi1>
      %xor3A_980 = arith.xori %or3A_972, %xor3A_979 : vector<64x128xi1>
      %select_n3A_981 = arith.select %xor3A_980, %select_n3A_946, %select_n3A_966 : vector<64x128xi1>, vector<64x128xf32>
      %select_n3A_982 = arith.select %xor3A_980, %select_n3A_947, %select_n3A_967 : vector<64x128xi1>, vector<64x128xi32>
      %slice3A_983 = vector.extract_strided_slice %select_n3A_981 {offsets = [0, 1], sizes = [64, 127], strides = [1, 1]} : vector<64x128xf32> to vector<64x127xf32>
      %slice3A_984 = vector.extract_strided_slice %select_n3A_981 {offsets = [0, 0], sizes = [64, 1], strides = [1, 1]} : vector<64x128xf32> to vector<64x1xf32>
      %concatenate3A_985 = tpu.concatenate %slice3A_983, %slice3A_984 in 1 : vector<64x127xf32>, vector<64x1xf32> -> vector<64x128xf32>
      %slice3A_986 = vector.extract_strided_slice %select_n3A_981 {offsets = [0, 127], sizes = [64, 1], strides = [1, 1]} : vector<64x128xf32> to vector<64x1xf32>
      %slice3A_987 = vector.extract_strided_slice %select_n3A_981 {offsets = [0, 0], sizes = [64, 127], strides = [1, 1]} : vector<64x128xf32> to vector<64x127xf32>
      %concatenate3A_988 = tpu.concatenate %slice3A_986, %slice3A_987 in 1 : vector<64x1xf32>, vector<64x127xf32> -> vector<64x128xf32>
      %slice3A_989 = vector.extract_strided_slice %select_n3A_982 {offsets = [0, 1], sizes = [64, 127], strides = [1, 1]} : vector<64x128xi32> to vector<64x127xi32>
      %slice3A_990 = vector.extract_strided_slice %select_n3A_982 {offsets = [0, 0], sizes = [64, 1], strides = [1, 1]} : vector<64x128xi32> to vector<64x1xi32>
      %concatenate3A_991 = tpu.concatenate %slice3A_989, %slice3A_990 in 1 : vector<64x127xi32>, vector<64x1xi32> -> vector<64x128xi32>
      %slice3A_992 = vector.extract_strided_slice %select_n3A_982 {offsets = [0, 127], sizes = [64, 1], strides = [1, 1]} : vector<64x128xi32> to vector<64x1xi32>
      %slice3A_993 = vector.extract_strided_slice %select_n3A_982 {offsets = [0, 0], sizes = [64, 127], strides = [1, 1]} : vector<64x128xi32> to vector<64x127xi32>
      %concatenate3A_994 = tpu.concatenate %slice3A_992, %slice3A_993 in 1 : vector<64x1xi32>, vector<64x127xi32> -> vector<64x128xi32>
      %and3A_995 = arith.constant 1 : i32
      %and3A_996 = vector.broadcast %and3A_995 : i32 to vector<64x128xi32>
      %and3A_997 = arith.andi %iota3A_45, %and3A_996 : vector<64x128xi32>
      %eq3A_998 = arith.constant 0 : i32
      %eq3A_999 = vector.broadcast %eq3A_998 : i32 to vector<64x128xi32>
      %eq3A_1000 = arith.cmpi eq, %and3A_997, %eq3A_999 : vector<64x128xi32>
      %select_n3A_1001 = arith.select %eq3A_1000, %concatenate3A_985, %concatenate3A_988 : vector<64x128xi1>, vector<64x128xf32>
      %select_n3A_1002 = arith.select %eq3A_1000, %concatenate3A_991, %concatenate3A_994 : vector<64x128xi1>, vector<64x128xi32>
      %gt3A_1003 = arith.cmpf ogt, %select_n3A_981, %select_n3A_1001 : vector<64x128xf32>
      %eq3A_1004 = arith.cmpf oeq, %select_n3A_981, %select_n3A_1001 : vector<64x128xf32>
      %lt3A_1005 = arith.cmpi slt, %select_n3A_982, %select_n3A_1002 : vector<64x128xi32>
      %and3A_1006 = arith.andi %eq3A_1004, %lt3A_1005 : vector<64x128xi1>
      %or3A_1007 = arith.ori %gt3A_1003, %and3A_1006 : vector<64x128xi1>
      %and3A_1008 = arith.constant 128 : i32
      %and3A_1009 = vector.broadcast %and3A_1008 : i32 to vector<64x128xi32>
      %and3A_1010 = arith.andi %iota3A_45, %and3A_1009 : vector<64x128xi32>
      %eq3A_1011 = arith.constant 0 : i32
      %eq3A_1012 = vector.broadcast %eq3A_1011 : i32 to vector<64x128xi32>
      %eq3A_1013 = arith.cmpi eq, %and3A_1010, %eq3A_1012 : vector<64x128xi32>
      %xor3A_1014 = arith.xori %eq3A_1013, %eq3A_1000 : vector<64x128xi1>
      %xor3A_1015 = arith.xori %or3A_1007, %xor3A_1014 : vector<64x128xi1>
      %select_n3A_1016 = arith.select %xor3A_1015, %select_n3A_982, %select_n3A_1002 : vector<64x128xi1>, vector<64x128xi32>
      %slice3A_1017 = vector.extract_strided_slice %select_n3A_1016 {offsets = [0, 0], sizes = [64, 64], strides = [1, 1]} : vector<64x128xi32> to vector<64x64xi32>
      %mul3A_1018 = arith.constant 2 : i32
      %mul3A_1019 = vector.broadcast %mul3A_1018 : i32 to vector<64x128xi32>
      %mul3A_1020 = arith.muli %mul3A_1019, %iota3A : vector<64x128xi32>
      %add3A_1021 = arith.constant 1 : i32
      %add3A_1022 = vector.broadcast %add3A_1021 : i32 to vector<64x128xi32>
      %add3A_1023 = arith.addi %mul3A_1020, %add3A_1022 : vector<64x128xi32>
      %eq3A_1024 = arith.cmpi eq, %iota3A_34, %add3A_1023 : vector<64x128xi32>
      %convert_element_type3A_1025 = arith.extui %eq3A_1024 : vector<64x128xi1> to vector<64x128xi32>
      %convert_element_type3A_1026 = arith.sitofp %convert_element_type3A_1025 : vector<64x128xi32> to vector<64x128xf32>
      %dot_general3A_1027 = arith.constant dense<0.000000e+00> : vector<64x128xf32>
      %dot_general3A_1028 = tpu.matmul %convert_element_type3A_1026, %div3A_30, %dot_general3A_1027 {dimension_numbers = #tpu.dot_dimension_numbers<[1], [0], [0], [1], [0, 0, 1, 1], [], []>, precision = #tpu.contract_precision<fp32>, transpose_lhs_hint = false} : vector<64x128xf32>, vector<128x128xf32>, vector<64x128xf32> -> vector<64x128xf32>
      %iota3A_1029 = tpu.iota {dimensions = array<i32: 1>} : vector<64x128xi32>
      %slice3A_1030 = vector.extract_strided_slice %dot_general3A_1028 {offsets = [0, 1], sizes = [64, 127], strides = [1, 1]} : vector<64x128xf32> to vector<64x127xf32>
      %slice3A_1031 = vector.extract_strided_slice %dot_general3A_1028 {offsets = [0, 0], sizes = [64, 1], strides = [1, 1]} : vector<64x128xf32> to vector<64x1xf32>
      %concatenate3A_1032 = tpu.concatenate %slice3A_1030, %slice3A_1031 in 1 : vector<64x127xf32>, vector<64x1xf32> -> vector<64x128xf32>
      %slice3A_1033 = vector.extract_strided_slice %dot_general3A_1028 {offsets = [0, 127], sizes = [64, 1], strides = [1, 1]} : vector<64x128xf32> to vector<64x1xf32>
      %slice3A_1034 = vector.extract_strided_slice %dot_general3A_1028 {offsets = [0, 0], sizes = [64, 127], strides = [1, 1]} : vector<64x128xf32> to vector<64x127xf32>
      %concatenate3A_1035 = tpu.concatenate %slice3A_1033, %slice3A_1034 in 1 : vector<64x1xf32>, vector<64x127xf32> -> vector<64x128xf32>
      %slice3A_1036 = vector.extract_strided_slice %iota3A_1029 {offsets = [0, 1], sizes = [64, 127], strides = [1, 1]} : vector<64x128xi32> to vector<64x127xi32>
      %slice3A_1037 = vector.extract_strided_slice %iota3A_1029 {offsets = [0, 0], sizes = [64, 1], strides = [1, 1]} : vector<64x128xi32> to vector<64x1xi32>
      %concatenate3A_1038 = tpu.concatenate %slice3A_1036, %slice3A_1037 in 1 : vector<64x127xi32>, vector<64x1xi32> -> vector<64x128xi32>
      %slice3A_1039 = vector.extract_strided_slice %iota3A_1029 {offsets = [0, 127], sizes = [64, 1], strides = [1, 1]} : vector<64x128xi32> to vector<64x1xi32>
      %slice3A_1040 = vector.extract_strided_slice %iota3A_1029 {offsets = [0, 0], sizes = [64, 127], strides = [1, 1]} : vector<64x128xi32> to vector<64x127xi32>
      %concatenate3A_1041 = tpu.concatenate %slice3A_1039, %slice3A_1040 in 1 : vector<64x1xi32>, vector<64x127xi32> -> vector<64x128xi32>
      %and3A_1042 = arith.constant 1 : i32
      %and3A_1043 = vector.broadcast %and3A_1042 : i32 to vector<64x128xi32>
      %and3A_1044 = arith.andi %iota3A_1029, %and3A_1043 : vector<64x128xi32>
      %eq3A_1045 = arith.constant 0 : i32
      %eq3A_1046 = vector.broadcast %eq3A_1045 : i32 to vector<64x128xi32>
      %eq3A_1047 = arith.cmpi eq, %and3A_1044, %eq3A_1046 : vector<64x128xi32>
      %select_n3A_1048 = arith.select %eq3A_1047, %concatenate3A_1032, %concatenate3A_1035 : vector<64x128xi1>, vector<64x128xf32>
      %select_n3A_1049 = arith.select %eq3A_1047, %concatenate3A_1038, %concatenate3A_1041 : vector<64x128xi1>, vector<64x128xi32>
      %gt3A_1050 = arith.cmpf ogt, %dot_general3A_1028, %select_n3A_1048 : vector<64x128xf32>
      %eq3A_1051 = arith.cmpf oeq, %dot_general3A_1028, %select_n3A_1048 : vector<64x128xf32>
      %lt3A_1052 = arith.cmpi slt, %iota3A_1029, %select_n3A_1049 : vector<64x128xi32>
      %and3A_1053 = arith.andi %eq3A_1051, %lt3A_1052 : vector<64x128xi1>
      %or3A_1054 = arith.ori %gt3A_1050, %and3A_1053 : vector<64x128xi1>
      %and3A_1055 = arith.constant 2 : i32
      %and3A_1056 = vector.broadcast %and3A_1055 : i32 to vector<64x128xi32>
      %and3A_1057 = arith.andi %iota3A_1029, %and3A_1056 : vector<64x128xi32>
      %eq3A_1058 = arith.constant 0 : i32
      %eq3A_1059 = vector.broadcast %eq3A_1058 : i32 to vector<64x128xi32>
      %eq3A_1060 = arith.cmpi eq, %and3A_1057, %eq3A_1059 : vector<64x128xi32>
      %xor3A_1061 = arith.xori %eq3A_1060, %eq3A_1047 : vector<64x128xi1>
      %xor3A_1062 = arith.xori %or3A_1054, %xor3A_1061 : vector<64x128xi1>
      %select_n3A_1063 = arith.select %xor3A_1062, %dot_general3A_1028, %select_n3A_1048 : vector<64x128xi1>, vector<64x128xf32>
      %select_n3A_1064 = arith.select %xor3A_1062, %iota3A_1029, %select_n3A_1049 : vector<64x128xi1>, vector<64x128xi32>
      %slice3A_1065 = vector.extract_strided_slice %select_n3A_1063 {offsets = [0, 2], sizes = [64, 126], strides = [1, 1]} : vector<64x128xf32> to vector<64x126xf32>
      %slice3A_1066 = vector.extract_strided_slice %select_n3A_1063 {offsets = [0, 0], sizes = [64, 2], strides = [1, 1]} : vector<64x128xf32> to vector<64x2xf32>
      %concatenate3A_1067 = tpu.concatenate %slice3A_1065, %slice3A_1066 in 1 : vector<64x126xf32>, vector<64x2xf32> -> vector<64x128xf32>
      %slice3A_1068 = vector.extract_strided_slice %select_n3A_1063 {offsets = [0, 126], sizes = [64, 2], strides = [1, 1]} : vector<64x128xf32> to vector<64x2xf32>
      %slice3A_1069 = vector.extract_strided_slice %select_n3A_1063 {offsets = [0, 0], sizes = [64, 126], strides = [1, 1]} : vector<64x128xf32> to vector<64x126xf32>
      %concatenate3A_1070 = tpu.concatenate %slice3A_1068, %slice3A_1069 in 1 : vector<64x2xf32>, vector<64x126xf32> -> vector<64x128xf32>
      %slice3A_1071 = vector.extract_strided_slice %select_n3A_1064 {offsets = [0, 2], sizes = [64, 126], strides = [1, 1]} : vector<64x128xi32> to vector<64x126xi32>
      %slice3A_1072 = vector.extract_strided_slice %select_n3A_1064 {offsets = [0, 0], sizes = [64, 2], strides = [1, 1]} : vector<64x128xi32> to vector<64x2xi32>
      %concatenate3A_1073 = tpu.concatenate %slice3A_1071, %slice3A_1072 in 1 : vector<64x126xi32>, vector<64x2xi32> -> vector<64x128xi32>
      %slice3A_1074 = vector.extract_strided_slice %select_n3A_1064 {offsets = [0, 126], sizes = [64, 2], strides = [1, 1]} : vector<64x128xi32> to vector<64x2xi32>
      %slice3A_1075 = vector.extract_strided_slice %select_n3A_1064 {offsets = [0, 0], sizes = [64, 126], strides = [1, 1]} : vector<64x128xi32> to vector<64x126xi32>
      %concatenate3A_1076 = tpu.concatenate %slice3A_1074, %slice3A_1075 in 1 : vector<64x2xi32>, vector<64x126xi32> -> vector<64x128xi32>
      %and3A_1077 = arith.constant 2 : i32
      %and3A_1078 = vector.broadcast %and3A_1077 : i32 to vector<64x128xi32>
      %and3A_1079 = arith.andi %iota3A_1029, %and3A_1078 : vector<64x128xi32>
      %eq3A_1080 = arith.constant 0 : i32
      %eq3A_1081 = vector.broadcast %eq3A_1080 : i32 to vector<64x128xi32>
      %eq3A_1082 = arith.cmpi eq, %and3A_1079, %eq3A_1081 : vector<64x128xi32>
      %select_n3A_1083 = arith.select %eq3A_1082, %concatenate3A_1067, %concatenate3A_1070 : vector<64x128xi1>, vector<64x128xf32>
      %select_n3A_1084 = arith.select %eq3A_1082, %concatenate3A_1073, %concatenate3A_1076 : vector<64x128xi1>, vector<64x128xi32>
      %gt3A_1085 = arith.cmpf ogt, %select_n3A_1063, %select_n3A_1083 : vector<64x128xf32>
      %eq3A_1086 = arith.cmpf oeq, %select_n3A_1063, %select_n3A_1083 : vector<64x128xf32>
      %lt3A_1087 = arith.cmpi slt, %select_n3A_1064, %select_n3A_1084 : vector<64x128xi32>
      %and3A_1088 = arith.andi %eq3A_1086, %lt3A_1087 : vector<64x128xi1>
      %or3A_1089 = arith.ori %gt3A_1085, %and3A_1088 : vector<64x128xi1>
      %and3A_1090 = arith.constant 4 : i32
      %and3A_1091 = vector.broadcast %and3A_1090 : i32 to vector<64x128xi32>
      %and3A_1092 = arith.andi %iota3A_1029, %and3A_1091 : vector<64x128xi32>
      %eq3A_1093 = arith.constant 0 : i32
      %eq3A_1094 = vector.broadcast %eq3A_1093 : i32 to vector<64x128xi32>
      %eq3A_1095 = arith.cmpi eq, %and3A_1092, %eq3A_1094 : vector<64x128xi32>
      %xor3A_1096 = arith.xori %eq3A_1095, %eq3A_1082 : vector<64x128xi1>
      %xor3A_1097 = arith.xori %or3A_1089, %xor3A_1096 : vector<64x128xi1>
      %select_n3A_1098 = arith.select %xor3A_1097, %select_n3A_1063, %select_n3A_1083 : vector<64x128xi1>, vector<64x128xf32>
      %select_n3A_1099 = arith.select %xor3A_1097, %select_n3A_1064, %select_n3A_1084 : vector<64x128xi1>, vector<64x128xi32>
      %slice3A_1100 = vector.extract_strided_slice %select_n3A_1098 {offsets = [0, 1], sizes = [64, 127], strides = [1, 1]} : vector<64x128xf32> to vector<64x127xf32>
      %slice3A_1101 = vector.extract_strided_slice %select_n3A_1098 {offsets = [0, 0], sizes = [64, 1], strides = [1, 1]} : vector<64x128xf32> to vector<64x1xf32>
      %concatenate3A_1102 = tpu.concatenate %slice3A_1100, %slice3A_1101 in 1 : vector<64x127xf32>, vector<64x1xf32> -> vector<64x128xf32>
      %slice3A_1103 = vector.extract_strided_slice %select_n3A_1098 {offsets = [0, 127], sizes = [64, 1], strides = [1, 1]} : vector<64x128xf32> to vector<64x1xf32>
      %slice3A_1104 = vector.extract_strided_slice %select_n3A_1098 {offsets = [0, 0], sizes = [64, 127], strides = [1, 1]} : vector<64x128xf32> to vector<64x127xf32>
      %concatenate3A_1105 = tpu.concatenate %slice3A_1103, %slice3A_1104 in 1 : vector<64x1xf32>, vector<64x127xf32> -> vector<64x128xf32>
      %slice3A_1106 = vector.extract_strided_slice %select_n3A_1099 {offsets = [0, 1], sizes = [64, 127], strides = [1, 1]} : vector<64x128xi32> to vector<64x127xi32>
      %slice3A_1107 = vector.extract_strided_slice %select_n3A_1099 {offsets = [0, 0], sizes = [64, 1], strides = [1, 1]} : vector<64x128xi32> to vector<64x1xi32>
      %concatenate3A_1108 = tpu.concatenate %slice3A_1106, %slice3A_1107 in 1 : vector<64x127xi32>, vector<64x1xi32> -> vector<64x128xi32>
      %slice3A_1109 = vector.extract_strided_slice %select_n3A_1099 {offsets = [0, 127], sizes = [64, 1], strides = [1, 1]} : vector<64x128xi32> to vector<64x1xi32>
      %slice3A_1110 = vector.extract_strided_slice %select_n3A_1099 {offsets = [0, 0], sizes = [64, 127], strides = [1, 1]} : vector<64x128xi32> to vector<64x127xi32>
      %concatenate3A_1111 = tpu.concatenate %slice3A_1109, %slice3A_1110 in 1 : vector<64x1xi32>, vector<64x127xi32> -> vector<64x128xi32>
      %and3A_1112 = arith.constant 1 : i32
      %and3A_1113 = vector.broadcast %and3A_1112 : i32 to vector<64x128xi32>
      %and3A_1114 = arith.andi %iota3A_1029, %and3A_1113 : vector<64x128xi32>
      %eq3A_1115 = arith.constant 0 : i32
      %eq3A_1116 = vector.broadcast %eq3A_1115 : i32 to vector<64x128xi32>
      %eq3A_1117 = arith.cmpi eq, %and3A_1114, %eq3A_1116 : vector<64x128xi32>
      %select_n3A_1118 = arith.select %eq3A_1117, %concatenate3A_1102, %concatenate3A_1105 : vector<64x128xi1>, vector<64x128xf32>
      %select_n3A_1119 = arith.select %eq3A_1117, %concatenate3A_1108, %concatenate3A_1111 : vector<64x128xi1>, vector<64x128xi32>
      %gt3A_1120 = arith.cmpf ogt, %select_n3A_1098, %select_n3A_1118 : vector<64x128xf32>
      %eq3A_1121 = arith.cmpf oeq, %select_n3A_1098, %select_n3A_1118 : vector<64x128xf32>
      %lt3A_1122 = arith.cmpi slt, %select_n3A_1099, %select_n3A_1119 : vector<64x128xi32>
      %and3A_1123 = arith.andi %eq3A_1121, %lt3A_1122 : vector<64x128xi1>
      %or3A_1124 = arith.ori %gt3A_1120, %and3A_1123 : vector<64x128xi1>
      %and3A_1125 = arith.constant 4 : i32
      %and3A_1126 = vector.broadcast %and3A_1125 : i32 to vector<64x128xi32>
      %and3A_1127 = arith.andi %iota3A_1029, %and3A_1126 : vector<64x128xi32>
      %eq3A_1128 = arith.constant 0 : i32
      %eq3A_1129 = vector.broadcast %eq3A_1128 : i32 to vector<64x128xi32>
      %eq3A_1130 = arith.cmpi eq, %and3A_1127, %eq3A_1129 : vector<64x128xi32>
      %xor3A_1131 = arith.xori %eq3A_1130, %eq3A_1117 : vector<64x128xi1>
      %xor3A_1132 = arith.xori %or3A_1124, %xor3A_1131 : vector<64x128xi1>
      %select_n3A_1133 = arith.select %xor3A_1132, %select_n3A_1098, %select_n3A_1118 : vector<64x128xi1>, vector<64x128xf32>
      %select_n3A_1134 = arith.select %xor3A_1132, %select_n3A_1099, %select_n3A_1119 : vector<64x128xi1>, vector<64x128xi32>
      %slice3A_1135 = vector.extract_strided_slice %select_n3A_1133 {offsets = [0, 4], sizes = [64, 124], strides = [1, 1]} : vector<64x128xf32> to vector<64x124xf32>
      %slice3A_1136 = vector.extract_strided_slice %select_n3A_1133 {offsets = [0, 0], sizes = [64, 4], strides = [1, 1]} : vector<64x128xf32> to vector<64x4xf32>
      %concatenate3A_1137 = tpu.concatenate %slice3A_1135, %slice3A_1136 in 1 : vector<64x124xf32>, vector<64x4xf32> -> vector<64x128xf32>
      %slice3A_1138 = vector.extract_strided_slice %select_n3A_1133 {offsets = [0, 124], sizes = [64, 4], strides = [1, 1]} : vector<64x128xf32> to vector<64x4xf32>
      %slice3A_1139 = vector.extract_strided_slice %select_n3A_1133 {offsets = [0, 0], sizes = [64, 124], strides = [1, 1]} : vector<64x128xf32> to vector<64x124xf32>
      %concatenate3A_1140 = tpu.concatenate %slice3A_1138, %slice3A_1139 in 1 : vector<64x4xf32>, vector<64x124xf32> -> vector<64x128xf32>
      %slice3A_1141 = vector.extract_strided_slice %select_n3A_1134 {offsets = [0, 4], sizes = [64, 124], strides = [1, 1]} : vector<64x128xi32> to vector<64x124xi32>
      %slice3A_1142 = vector.extract_strided_slice %select_n3A_1134 {offsets = [0, 0], sizes = [64, 4], strides = [1, 1]} : vector<64x128xi32> to vector<64x4xi32>
      %concatenate3A_1143 = tpu.concatenate %slice3A_1141, %slice3A_1142 in 1 : vector<64x124xi32>, vector<64x4xi32> -> vector<64x128xi32>
      %slice3A_1144 = vector.extract_strided_slice %select_n3A_1134 {offsets = [0, 124], sizes = [64, 4], strides = [1, 1]} : vector<64x128xi32> to vector<64x4xi32>
      %slice3A_1145 = vector.extract_strided_slice %select_n3A_1134 {offsets = [0, 0], sizes = [64, 124], strides = [1, 1]} : vector<64x128xi32> to vector<64x124xi32>
      %concatenate3A_1146 = tpu.concatenate %slice3A_1144, %slice3A_1145 in 1 : vector<64x4xi32>, vector<64x124xi32> -> vector<64x128xi32>
      %and3A_1147 = arith.constant 4 : i32
      %and3A_1148 = vector.broadcast %and3A_1147 : i32 to vector<64x128xi32>
      %and3A_1149 = arith.andi %iota3A_1029, %and3A_1148 : vector<64x128xi32>
      %eq3A_1150 = arith.constant 0 : i32
      %eq3A_1151 = vector.broadcast %eq3A_1150 : i32 to vector<64x128xi32>
      %eq3A_1152 = arith.cmpi eq, %and3A_1149, %eq3A_1151 : vector<64x128xi32>
      %select_n3A_1153 = arith.select %eq3A_1152, %concatenate3A_1137, %concatenate3A_1140 : vector<64x128xi1>, vector<64x128xf32>
      %select_n3A_1154 = arith.select %eq3A_1152, %concatenate3A_1143, %concatenate3A_1146 : vector<64x128xi1>, vector<64x128xi32>
      %gt3A_1155 = arith.cmpf ogt, %select_n3A_1133, %select_n3A_1153 : vector<64x128xf32>
      %eq3A_1156 = arith.cmpf oeq, %select_n3A_1133, %select_n3A_1153 : vector<64x128xf32>
      %lt3A_1157 = arith.cmpi slt, %select_n3A_1134, %select_n3A_1154 : vector<64x128xi32>
      %and3A_1158 = arith.andi %eq3A_1156, %lt3A_1157 : vector<64x128xi1>
      %or3A_1159 = arith.ori %gt3A_1155, %and3A_1158 : vector<64x128xi1>
      %and3A_1160 = arith.constant 8 : i32
      %and3A_1161 = vector.broadcast %and3A_1160 : i32 to vector<64x128xi32>
      %and3A_1162 = arith.andi %iota3A_1029, %and3A_1161 : vector<64x128xi32>
      %eq3A_1163 = arith.constant 0 : i32
      %eq3A_1164 = vector.broadcast %eq3A_1163 : i32 to vector<64x128xi32>
      %eq3A_1165 = arith.cmpi eq, %and3A_1162, %eq3A_1164 : vector<64x128xi32>
      %xor3A_1166 = arith.xori %eq3A_1165, %eq3A_1152 : vector<64x128xi1>
      %xor3A_1167 = arith.xori %or3A_1159, %xor3A_1166 : vector<64x128xi1>
      %select_n3A_1168 = arith.select %xor3A_1167, %select_n3A_1133, %select_n3A_1153 : vector<64x128xi1>, vector<64x128xf32>
      %select_n3A_1169 = arith.select %xor3A_1167, %select_n3A_1134, %select_n3A_1154 : vector<64x128xi1>, vector<64x128xi32>
      %slice3A_1170 = vector.extract_strided_slice %select_n3A_1168 {offsets = [0, 2], sizes = [64, 126], strides = [1, 1]} : vector<64x128xf32> to vector<64x126xf32>
      %slice3A_1171 = vector.extract_strided_slice %select_n3A_1168 {offsets = [0, 0], sizes = [64, 2], strides = [1, 1]} : vector<64x128xf32> to vector<64x2xf32>
      %concatenate3A_1172 = tpu.concatenate %slice3A_1170, %slice3A_1171 in 1 : vector<64x126xf32>, vector<64x2xf32> -> vector<64x128xf32>
      %slice3A_1173 = vector.extract_strided_slice %select_n3A_1168 {offsets = [0, 126], sizes = [64, 2], strides = [1, 1]} : vector<64x128xf32> to vector<64x2xf32>
      %slice3A_1174 = vector.extract_strided_slice %select_n3A_1168 {offsets = [0, 0], sizes = [64, 126], strides = [1, 1]} : vector<64x128xf32> to vector<64x126xf32>
      %concatenate3A_1175 = tpu.concatenate %slice3A_1173, %slice3A_1174 in 1 : vector<64x2xf32>, vector<64x126xf32> -> vector<64x128xf32>
      %slice3A_1176 = vector.extract_strided_slice %select_n3A_1169 {offsets = [0, 2], sizes = [64, 126], strides = [1, 1]} : vector<64x128xi32> to vector<64x126xi32>
      %slice3A_1177 = vector.extract_strided_slice %select_n3A_1169 {offsets = [0, 0], sizes = [64, 2], strides = [1, 1]} : vector<64x128xi32> to vector<64x2xi32>
      %concatenate3A_1178 = tpu.concatenate %slice3A_1176, %slice3A_1177 in 1 : vector<64x126xi32>, vector<64x2xi32> -> vector<64x128xi32>
      %slice3A_1179 = vector.extract_strided_slice %select_n3A_1169 {offsets = [0, 126], sizes = [64, 2], strides = [1, 1]} : vector<64x128xi32> to vector<64x2xi32>
      %slice3A_1180 = vector.extract_strided_slice %select_n3A_1169 {offsets = [0, 0], sizes = [64, 126], strides = [1, 1]} : vector<64x128xi32> to vector<64x126xi32>
      %concatenate3A_1181 = tpu.concatenate %slice3A_1179, %slice3A_1180 in 1 : vector<64x2xi32>, vector<64x126xi32> -> vector<64x128xi32>
      %and3A_1182 = arith.constant 2 : i32
      %and3A_1183 = vector.broadcast %and3A_1182 : i32 to vector<64x128xi32>
      %and3A_1184 = arith.andi %iota3A_1029, %and3A_1183 : vector<64x128xi32>
      %eq3A_1185 = arith.constant 0 : i32
      %eq3A_1186 = vector.broadcast %eq3A_1185 : i32 to vector<64x128xi32>
      %eq3A_1187 = arith.cmpi eq, %and3A_1184, %eq3A_1186 : vector<64x128xi32>
      %select_n3A_1188 = arith.select %eq3A_1187, %concatenate3A_1172, %concatenate3A_1175 : vector<64x128xi1>, vector<64x128xf32>
      %select_n3A_1189 = arith.select %eq3A_1187, %concatenate3A_1178, %concatenate3A_1181 : vector<64x128xi1>, vector<64x128xi32>
      %gt3A_1190 = arith.cmpf ogt, %select_n3A_1168, %select_n3A_1188 : vector<64x128xf32>
      %eq3A_1191 = arith.cmpf oeq, %select_n3A_1168, %select_n3A_1188 : vector<64x128xf32>
      %lt3A_1192 = arith.cmpi slt, %select_n3A_1169, %select_n3A_1189 : vector<64x128xi32>
      %and3A_1193 = arith.andi %eq3A_1191, %lt3A_1192 : vector<64x128xi1>
      %or3A_1194 = arith.ori %gt3A_1190, %and3A_1193 : vector<64x128xi1>
      %and3A_1195 = arith.constant 8 : i32
      %and3A_1196 = vector.broadcast %and3A_1195 : i32 to vector<64x128xi32>
      %and3A_1197 = arith.andi %iota3A_1029, %and3A_1196 : vector<64x128xi32>
      %eq3A_1198 = arith.constant 0 : i32
      %eq3A_1199 = vector.broadcast %eq3A_1198 : i32 to vector<64x128xi32>
      %eq3A_1200 = arith.cmpi eq, %and3A_1197, %eq3A_1199 : vector<64x128xi32>
      %xor3A_1201 = arith.xori %eq3A_1200, %eq3A_1187 : vector<64x128xi1>
      %xor3A_1202 = arith.xori %or3A_1194, %xor3A_1201 : vector<64x128xi1>
      %select_n3A_1203 = arith.select %xor3A_1202, %select_n3A_1168, %select_n3A_1188 : vector<64x128xi1>, vector<64x128xf32>
      %select_n3A_1204 = arith.select %xor3A_1202, %select_n3A_1169, %select_n3A_1189 : vector<64x128xi1>, vector<64x128xi32>
      %slice3A_1205 = vector.extract_strided_slice %select_n3A_1203 {offsets = [0, 1], sizes = [64, 127], strides = [1, 1]} : vector<64x128xf32> to vector<64x127xf32>
      %slice3A_1206 = vector.extract_strided_slice %select_n3A_1203 {offsets = [0, 0], sizes = [64, 1], strides = [1, 1]} : vector<64x128xf32> to vector<64x1xf32>
      %concatenate3A_1207 = tpu.concatenate %slice3A_1205, %slice3A_1206 in 1 : vector<64x127xf32>, vector<64x1xf32> -> vector<64x128xf32>
      %slice3A_1208 = vector.extract_strided_slice %select_n3A_1203 {offsets = [0, 127], sizes = [64, 1], strides = [1, 1]} : vector<64x128xf32> to vector<64x1xf32>
      %slice3A_1209 = vector.extract_strided_slice %select_n3A_1203 {offsets = [0, 0], sizes = [64, 127], strides = [1, 1]} : vector<64x128xf32> to vector<64x127xf32>
      %concatenate3A_1210 = tpu.concatenate %slice3A_1208, %slice3A_1209 in 1 : vector<64x1xf32>, vector<64x127xf32> -> vector<64x128xf32>
      %slice3A_1211 = vector.extract_strided_slice %select_n3A_1204 {offsets = [0, 1], sizes = [64, 127], strides = [1, 1]} : vector<64x128xi32> to vector<64x127xi32>
      %slice3A_1212 = vector.extract_strided_slice %select_n3A_1204 {offsets = [0, 0], sizes = [64, 1], strides = [1, 1]} : vector<64x128xi32> to vector<64x1xi32>
      %concatenate3A_1213 = tpu.concatenate %slice3A_1211, %slice3A_1212 in 1 : vector<64x127xi32>, vector<64x1xi32> -> vector<64x128xi32>
      %slice3A_1214 = vector.extract_strided_slice %select_n3A_1204 {offsets = [0, 127], sizes = [64, 1], strides = [1, 1]} : vector<64x128xi32> to vector<64x1xi32>
      %slice3A_1215 = vector.extract_strided_slice %select_n3A_1204 {offsets = [0, 0], sizes = [64, 127], strides = [1, 1]} : vector<64x128xi32> to vector<64x127xi32>
      %concatenate3A_1216 = tpu.concatenate %slice3A_1214, %slice3A_1215 in 1 : vector<64x1xi32>, vector<64x127xi32> -> vector<64x128xi32>
      %and3A_1217 = arith.constant 1 : i32
      %and3A_1218 = vector.broadcast %and3A_1217 : i32 to vector<64x128xi32>
      %and3A_1219 = arith.andi %iota3A_1029, %and3A_1218 : vector<64x128xi32>
      %eq3A_1220 = arith.constant 0 : i32
      %eq3A_1221 = vector.broadcast %eq3A_1220 : i32 to vector<64x128xi32>
      %eq3A_1222 = arith.cmpi eq, %and3A_1219, %eq3A_1221 : vector<64x128xi32>
      %select_n3A_1223 = arith.select %eq3A_1222, %concatenate3A_1207, %concatenate3A_1210 : vector<64x128xi1>, vector<64x128xf32>
      %select_n3A_1224 = arith.select %eq3A_1222, %concatenate3A_1213, %concatenate3A_1216 : vector<64x128xi1>, vector<64x128xi32>
      %gt3A_1225 = arith.cmpf ogt, %select_n3A_1203, %select_n3A_1223 : vector<64x128xf32>
      %eq3A_1226 = arith.cmpf oeq, %select_n3A_1203, %select_n3A_1223 : vector<64x128xf32>
      %lt3A_1227 = arith.cmpi slt, %select_n3A_1204, %select_n3A_1224 : vector<64x128xi32>
      %and3A_1228 = arith.andi %eq3A_1226, %lt3A_1227 : vector<64x128xi1>
      %or3A_1229 = arith.ori %gt3A_1225, %and3A_1228 : vector<64x128xi1>
      %and3A_1230 = arith.constant 8 : i32
      %and3A_1231 = vector.broadcast %and3A_1230 : i32 to vector<64x128xi32>
      %and3A_1232 = arith.andi %iota3A_1029, %and3A_1231 : vector<64x128xi32>
      %eq3A_1233 = arith.constant 0 : i32
      %eq3A_1234 = vector.broadcast %eq3A_1233 : i32 to vector<64x128xi32>
      %eq3A_1235 = arith.cmpi eq, %and3A_1232, %eq3A_1234 : vector<64x128xi32>
      %xor3A_1236 = arith.xori %eq3A_1235, %eq3A_1222 : vector<64x128xi1>
      %xor3A_1237 = arith.xori %or3A_1229, %xor3A_1236 : vector<64x128xi1>
      %select_n3A_1238 = arith.select %xor3A_1237, %select_n3A_1203, %select_n3A_1223 : vector<64x128xi1>, vector<64x128xf32>
      %select_n3A_1239 = arith.select %xor3A_1237, %select_n3A_1204, %select_n3A_1224 : vector<64x128xi1>, vector<64x128xi32>
      %slice3A_1240 = vector.extract_strided_slice %select_n3A_1238 {offsets = [0, 8], sizes = [64, 120], strides = [1, 1]} : vector<64x128xf32> to vector<64x120xf32>
      %slice3A_1241 = vector.extract_strided_slice %select_n3A_1238 {offsets = [0, 0], sizes = [64, 8], strides = [1, 1]} : vector<64x128xf32> to vector<64x8xf32>
      %concatenate3A_1242 = tpu.concatenate %slice3A_1240, %slice3A_1241 in 1 : vector<64x120xf32>, vector<64x8xf32> -> vector<64x128xf32>
      %slice3A_1243 = vector.extract_strided_slice %select_n3A_1238 {offsets = [0, 120], sizes = [64, 8], strides = [1, 1]} : vector<64x128xf32> to vector<64x8xf32>
      %slice3A_1244 = vector.extract_strided_slice %select_n3A_1238 {offsets = [0, 0], sizes = [64, 120], strides = [1, 1]} : vector<64x128xf32> to vector<64x120xf32>
      %concatenate3A_1245 = tpu.concatenate %slice3A_1243, %slice3A_1244 in 1 : vector<64x8xf32>, vector<64x120xf32> -> vector<64x128xf32>
      %slice3A_1246 = vector.extract_strided_slice %select_n3A_1239 {offsets = [0, 8], sizes = [64, 120], strides = [1, 1]} : vector<64x128xi32> to vector<64x120xi32>
      %slice3A_1247 = vector.extract_strided_slice %select_n3A_1239 {offsets = [0, 0], sizes = [64, 8], strides = [1, 1]} : vector<64x128xi32> to vector<64x8xi32>
      %concatenate3A_1248 = tpu.concatenate %slice3A_1246, %slice3A_1247 in 1 : vector<64x120xi32>, vector<64x8xi32> -> vector<64x128xi32>
      %slice3A_1249 = vector.extract_strided_slice %select_n3A_1239 {offsets = [0, 120], sizes = [64, 8], strides = [1, 1]} : vector<64x128xi32> to vector<64x8xi32>
      %slice3A_1250 = vector.extract_strided_slice %select_n3A_1239 {offsets = [0, 0], sizes = [64, 120], strides = [1, 1]} : vector<64x128xi32> to vector<64x120xi32>
      %concatenate3A_1251 = tpu.concatenate %slice3A_1249, %slice3A_1250 in 1 : vector<64x8xi32>, vector<64x120xi32> -> vector<64x128xi32>
      %and3A_1252 = arith.constant 8 : i32
      %and3A_1253 = vector.broadcast %and3A_1252 : i32 to vector<64x128xi32>
      %and3A_1254 = arith.andi %iota3A_1029, %and3A_1253 : vector<64x128xi32>
      %eq3A_1255 = arith.constant 0 : i32
      %eq3A_1256 = vector.broadcast %eq3A_1255 : i32 to vector<64x128xi32>
      %eq3A_1257 = arith.cmpi eq, %and3A_1254, %eq3A_1256 : vector<64x128xi32>
      %select_n3A_1258 = arith.select %eq3A_1257, %concatenate3A_1242, %concatenate3A_1245 : vector<64x128xi1>, vector<64x128xf32>
      %select_n3A_1259 = arith.select %eq3A_1257, %concatenate3A_1248, %concatenate3A_1251 : vector<64x128xi1>, vector<64x128xi32>
      %gt3A_1260 = arith.cmpf ogt, %select_n3A_1238, %select_n3A_1258 : vector<64x128xf32>
      %eq3A_1261 = arith.cmpf oeq, %select_n3A_1238, %select_n3A_1258 : vector<64x128xf32>
      %lt3A_1262 = arith.cmpi slt, %select_n3A_1239, %select_n3A_1259 : vector<64x128xi32>
      %and3A_1263 = arith.andi %eq3A_1261, %lt3A_1262 : vector<64x128xi1>
      %or3A_1264 = arith.ori %gt3A_1260, %and3A_1263 : vector<64x128xi1>
      %and3A_1265 = arith.constant 16 : i32
      %and3A_1266 = vector.broadcast %and3A_1265 : i32 to vector<64x128xi32>
      %and3A_1267 = arith.andi %iota3A_1029, %and3A_1266 : vector<64x128xi32>
      %eq3A_1268 = arith.constant 0 : i32
      %eq3A_1269 = vector.broadcast %eq3A_1268 : i32 to vector<64x128xi32>
      %eq3A_1270 = arith.cmpi eq, %and3A_1267, %eq3A_1269 : vector<64x128xi32>
      %xor3A_1271 = arith.xori %eq3A_1270, %eq3A_1257 : vector<64x128xi1>
      %xor3A_1272 = arith.xori %or3A_1264, %xor3A_1271 : vector<64x128xi1>
      %select_n3A_1273 = arith.select %xor3A_1272, %select_n3A_1238, %select_n3A_1258 : vector<64x128xi1>, vector<64x128xf32>
      %select_n3A_1274 = arith.select %xor3A_1272, %select_n3A_1239, %select_n3A_1259 : vector<64x128xi1>, vector<64x128xi32>
      %slice3A_1275 = vector.extract_strided_slice %select_n3A_1273 {offsets = [0, 4], sizes = [64, 124], strides = [1, 1]} : vector<64x128xf32> to vector<64x124xf32>
      %slice3A_1276 = vector.extract_strided_slice %select_n3A_1273 {offsets = [0, 0], sizes = [64, 4], strides = [1, 1]} : vector<64x128xf32> to vector<64x4xf32>
      %concatenate3A_1277 = tpu.concatenate %slice3A_1275, %slice3A_1276 in 1 : vector<64x124xf32>, vector<64x4xf32> -> vector<64x128xf32>
      %slice3A_1278 = vector.extract_strided_slice %select_n3A_1273 {offsets = [0, 124], sizes = [64, 4], strides = [1, 1]} : vector<64x128xf32> to vector<64x4xf32>
      %slice3A_1279 = vector.extract_strided_slice %select_n3A_1273 {offsets = [0, 0], sizes = [64, 124], strides = [1, 1]} : vector<64x128xf32> to vector<64x124xf32>
      %concatenate3A_1280 = tpu.concatenate %slice3A_1278, %slice3A_1279 in 1 : vector<64x4xf32>, vector<64x124xf32> -> vector<64x128xf32>
      %slice3A_1281 = vector.extract_strided_slice %select_n3A_1274 {offsets = [0, 4], sizes = [64, 124], strides = [1, 1]} : vector<64x128xi32> to vector<64x124xi32>
      %slice3A_1282 = vector.extract_strided_slice %select_n3A_1274 {offsets = [0, 0], sizes = [64, 4], strides = [1, 1]} : vector<64x128xi32> to vector<64x4xi32>
      %concatenate3A_1283 = tpu.concatenate %slice3A_1281, %slice3A_1282 in 1 : vector<64x124xi32>, vector<64x4xi32> -> vector<64x128xi32>
      %slice3A_1284 = vector.extract_strided_slice %select_n3A_1274 {offsets = [0, 124], sizes = [64, 4], strides = [1, 1]} : vector<64x128xi32> to vector<64x4xi32>
      %slice3A_1285 = vector.extract_strided_slice %select_n3A_1274 {offsets = [0, 0], sizes = [64, 124], strides = [1, 1]} : vector<64x128xi32> to vector<64x124xi32>
      %concatenate3A_1286 = tpu.concatenate %slice3A_1284, %slice3A_1285 in 1 : vector<64x4xi32>, vector<64x124xi32> -> vector<64x128xi32>
      %and3A_1287 = arith.constant 4 : i32
      %and3A_1288 = vector.broadcast %and3A_1287 : i32 to vector<64x128xi32>
      %and3A_1289 = arith.andi %iota3A_1029, %and3A_1288 : vector<64x128xi32>
      %eq3A_1290 = arith.constant 0 : i32
      %eq3A_1291 = vector.broadcast %eq3A_1290 : i32 to vector<64x128xi32>
      %eq3A_1292 = arith.cmpi eq, %and3A_1289, %eq3A_1291 : vector<64x128xi32>
      %select_n3A_1293 = arith.select %eq3A_1292, %concatenate3A_1277, %concatenate3A_1280 : vector<64x128xi1>, vector<64x128xf32>
      %select_n3A_1294 = arith.select %eq3A_1292, %concatenate3A_1283, %concatenate3A_1286 : vector<64x128xi1>, vector<64x128xi32>
      %gt3A_1295 = arith.cmpf ogt, %select_n3A_1273, %select_n3A_1293 : vector<64x128xf32>
      %eq3A_1296 = arith.cmpf oeq, %select_n3A_1273, %select_n3A_1293 : vector<64x128xf32>
      %lt3A_1297 = arith.cmpi slt, %select_n3A_1274, %select_n3A_1294 : vector<64x128xi32>
      %and3A_1298 = arith.andi %eq3A_1296, %lt3A_1297 : vector<64x128xi1>
      %or3A_1299 = arith.ori %gt3A_1295, %and3A_1298 : vector<64x128xi1>
      %and3A_1300 = arith.constant 16 : i32
      %and3A_1301 = vector.broadcast %and3A_1300 : i32 to vector<64x128xi32>
      %and3A_1302 = arith.andi %iota3A_1029, %and3A_1301 : vector<64x128xi32>
      %eq3A_1303 = arith.constant 0 : i32
      %eq3A_1304 = vector.broadcast %eq3A_1303 : i32 to vector<64x128xi32>
      %eq3A_1305 = arith.cmpi eq, %and3A_1302, %eq3A_1304 : vector<64x128xi32>
      %xor3A_1306 = arith.xori %eq3A_1305, %eq3A_1292 : vector<64x128xi1>
      %xor3A_1307 = arith.xori %or3A_1299, %xor3A_1306 : vector<64x128xi1>
      %select_n3A_1308 = arith.select %xor3A_1307, %select_n3A_1273, %select_n3A_1293 : vector<64x128xi1>, vector<64x128xf32>
      %select_n3A_1309 = arith.select %xor3A_1307, %select_n3A_1274, %select_n3A_1294 : vector<64x128xi1>, vector<64x128xi32>
      %slice3A_1310 = vector.extract_strided_slice %select_n3A_1308 {offsets = [0, 2], sizes = [64, 126], strides = [1, 1]} : vector<64x128xf32> to vector<64x126xf32>
      %slice3A_1311 = vector.extract_strided_slice %select_n3A_1308 {offsets = [0, 0], sizes = [64, 2], strides = [1, 1]} : vector<64x128xf32> to vector<64x2xf32>
      %concatenate3A_1312 = tpu.concatenate %slice3A_1310, %slice3A_1311 in 1 : vector<64x126xf32>, vector<64x2xf32> -> vector<64x128xf32>
      %slice3A_1313 = vector.extract_strided_slice %select_n3A_1308 {offsets = [0, 126], sizes = [64, 2], strides = [1, 1]} : vector<64x128xf32> to vector<64x2xf32>
      %slice3A_1314 = vector.extract_strided_slice %select_n3A_1308 {offsets = [0, 0], sizes = [64, 126], strides = [1, 1]} : vector<64x128xf32> to vector<64x126xf32>
      %concatenate3A_1315 = tpu.concatenate %slice3A_1313, %slice3A_1314 in 1 : vector<64x2xf32>, vector<64x126xf32> -> vector<64x128xf32>
      %slice3A_1316 = vector.extract_strided_slice %select_n3A_1309 {offsets = [0, 2], sizes = [64, 126], strides = [1, 1]} : vector<64x128xi32> to vector<64x126xi32>
      %slice3A_1317 = vector.extract_strided_slice %select_n3A_1309 {offsets = [0, 0], sizes = [64, 2], strides = [1, 1]} : vector<64x128xi32> to vector<64x2xi32>
      %concatenate3A_1318 = tpu.concatenate %slice3A_1316, %slice3A_1317 in 1 : vector<64x126xi32>, vector<64x2xi32> -> vector<64x128xi32>
      %slice3A_1319 = vector.extract_strided_slice %select_n3A_1309 {offsets = [0, 126], sizes = [64, 2], strides = [1, 1]} : vector<64x128xi32> to vector<64x2xi32>
      %slice3A_1320 = vector.extract_strided_slice %select_n3A_1309 {offsets = [0, 0], sizes = [64, 126], strides = [1, 1]} : vector<64x128xi32> to vector<64x126xi32>
      %concatenate3A_1321 = tpu.concatenate %slice3A_1319, %slice3A_1320 in 1 : vector<64x2xi32>, vector<64x126xi32> -> vector<64x128xi32>
      %and3A_1322 = arith.constant 2 : i32
      %and3A_1323 = vector.broadcast %and3A_1322 : i32 to vector<64x128xi32>
      %and3A_1324 = arith.andi %iota3A_1029, %and3A_1323 : vector<64x128xi32>
      %eq3A_1325 = arith.constant 0 : i32
      %eq3A_1326 = vector.broadcast %eq3A_1325 : i32 to vector<64x128xi32>
      %eq3A_1327 = arith.cmpi eq, %and3A_1324, %eq3A_1326 : vector<64x128xi32>
      %select_n3A_1328 = arith.select %eq3A_1327, %concatenate3A_1312, %concatenate3A_1315 : vector<64x128xi1>, vector<64x128xf32>
      %select_n3A_1329 = arith.select %eq3A_1327, %concatenate3A_1318, %concatenate3A_1321 : vector<64x128xi1>, vector<64x128xi32>
      %gt3A_1330 = arith.cmpf ogt, %select_n3A_1308, %select_n3A_1328 : vector<64x128xf32>
      %eq3A_1331 = arith.cmpf oeq, %select_n3A_1308, %select_n3A_1328 : vector<64x128xf32>
      %lt3A_1332 = arith.cmpi slt, %select_n3A_1309, %select_n3A_1329 : vector<64x128xi32>
      %and3A_1333 = arith.andi %eq3A_1331, %lt3A_1332 : vector<64x128xi1>
      %or3A_1334 = arith.ori %gt3A_1330, %and3A_1333 : vector<64x128xi1>
      %and3A_1335 = arith.constant 16 : i32
      %and3A_1336 = vector.broadcast %and3A_1335 : i32 to vector<64x128xi32>
      %and3A_1337 = arith.andi %iota3A_1029, %and3A_1336 : vector<64x128xi32>
      %eq3A_1338 = arith.constant 0 : i32
      %eq3A_1339 = vector.broadcast %eq3A_1338 : i32 to vector<64x128xi32>
      %eq3A_1340 = arith.cmpi eq, %and3A_1337, %eq3A_1339 : vector<64x128xi32>
      %xor3A_1341 = arith.xori %eq3A_1340, %eq3A_1327 : vector<64x128xi1>
      %xor3A_1342 = arith.xori %or3A_1334, %xor3A_1341 : vector<64x128xi1>
      %select_n3A_1343 = arith.select %xor3A_1342, %select_n3A_1308, %select_n3A_1328 : vector<64x128xi1>, vector<64x128xf32>
      %select_n3A_1344 = arith.select %xor3A_1342, %select_n3A_1309, %select_n3A_1329 : vector<64x128xi1>, vector<64x128xi32>
      %slice3A_1345 = vector.extract_strided_slice %select_n3A_1343 {offsets = [0, 1], sizes = [64, 127], strides = [1, 1]} : vector<64x128xf32> to vector<64x127xf32>
      %slice3A_1346 = vector.extract_strided_slice %select_n3A_1343 {offsets = [0, 0], sizes = [64, 1], strides = [1, 1]} : vector<64x128xf32> to vector<64x1xf32>
      %concatenate3A_1347 = tpu.concatenate %slice3A_1345, %slice3A_1346 in 1 : vector<64x127xf32>, vector<64x1xf32> -> vector<64x128xf32>
      %slice3A_1348 = vector.extract_strided_slice %select_n3A_1343 {offsets = [0, 127], sizes = [64, 1], strides = [1, 1]} : vector<64x128xf32> to vector<64x1xf32>
      %slice3A_1349 = vector.extract_strided_slice %select_n3A_1343 {offsets = [0, 0], sizes = [64, 127], strides = [1, 1]} : vector<64x128xf32> to vector<64x127xf32>
      %concatenate3A_1350 = tpu.concatenate %slice3A_1348, %slice3A_1349 in 1 : vector<64x1xf32>, vector<64x127xf32> -> vector<64x128xf32>
      %slice3A_1351 = vector.extract_strided_slice %select_n3A_1344 {offsets = [0, 1], sizes = [64, 127], strides = [1, 1]} : vector<64x128xi32> to vector<64x127xi32>
      %slice3A_1352 = vector.extract_strided_slice %select_n3A_1344 {offsets = [0, 0], sizes = [64, 1], strides = [1, 1]} : vector<64x128xi32> to vector<64x1xi32>
      %concatenate3A_1353 = tpu.concatenate %slice3A_1351, %slice3A_1352 in 1 : vector<64x127xi32>, vector<64x1xi32> -> vector<64x128xi32>
      %slice3A_1354 = vector.extract_strided_slice %select_n3A_1344 {offsets = [0, 127], sizes = [64, 1], strides = [1, 1]} : vector<64x128xi32> to vector<64x1xi32>
      %slice3A_1355 = vector.extract_strided_slice %select_n3A_1344 {offsets = [0, 0], sizes = [64, 127], strides = [1, 1]} : vector<64x128xi32> to vector<64x127xi32>
      %concatenate3A_1356 = tpu.concatenate %slice3A_1354, %slice3A_1355 in 1 : vector<64x1xi32>, vector<64x127xi32> -> vector<64x128xi32>
      %and3A_1357 = arith.constant 1 : i32
      %and3A_1358 = vector.broadcast %and3A_1357 : i32 to vector<64x128xi32>
      %and3A_1359 = arith.andi %iota3A_1029, %and3A_1358 : vector<64x128xi32>
      %eq3A_1360 = arith.constant 0 : i32
      %eq3A_1361 = vector.broadcast %eq3A_1360 : i32 to vector<64x128xi32>
      %eq3A_1362 = arith.cmpi eq, %and3A_1359, %eq3A_1361 : vector<64x128xi32>
      %select_n3A_1363 = arith.select %eq3A_1362, %concatenate3A_1347, %concatenate3A_1350 : vector<64x128xi1>, vector<64x128xf32>
      %select_n3A_1364 = arith.select %eq3A_1362, %concatenate3A_1353, %concatenate3A_1356 : vector<64x128xi1>, vector<64x128xi32>
      %gt3A_1365 = arith.cmpf ogt, %select_n3A_1343, %select_n3A_1363 : vector<64x128xf32>
      %eq3A_1366 = arith.cmpf oeq, %select_n3A_1343, %select_n3A_1363 : vector<64x128xf32>
      %lt3A_1367 = arith.cmpi slt, %select_n3A_1344, %select_n3A_1364 : vector<64x128xi32>
      %and3A_1368 = arith.andi %eq3A_1366, %lt3A_1367 : vector<64x128xi1>
      %or3A_1369 = arith.ori %gt3A_1365, %and3A_1368 : vector<64x128xi1>
      %and3A_1370 = arith.constant 16 : i32
      %and3A_1371 = vector.broadcast %and3A_1370 : i32 to vector<64x128xi32>
      %and3A_1372 = arith.andi %iota3A_1029, %and3A_1371 : vector<64x128xi32>
      %eq3A_1373 = arith.constant 0 : i32
      %eq3A_1374 = vector.broadcast %eq3A_1373 : i32 to vector<64x128xi32>
      %eq3A_1375 = arith.cmpi eq, %and3A_1372, %eq3A_1374 : vector<64x128xi32>
      %xor3A_1376 = arith.xori %eq3A_1375, %eq3A_1362 : vector<64x128xi1>
      %xor3A_1377 = arith.xori %or3A_1369, %xor3A_1376 : vector<64x128xi1>
      %select_n3A_1378 = arith.select %xor3A_1377, %select_n3A_1343, %select_n3A_1363 : vector<64x128xi1>, vector<64x128xf32>
      %select_n3A_1379 = arith.select %xor3A_1377, %select_n3A_1344, %select_n3A_1364 : vector<64x128xi1>, vector<64x128xi32>
      %slice3A_1380 = vector.extract_strided_slice %select_n3A_1378 {offsets = [0, 16], sizes = [64, 112], strides = [1, 1]} : vector<64x128xf32> to vector<64x112xf32>
      %slice3A_1381 = vector.extract_strided_slice %select_n3A_1378 {offsets = [0, 0], sizes = [64, 16], strides = [1, 1]} : vector<64x128xf32> to vector<64x16xf32>
      %concatenate3A_1382 = tpu.concatenate %slice3A_1380, %slice3A_1381 in 1 : vector<64x112xf32>, vector<64x16xf32> -> vector<64x128xf32>
      %slice3A_1383 = vector.extract_strided_slice %select_n3A_1378 {offsets = [0, 112], sizes = [64, 16], strides = [1, 1]} : vector<64x128xf32> to vector<64x16xf32>
      %slice3A_1384 = vector.extract_strided_slice %select_n3A_1378 {offsets = [0, 0], sizes = [64, 112], strides = [1, 1]} : vector<64x128xf32> to vector<64x112xf32>
      %concatenate3A_1385 = tpu.concatenate %slice3A_1383, %slice3A_1384 in 1 : vector<64x16xf32>, vector<64x112xf32> -> vector<64x128xf32>
      %slice3A_1386 = vector.extract_strided_slice %select_n3A_1379 {offsets = [0, 16], sizes = [64, 112], strides = [1, 1]} : vector<64x128xi32> to vector<64x112xi32>
      %slice3A_1387 = vector.extract_strided_slice %select_n3A_1379 {offsets = [0, 0], sizes = [64, 16], strides = [1, 1]} : vector<64x128xi32> to vector<64x16xi32>
      %concatenate3A_1388 = tpu.concatenate %slice3A_1386, %slice3A_1387 in 1 : vector<64x112xi32>, vector<64x16xi32> -> vector<64x128xi32>
      %slice3A_1389 = vector.extract_strided_slice %select_n3A_1379 {offsets = [0, 112], sizes = [64, 16], strides = [1, 1]} : vector<64x128xi32> to vector<64x16xi32>
      %slice3A_1390 = vector.extract_strided_slice %select_n3A_1379 {offsets = [0, 0], sizes = [64, 112], strides = [1, 1]} : vector<64x128xi32> to vector<64x112xi32>
      %concatenate3A_1391 = tpu.concatenate %slice3A_1389, %slice3A_1390 in 1 : vector<64x16xi32>, vector<64x112xi32> -> vector<64x128xi32>
      %and3A_1392 = arith.constant 16 : i32
      %and3A_1393 = vector.broadcast %and3A_1392 : i32 to vector<64x128xi32>
      %and3A_1394 = arith.andi %iota3A_1029, %and3A_1393 : vector<64x128xi32>
      %eq3A_1395 = arith.constant 0 : i32
      %eq3A_1396 = vector.broadcast %eq3A_1395 : i32 to vector<64x128xi32>
      %eq3A_1397 = arith.cmpi eq, %and3A_1394, %eq3A_1396 : vector<64x128xi32>
      %select_n3A_1398 = arith.select %eq3A_1397, %concatenate3A_1382, %concatenate3A_1385 : vector<64x128xi1>, vector<64x128xf32>
      %select_n3A_1399 = arith.select %eq3A_1397, %concatenate3A_1388, %concatenate3A_1391 : vector<64x128xi1>, vector<64x128xi32>
      %gt3A_1400 = arith.cmpf ogt, %select_n3A_1378, %select_n3A_1398 : vector<64x128xf32>
      %eq3A_1401 = arith.cmpf oeq, %select_n3A_1378, %select_n3A_1398 : vector<64x128xf32>
      %lt3A_1402 = arith.cmpi slt, %select_n3A_1379, %select_n3A_1399 : vector<64x128xi32>
      %and3A_1403 = arith.andi %eq3A_1401, %lt3A_1402 : vector<64x128xi1>
      %or3A_1404 = arith.ori %gt3A_1400, %and3A_1403 : vector<64x128xi1>
      %and3A_1405 = arith.constant 32 : i32
      %and3A_1406 = vector.broadcast %and3A_1405 : i32 to vector<64x128xi32>
      %and3A_1407 = arith.andi %iota3A_1029, %and3A_1406 : vector<64x128xi32>
      %eq3A_1408 = arith.constant 0 : i32
      %eq3A_1409 = vector.broadcast %eq3A_1408 : i32 to vector<64x128xi32>
      %eq3A_1410 = arith.cmpi eq, %and3A_1407, %eq3A_1409 : vector<64x128xi32>
      %xor3A_1411 = arith.xori %eq3A_1410, %eq3A_1397 : vector<64x128xi1>
      %xor3A_1412 = arith.xori %or3A_1404, %xor3A_1411 : vector<64x128xi1>
      %select_n3A_1413 = arith.select %xor3A_1412, %select_n3A_1378, %select_n3A_1398 : vector<64x128xi1>, vector<64x128xf32>
      %select_n3A_1414 = arith.select %xor3A_1412, %select_n3A_1379, %select_n3A_1399 : vector<64x128xi1>, vector<64x128xi32>
      %slice3A_1415 = vector.extract_strided_slice %select_n3A_1413 {offsets = [0, 8], sizes = [64, 120], strides = [1, 1]} : vector<64x128xf32> to vector<64x120xf32>
      %slice3A_1416 = vector.extract_strided_slice %select_n3A_1413 {offsets = [0, 0], sizes = [64, 8], strides = [1, 1]} : vector<64x128xf32> to vector<64x8xf32>
      %concatenate3A_1417 = tpu.concatenate %slice3A_1415, %slice3A_1416 in 1 : vector<64x120xf32>, vector<64x8xf32> -> vector<64x128xf32>
      %slice3A_1418 = vector.extract_strided_slice %select_n3A_1413 {offsets = [0, 120], sizes = [64, 8], strides = [1, 1]} : vector<64x128xf32> to vector<64x8xf32>
      %slice3A_1419 = vector.extract_strided_slice %select_n3A_1413 {offsets = [0, 0], sizes = [64, 120], strides = [1, 1]} : vector<64x128xf32> to vector<64x120xf32>
      %concatenate3A_1420 = tpu.concatenate %slice3A_1418, %slice3A_1419 in 1 : vector<64x8xf32>, vector<64x120xf32> -> vector<64x128xf32>
      %slice3A_1421 = vector.extract_strided_slice %select_n3A_1414 {offsets = [0, 8], sizes = [64, 120], strides = [1, 1]} : vector<64x128xi32> to vector<64x120xi32>
      %slice3A_1422 = vector.extract_strided_slice %select_n3A_1414 {offsets = [0, 0], sizes = [64, 8], strides = [1, 1]} : vector<64x128xi32> to vector<64x8xi32>
      %concatenate3A_1423 = tpu.concatenate %slice3A_1421, %slice3A_1422 in 1 : vector<64x120xi32>, vector<64x8xi32> -> vector<64x128xi32>
      %slice3A_1424 = vector.extract_strided_slice %select_n3A_1414 {offsets = [0, 120], sizes = [64, 8], strides = [1, 1]} : vector<64x128xi32> to vector<64x8xi32>
      %slice3A_1425 = vector.extract_strided_slice %select_n3A_1414 {offsets = [0, 0], sizes = [64, 120], strides = [1, 1]} : vector<64x128xi32> to vector<64x120xi32>
      %concatenate3A_1426 = tpu.concatenate %slice3A_1424, %slice3A_1425 in 1 : vector<64x8xi32>, vector<64x120xi32> -> vector<64x128xi32>
      %and3A_1427 = arith.constant 8 : i32
      %and3A_1428 = vector.broadcast %and3A_1427 : i32 to vector<64x128xi32>
      %and3A_1429 = arith.andi %iota3A_1029, %and3A_1428 : vector<64x128xi32>
      %eq3A_1430 = arith.constant 0 : i32
      %eq3A_1431 = vector.broadcast %eq3A_1430 : i32 to vector<64x128xi32>
      %eq3A_1432 = arith.cmpi eq, %and3A_1429, %eq3A_1431 : vector<64x128xi32>
      %select_n3A_1433 = arith.select %eq3A_1432, %concatenate3A_1417, %concatenate3A_1420 : vector<64x128xi1>, vector<64x128xf32>
      %select_n3A_1434 = arith.select %eq3A_1432, %concatenate3A_1423, %concatenate3A_1426 : vector<64x128xi1>, vector<64x128xi32>
      %gt3A_1435 = arith.cmpf ogt, %select_n3A_1413, %select_n3A_1433 : vector<64x128xf32>
      %eq3A_1436 = arith.cmpf oeq, %select_n3A_1413, %select_n3A_1433 : vector<64x128xf32>
      %lt3A_1437 = arith.cmpi slt, %select_n3A_1414, %select_n3A_1434 : vector<64x128xi32>
      %and3A_1438 = arith.andi %eq3A_1436, %lt3A_1437 : vector<64x128xi1>
      %or3A_1439 = arith.ori %gt3A_1435, %and3A_1438 : vector<64x128xi1>
      %and3A_1440 = arith.constant 32 : i32
      %and3A_1441 = vector.broadcast %and3A_1440 : i32 to vector<64x128xi32>
      %and3A_1442 = arith.andi %iota3A_1029, %and3A_1441 : vector<64x128xi32>
      %eq3A_1443 = arith.constant 0 : i32
      %eq3A_1444 = vector.broadcast %eq3A_1443 : i32 to vector<64x128xi32>
      %eq3A_1445 = arith.cmpi eq, %and3A_1442, %eq3A_1444 : vector<64x128xi32>
      %xor3A_1446 = arith.xori %eq3A_1445, %eq3A_1432 : vector<64x128xi1>
      %xor3A_1447 = arith.xori %or3A_1439, %xor3A_1446 : vector<64x128xi1>
      %select_n3A_1448 = arith.select %xor3A_1447, %select_n3A_1413, %select_n3A_1433 : vector<64x128xi1>, vector<64x128xf32>
      %select_n3A_1449 = arith.select %xor3A_1447, %select_n3A_1414, %select_n3A_1434 : vector<64x128xi1>, vector<64x128xi32>
      %slice3A_1450 = vector.extract_strided_slice %select_n3A_1448 {offsets = [0, 4], sizes = [64, 124], strides = [1, 1]} : vector<64x128xf32> to vector<64x124xf32>
      %slice3A_1451 = vector.extract_strided_slice %select_n3A_1448 {offsets = [0, 0], sizes = [64, 4], strides = [1, 1]} : vector<64x128xf32> to vector<64x4xf32>
      %concatenate3A_1452 = tpu.concatenate %slice3A_1450, %slice3A_1451 in 1 : vector<64x124xf32>, vector<64x4xf32> -> vector<64x128xf32>
      %slice3A_1453 = vector.extract_strided_slice %select_n3A_1448 {offsets = [0, 124], sizes = [64, 4], strides = [1, 1]} : vector<64x128xf32> to vector<64x4xf32>
      %slice3A_1454 = vector.extract_strided_slice %select_n3A_1448 {offsets = [0, 0], sizes = [64, 124], strides = [1, 1]} : vector<64x128xf32> to vector<64x124xf32>
      %concatenate3A_1455 = tpu.concatenate %slice3A_1453, %slice3A_1454 in 1 : vector<64x4xf32>, vector<64x124xf32> -> vector<64x128xf32>
      %slice3A_1456 = vector.extract_strided_slice %select_n3A_1449 {offsets = [0, 4], sizes = [64, 124], strides = [1, 1]} : vector<64x128xi32> to vector<64x124xi32>
      %slice3A_1457 = vector.extract_strided_slice %select_n3A_1449 {offsets = [0, 0], sizes = [64, 4], strides = [1, 1]} : vector<64x128xi32> to vector<64x4xi32>
      %concatenate3A_1458 = tpu.concatenate %slice3A_1456, %slice3A_1457 in 1 : vector<64x124xi32>, vector<64x4xi32> -> vector<64x128xi32>
      %slice3A_1459 = vector.extract_strided_slice %select_n3A_1449 {offsets = [0, 124], sizes = [64, 4], strides = [1, 1]} : vector<64x128xi32> to vector<64x4xi32>
      %slice3A_1460 = vector.extract_strided_slice %select_n3A_1449 {offsets = [0, 0], sizes = [64, 124], strides = [1, 1]} : vector<64x128xi32> to vector<64x124xi32>
      %concatenate3A_1461 = tpu.concatenate %slice3A_1459, %slice3A_1460 in 1 : vector<64x4xi32>, vector<64x124xi32> -> vector<64x128xi32>
      %and3A_1462 = arith.constant 4 : i32
      %and3A_1463 = vector.broadcast %and3A_1462 : i32 to vector<64x128xi32>
      %and3A_1464 = arith.andi %iota3A_1029, %and3A_1463 : vector<64x128xi32>
      %eq3A_1465 = arith.constant 0 : i32
      %eq3A_1466 = vector.broadcast %eq3A_1465 : i32 to vector<64x128xi32>
      %eq3A_1467 = arith.cmpi eq, %and3A_1464, %eq3A_1466 : vector<64x128xi32>
      %select_n3A_1468 = arith.select %eq3A_1467, %concatenate3A_1452, %concatenate3A_1455 : vector<64x128xi1>, vector<64x128xf32>
      %select_n3A_1469 = arith.select %eq3A_1467, %concatenate3A_1458, %concatenate3A_1461 : vector<64x128xi1>, vector<64x128xi32>
      %gt3A_1470 = arith.cmpf ogt, %select_n3A_1448, %select_n3A_1468 : vector<64x128xf32>
      %eq3A_1471 = arith.cmpf oeq, %select_n3A_1448, %select_n3A_1468 : vector<64x128xf32>
      %lt3A_1472 = arith.cmpi slt, %select_n3A_1449, %select_n3A_1469 : vector<64x128xi32>
      %and3A_1473 = arith.andi %eq3A_1471, %lt3A_1472 : vector<64x128xi1>
      %or3A_1474 = arith.ori %gt3A_1470, %and3A_1473 : vector<64x128xi1>
      %and3A_1475 = arith.constant 32 : i32
      %and3A_1476 = vector.broadcast %and3A_1475 : i32 to vector<64x128xi32>
      %and3A_1477 = arith.andi %iota3A_1029, %and3A_1476 : vector<64x128xi32>
      %eq3A_1478 = arith.constant 0 : i32
      %eq3A_1479 = vector.broadcast %eq3A_1478 : i32 to vector<64x128xi32>
      %eq3A_1480 = arith.cmpi eq, %and3A_1477, %eq3A_1479 : vector<64x128xi32>
      %xor3A_1481 = arith.xori %eq3A_1480, %eq3A_1467 : vector<64x128xi1>
      %xor3A_1482 = arith.xori %or3A_1474, %xor3A_1481 : vector<64x128xi1>
      %select_n3A_1483 = arith.select %xor3A_1482, %select_n3A_1448, %select_n3A_1468 : vector<64x128xi1>, vector<64x128xf32>
      %select_n3A_1484 = arith.select %xor3A_1482, %select_n3A_1449, %select_n3A_1469 : vector<64x128xi1>, vector<64x128xi32>
      %slice3A_1485 = vector.extract_strided_slice %select_n3A_1483 {offsets = [0, 2], sizes = [64, 126], strides = [1, 1]} : vector<64x128xf32> to vector<64x126xf32>
      %slice3A_1486 = vector.extract_strided_slice %select_n3A_1483 {offsets = [0, 0], sizes = [64, 2], strides = [1, 1]} : vector<64x128xf32> to vector<64x2xf32>
      %concatenate3A_1487 = tpu.concatenate %slice3A_1485, %slice3A_1486 in 1 : vector<64x126xf32>, vector<64x2xf32> -> vector<64x128xf32>
      %slice3A_1488 = vector.extract_strided_slice %select_n3A_1483 {offsets = [0, 126], sizes = [64, 2], strides = [1, 1]} : vector<64x128xf32> to vector<64x2xf32>
      %slice3A_1489 = vector.extract_strided_slice %select_n3A_1483 {offsets = [0, 0], sizes = [64, 126], strides = [1, 1]} : vector<64x128xf32> to vector<64x126xf32>
      %concatenate3A_1490 = tpu.concatenate %slice3A_1488, %slice3A_1489 in 1 : vector<64x2xf32>, vector<64x126xf32> -> vector<64x128xf32>
      %slice3A_1491 = vector.extract_strided_slice %select_n3A_1484 {offsets = [0, 2], sizes = [64, 126], strides = [1, 1]} : vector<64x128xi32> to vector<64x126xi32>
      %slice3A_1492 = vector.extract_strided_slice %select_n3A_1484 {offsets = [0, 0], sizes = [64, 2], strides = [1, 1]} : vector<64x128xi32> to vector<64x2xi32>
      %concatenate3A_1493 = tpu.concatenate %slice3A_1491, %slice3A_1492 in 1 : vector<64x126xi32>, vector<64x2xi32> -> vector<64x128xi32>
      %slice3A_1494 = vector.extract_strided_slice %select_n3A_1484 {offsets = [0, 126], sizes = [64, 2], strides = [1, 1]} : vector<64x128xi32> to vector<64x2xi32>
      %slice3A_1495 = vector.extract_strided_slice %select_n3A_1484 {offsets = [0, 0], sizes = [64, 126], strides = [1, 1]} : vector<64x128xi32> to vector<64x126xi32>
      %concatenate3A_1496 = tpu.concatenate %slice3A_1494, %slice3A_1495 in 1 : vector<64x2xi32>, vector<64x126xi32> -> vector<64x128xi32>
      %and3A_1497 = arith.constant 2 : i32
      %and3A_1498 = vector.broadcast %and3A_1497 : i32 to vector<64x128xi32>
      %and3A_1499 = arith.andi %iota3A_1029, %and3A_1498 : vector<64x128xi32>
      %eq3A_1500 = arith.constant 0 : i32
      %eq3A_1501 = vector.broadcast %eq3A_1500 : i32 to vector<64x128xi32>
      %eq3A_1502 = arith.cmpi eq, %and3A_1499, %eq3A_1501 : vector<64x128xi32>
      %select_n3A_1503 = arith.select %eq3A_1502, %concatenate3A_1487, %concatenate3A_1490 : vector<64x128xi1>, vector<64x128xf32>
      %select_n3A_1504 = arith.select %eq3A_1502, %concatenate3A_1493, %concatenate3A_1496 : vector<64x128xi1>, vector<64x128xi32>
      %gt3A_1505 = arith.cmpf ogt, %select_n3A_1483, %select_n3A_1503 : vector<64x128xf32>
      %eq3A_1506 = arith.cmpf oeq, %select_n3A_1483, %select_n3A_1503 : vector<64x128xf32>
      %lt3A_1507 = arith.cmpi slt, %select_n3A_1484, %select_n3A_1504 : vector<64x128xi32>
      %and3A_1508 = arith.andi %eq3A_1506, %lt3A_1507 : vector<64x128xi1>
      %or3A_1509 = arith.ori %gt3A_1505, %and3A_1508 : vector<64x128xi1>
      %and3A_1510 = arith.constant 32 : i32
      %and3A_1511 = vector.broadcast %and3A_1510 : i32 to vector<64x128xi32>
      %and3A_1512 = arith.andi %iota3A_1029, %and3A_1511 : vector<64x128xi32>
      %eq3A_1513 = arith.constant 0 : i32
      %eq3A_1514 = vector.broadcast %eq3A_1513 : i32 to vector<64x128xi32>
      %eq3A_1515 = arith.cmpi eq, %and3A_1512, %eq3A_1514 : vector<64x128xi32>
      %xor3A_1516 = arith.xori %eq3A_1515, %eq3A_1502 : vector<64x128xi1>
      %xor3A_1517 = arith.xori %or3A_1509, %xor3A_1516 : vector<64x128xi1>
      %select_n3A_1518 = arith.select %xor3A_1517, %select_n3A_1483, %select_n3A_1503 : vector<64x128xi1>, vector<64x128xf32>
      %select_n3A_1519 = arith.select %xor3A_1517, %select_n3A_1484, %select_n3A_1504 : vector<64x128xi1>, vector<64x128xi32>
      %slice3A_1520 = vector.extract_strided_slice %select_n3A_1518 {offsets = [0, 1], sizes = [64, 127], strides = [1, 1]} : vector<64x128xf32> to vector<64x127xf32>
      %slice3A_1521 = vector.extract_strided_slice %select_n3A_1518 {offsets = [0, 0], sizes = [64, 1], strides = [1, 1]} : vector<64x128xf32> to vector<64x1xf32>
      %concatenate3A_1522 = tpu.concatenate %slice3A_1520, %slice3A_1521 in 1 : vector<64x127xf32>, vector<64x1xf32> -> vector<64x128xf32>
      %slice3A_1523 = vector.extract_strided_slice %select_n3A_1518 {offsets = [0, 127], sizes = [64, 1], strides = [1, 1]} : vector<64x128xf32> to vector<64x1xf32>
      %slice3A_1524 = vector.extract_strided_slice %select_n3A_1518 {offsets = [0, 0], sizes = [64, 127], strides = [1, 1]} : vector<64x128xf32> to vector<64x127xf32>
      %concatenate3A_1525 = tpu.concatenate %slice3A_1523, %slice3A_1524 in 1 : vector<64x1xf32>, vector<64x127xf32> -> vector<64x128xf32>
      %slice3A_1526 = vector.extract_strided_slice %select_n3A_1519 {offsets = [0, 1], sizes = [64, 127], strides = [1, 1]} : vector<64x128xi32> to vector<64x127xi32>
      %slice3A_1527 = vector.extract_strided_slice %select_n3A_1519 {offsets = [0, 0], sizes = [64, 1], strides = [1, 1]} : vector<64x128xi32> to vector<64x1xi32>
      %concatenate3A_1528 = tpu.concatenate %slice3A_1526, %slice3A_1527 in 1 : vector<64x127xi32>, vector<64x1xi32> -> vector<64x128xi32>
      %slice3A_1529 = vector.extract_strided_slice %select_n3A_1519 {offsets = [0, 127], sizes = [64, 1], strides = [1, 1]} : vector<64x128xi32> to vector<64x1xi32>
      %slice3A_1530 = vector.extract_strided_slice %select_n3A_1519 {offsets = [0, 0], sizes = [64, 127], strides = [1, 1]} : vector<64x128xi32> to vector<64x127xi32>
      %concatenate3A_1531 = tpu.concatenate %slice3A_1529, %slice3A_1530 in 1 : vector<64x1xi32>, vector<64x127xi32> -> vector<64x128xi32>
      %and3A_1532 = arith.constant 1 : i32
      %and3A_1533 = vector.broadcast %and3A_1532 : i32 to vector<64x128xi32>
      %and3A_1534 = arith.andi %iota3A_1029, %and3A_1533 : vector<64x128xi32>
      %eq3A_1535 = arith.constant 0 : i32
      %eq3A_1536 = vector.broadcast %eq3A_1535 : i32 to vector<64x128xi32>
      %eq3A_1537 = arith.cmpi eq, %and3A_1534, %eq3A_1536 : vector<64x128xi32>
      %select_n3A_1538 = arith.select %eq3A_1537, %concatenate3A_1522, %concatenate3A_1525 : vector<64x128xi1>, vector<64x128xf32>
      %select_n3A_1539 = arith.select %eq3A_1537, %concatenate3A_1528, %concatenate3A_1531 : vector<64x128xi1>, vector<64x128xi32>
      %gt3A_1540 = arith.cmpf ogt, %select_n3A_1518, %select_n3A_1538 : vector<64x128xf32>
      %eq3A_1541 = arith.cmpf oeq, %select_n3A_1518, %select_n3A_1538 : vector<64x128xf32>
      %lt3A_1542 = arith.cmpi slt, %select_n3A_1519, %select_n3A_1539 : vector<64x128xi32>
      %and3A_1543 = arith.andi %eq3A_1541, %lt3A_1542 : vector<64x128xi1>
      %or3A_1544 = arith.ori %gt3A_1540, %and3A_1543 : vector<64x128xi1>
      %and3A_1545 = arith.constant 32 : i32
      %and3A_1546 = vector.broadcast %and3A_1545 : i32 to vector<64x128xi32>
      %and3A_1547 = arith.andi %iota3A_1029, %and3A_1546 : vector<64x128xi32>
      %eq3A_1548 = arith.constant 0 : i32
      %eq3A_1549 = vector.broadcast %eq3A_1548 : i32 to vector<64x128xi32>
      %eq3A_1550 = arith.cmpi eq, %and3A_1547, %eq3A_1549 : vector<64x128xi32>
      %xor3A_1551 = arith.xori %eq3A_1550, %eq3A_1537 : vector<64x128xi1>
      %xor3A_1552 = arith.xori %or3A_1544, %xor3A_1551 : vector<64x128xi1>
      %select_n3A_1553 = arith.select %xor3A_1552, %select_n3A_1518, %select_n3A_1538 : vector<64x128xi1>, vector<64x128xf32>
      %select_n3A_1554 = arith.select %xor3A_1552, %select_n3A_1519, %select_n3A_1539 : vector<64x128xi1>, vector<64x128xi32>
      %slice3A_1555 = vector.extract_strided_slice %select_n3A_1553 {offsets = [0, 32], sizes = [64, 96], strides = [1, 1]} : vector<64x128xf32> to vector<64x96xf32>
      %slice3A_1556 = vector.extract_strided_slice %select_n3A_1553 {offsets = [0, 0], sizes = [64, 32], strides = [1, 1]} : vector<64x128xf32> to vector<64x32xf32>
      %concatenate3A_1557 = tpu.concatenate %slice3A_1555, %slice3A_1556 in 1 : vector<64x96xf32>, vector<64x32xf32> -> vector<64x128xf32>
      %slice3A_1558 = vector.extract_strided_slice %select_n3A_1553 {offsets = [0, 96], sizes = [64, 32], strides = [1, 1]} : vector<64x128xf32> to vector<64x32xf32>
      %slice3A_1559 = vector.extract_strided_slice %select_n3A_1553 {offsets = [0, 0], sizes = [64, 96], strides = [1, 1]} : vector<64x128xf32> to vector<64x96xf32>
      %concatenate3A_1560 = tpu.concatenate %slice3A_1558, %slice3A_1559 in 1 : vector<64x32xf32>, vector<64x96xf32> -> vector<64x128xf32>
      %slice3A_1561 = vector.extract_strided_slice %select_n3A_1554 {offsets = [0, 32], sizes = [64, 96], strides = [1, 1]} : vector<64x128xi32> to vector<64x96xi32>
      %slice3A_1562 = vector.extract_strided_slice %select_n3A_1554 {offsets = [0, 0], sizes = [64, 32], strides = [1, 1]} : vector<64x128xi32> to vector<64x32xi32>
      %concatenate3A_1563 = tpu.concatenate %slice3A_1561, %slice3A_1562 in 1 : vector<64x96xi32>, vector<64x32xi32> -> vector<64x128xi32>
      %slice3A_1564 = vector.extract_strided_slice %select_n3A_1554 {offsets = [0, 96], sizes = [64, 32], strides = [1, 1]} : vector<64x128xi32> to vector<64x32xi32>
      %slice3A_1565 = vector.extract_strided_slice %select_n3A_1554 {offsets = [0, 0], sizes = [64, 96], strides = [1, 1]} : vector<64x128xi32> to vector<64x96xi32>
      %concatenate3A_1566 = tpu.concatenate %slice3A_1564, %slice3A_1565 in 1 : vector<64x32xi32>, vector<64x96xi32> -> vector<64x128xi32>
      %and3A_1567 = arith.constant 32 : i32
      %and3A_1568 = vector.broadcast %and3A_1567 : i32 to vector<64x128xi32>
      %and3A_1569 = arith.andi %iota3A_1029, %and3A_1568 : vector<64x128xi32>
      %eq3A_1570 = arith.constant 0 : i32
      %eq3A_1571 = vector.broadcast %eq3A_1570 : i32 to vector<64x128xi32>
      %eq3A_1572 = arith.cmpi eq, %and3A_1569, %eq3A_1571 : vector<64x128xi32>
      %select_n3A_1573 = arith.select %eq3A_1572, %concatenate3A_1557, %concatenate3A_1560 : vector<64x128xi1>, vector<64x128xf32>
      %select_n3A_1574 = arith.select %eq3A_1572, %concatenate3A_1563, %concatenate3A_1566 : vector<64x128xi1>, vector<64x128xi32>
      %gt3A_1575 = arith.cmpf ogt, %select_n3A_1553, %select_n3A_1573 : vector<64x128xf32>
      %eq3A_1576 = arith.cmpf oeq, %select_n3A_1553, %select_n3A_1573 : vector<64x128xf32>
      %lt3A_1577 = arith.cmpi slt, %select_n3A_1554, %select_n3A_1574 : vector<64x128xi32>
      %and3A_1578 = arith.andi %eq3A_1576, %lt3A_1577 : vector<64x128xi1>
      %or3A_1579 = arith.ori %gt3A_1575, %and3A_1578 : vector<64x128xi1>
      %and3A_1580 = arith.constant 64 : i32
      %and3A_1581 = vector.broadcast %and3A_1580 : i32 to vector<64x128xi32>
      %and3A_1582 = arith.andi %iota3A_1029, %and3A_1581 : vector<64x128xi32>
      %eq3A_1583 = arith.constant 0 : i32
      %eq3A_1584 = vector.broadcast %eq3A_1583 : i32 to vector<64x128xi32>
      %eq3A_1585 = arith.cmpi eq, %and3A_1582, %eq3A_1584 : vector<64x128xi32>
      %xor3A_1586 = arith.xori %eq3A_1585, %eq3A_1572 : vector<64x128xi1>
      %xor3A_1587 = arith.xori %or3A_1579, %xor3A_1586 : vector<64x128xi1>
      %select_n3A_1588 = arith.select %xor3A_1587, %select_n3A_1553, %select_n3A_1573 : vector<64x128xi1>, vector<64x128xf32>
      %select_n3A_1589 = arith.select %xor3A_1587, %select_n3A_1554, %select_n3A_1574 : vector<64x128xi1>, vector<64x128xi32>
      %slice3A_1590 = vector.extract_strided_slice %select_n3A_1588 {offsets = [0, 16], sizes = [64, 112], strides = [1, 1]} : vector<64x128xf32> to vector<64x112xf32>
      %slice3A_1591 = vector.extract_strided_slice %select_n3A_1588 {offsets = [0, 0], sizes = [64, 16], strides = [1, 1]} : vector<64x128xf32> to vector<64x16xf32>
      %concatenate3A_1592 = tpu.concatenate %slice3A_1590, %slice3A_1591 in 1 : vector<64x112xf32>, vector<64x16xf32> -> vector<64x128xf32>
      %slice3A_1593 = vector.extract_strided_slice %select_n3A_1588 {offsets = [0, 112], sizes = [64, 16], strides = [1, 1]} : vector<64x128xf32> to vector<64x16xf32>
      %slice3A_1594 = vector.extract_strided_slice %select_n3A_1588 {offsets = [0, 0], sizes = [64, 112], strides = [1, 1]} : vector<64x128xf32> to vector<64x112xf32>
      %concatenate3A_1595 = tpu.concatenate %slice3A_1593, %slice3A_1594 in 1 : vector<64x16xf32>, vector<64x112xf32> -> vector<64x128xf32>
      %slice3A_1596 = vector.extract_strided_slice %select_n3A_1589 {offsets = [0, 16], sizes = [64, 112], strides = [1, 1]} : vector<64x128xi32> to vector<64x112xi32>
      %slice3A_1597 = vector.extract_strided_slice %select_n3A_1589 {offsets = [0, 0], sizes = [64, 16], strides = [1, 1]} : vector<64x128xi32> to vector<64x16xi32>
      %concatenate3A_1598 = tpu.concatenate %slice3A_1596, %slice3A_1597 in 1 : vector<64x112xi32>, vector<64x16xi32> -> vector<64x128xi32>
      %slice3A_1599 = vector.extract_strided_slice %select_n3A_1589 {offsets = [0, 112], sizes = [64, 16], strides = [1, 1]} : vector<64x128xi32> to vector<64x16xi32>
      %slice3A_1600 = vector.extract_strided_slice %select_n3A_1589 {offsets = [0, 0], sizes = [64, 112], strides = [1, 1]} : vector<64x128xi32> to vector<64x112xi32>
      %concatenate3A_1601 = tpu.concatenate %slice3A_1599, %slice3A_1600 in 1 : vector<64x16xi32>, vector<64x112xi32> -> vector<64x128xi32>
      %and3A_1602 = arith.constant 16 : i32
      %and3A_1603 = vector.broadcast %and3A_1602 : i32 to vector<64x128xi32>
      %and3A_1604 = arith.andi %iota3A_1029, %and3A_1603 : vector<64x128xi32>
      %eq3A_1605 = arith.constant 0 : i32
      %eq3A_1606 = vector.broadcast %eq3A_1605 : i32 to vector<64x128xi32>
      %eq3A_1607 = arith.cmpi eq, %and3A_1604, %eq3A_1606 : vector<64x128xi32>
      %select_n3A_1608 = arith.select %eq3A_1607, %concatenate3A_1592, %concatenate3A_1595 : vector<64x128xi1>, vector<64x128xf32>
      %select_n3A_1609 = arith.select %eq3A_1607, %concatenate3A_1598, %concatenate3A_1601 : vector<64x128xi1>, vector<64x128xi32>
      %gt3A_1610 = arith.cmpf ogt, %select_n3A_1588, %select_n3A_1608 : vector<64x128xf32>
      %eq3A_1611 = arith.cmpf oeq, %select_n3A_1588, %select_n3A_1608 : vector<64x128xf32>
      %lt3A_1612 = arith.cmpi slt, %select_n3A_1589, %select_n3A_1609 : vector<64x128xi32>
      %and3A_1613 = arith.andi %eq3A_1611, %lt3A_1612 : vector<64x128xi1>
      %or3A_1614 = arith.ori %gt3A_1610, %and3A_1613 : vector<64x128xi1>
      %and3A_1615 = arith.constant 64 : i32
      %and3A_1616 = vector.broadcast %and3A_1615 : i32 to vector<64x128xi32>
      %and3A_1617 = arith.andi %iota3A_1029, %and3A_1616 : vector<64x128xi32>
      %eq3A_1618 = arith.constant 0 : i32
      %eq3A_1619 = vector.broadcast %eq3A_1618 : i32 to vector<64x128xi32>
      %eq3A_1620 = arith.cmpi eq, %and3A_1617, %eq3A_1619 : vector<64x128xi32>
      %xor3A_1621 = arith.xori %eq3A_1620, %eq3A_1607 : vector<64x128xi1>
      %xor3A_1622 = arith.xori %or3A_1614, %xor3A_1621 : vector<64x128xi1>
      %select_n3A_1623 = arith.select %xor3A_1622, %select_n3A_1588, %select_n3A_1608 : vector<64x128xi1>, vector<64x128xf32>
      %select_n3A_1624 = arith.select %xor3A_1622, %select_n3A_1589, %select_n3A_1609 : vector<64x128xi1>, vector<64x128xi32>
      %slice3A_1625 = vector.extract_strided_slice %select_n3A_1623 {offsets = [0, 8], sizes = [64, 120], strides = [1, 1]} : vector<64x128xf32> to vector<64x120xf32>
      %slice3A_1626 = vector.extract_strided_slice %select_n3A_1623 {offsets = [0, 0], sizes = [64, 8], strides = [1, 1]} : vector<64x128xf32> to vector<64x8xf32>
      %concatenate3A_1627 = tpu.concatenate %slice3A_1625, %slice3A_1626 in 1 : vector<64x120xf32>, vector<64x8xf32> -> vector<64x128xf32>
      %slice3A_1628 = vector.extract_strided_slice %select_n3A_1623 {offsets = [0, 120], sizes = [64, 8], strides = [1, 1]} : vector<64x128xf32> to vector<64x8xf32>
      %slice3A_1629 = vector.extract_strided_slice %select_n3A_1623 {offsets = [0, 0], sizes = [64, 120], strides = [1, 1]} : vector<64x128xf32> to vector<64x120xf32>
      %concatenate3A_1630 = tpu.concatenate %slice3A_1628, %slice3A_1629 in 1 : vector<64x8xf32>, vector<64x120xf32> -> vector<64x128xf32>
      %slice3A_1631 = vector.extract_strided_slice %select_n3A_1624 {offsets = [0, 8], sizes = [64, 120], strides = [1, 1]} : vector<64x128xi32> to vector<64x120xi32>
      %slice3A_1632 = vector.extract_strided_slice %select_n3A_1624 {offsets = [0, 0], sizes = [64, 8], strides = [1, 1]} : vector<64x128xi32> to vector<64x8xi32>
      %concatenate3A_1633 = tpu.concatenate %slice3A_1631, %slice3A_1632 in 1 : vector<64x120xi32>, vector<64x8xi32> -> vector<64x128xi32>
      %slice3A_1634 = vector.extract_strided_slice %select_n3A_1624 {offsets = [0, 120], sizes = [64, 8], strides = [1, 1]} : vector<64x128xi32> to vector<64x8xi32>
      %slice3A_1635 = vector.extract_strided_slice %select_n3A_1624 {offsets = [0, 0], sizes = [64, 120], strides = [1, 1]} : vector<64x128xi32> to vector<64x120xi32>
      %concatenate3A_1636 = tpu.concatenate %slice3A_1634, %slice3A_1635 in 1 : vector<64x8xi32>, vector<64x120xi32> -> vector<64x128xi32>
      %and3A_1637 = arith.constant 8 : i32
      %and3A_1638 = vector.broadcast %and3A_1637 : i32 to vector<64x128xi32>
      %and3A_1639 = arith.andi %iota3A_1029, %and3A_1638 : vector<64x128xi32>
      %eq3A_1640 = arith.constant 0 : i32
      %eq3A_1641 = vector.broadcast %eq3A_1640 : i32 to vector<64x128xi32>
      %eq3A_1642 = arith.cmpi eq, %and3A_1639, %eq3A_1641 : vector<64x128xi32>
      %select_n3A_1643 = arith.select %eq3A_1642, %concatenate3A_1627, %concatenate3A_1630 : vector<64x128xi1>, vector<64x128xf32>
      %select_n3A_1644 = arith.select %eq3A_1642, %concatenate3A_1633, %concatenate3A_1636 : vector<64x128xi1>, vector<64x128xi32>
      %gt3A_1645 = arith.cmpf ogt, %select_n3A_1623, %select_n3A_1643 : vector<64x128xf32>
      %eq3A_1646 = arith.cmpf oeq, %select_n3A_1623, %select_n3A_1643 : vector<64x128xf32>
      %lt3A_1647 = arith.cmpi slt, %select_n3A_1624, %select_n3A_1644 : vector<64x128xi32>
      %and3A_1648 = arith.andi %eq3A_1646, %lt3A_1647 : vector<64x128xi1>
      %or3A_1649 = arith.ori %gt3A_1645, %and3A_1648 : vector<64x128xi1>
      %and3A_1650 = arith.constant 64 : i32
      %and3A_1651 = vector.broadcast %and3A_1650 : i32 to vector<64x128xi32>
      %and3A_1652 = arith.andi %iota3A_1029, %and3A_1651 : vector<64x128xi32>
      %eq3A_1653 = arith.constant 0 : i32
      %eq3A_1654 = vector.broadcast %eq3A_1653 : i32 to vector<64x128xi32>
      %eq3A_1655 = arith.cmpi eq, %and3A_1652, %eq3A_1654 : vector<64x128xi32>
      %xor3A_1656 = arith.xori %eq3A_1655, %eq3A_1642 : vector<64x128xi1>
      %xor3A_1657 = arith.xori %or3A_1649, %xor3A_1656 : vector<64x128xi1>
      %select_n3A_1658 = arith.select %xor3A_1657, %select_n3A_1623, %select_n3A_1643 : vector<64x128xi1>, vector<64x128xf32>
      %select_n3A_1659 = arith.select %xor3A_1657, %select_n3A_1624, %select_n3A_1644 : vector<64x128xi1>, vector<64x128xi32>
      %slice3A_1660 = vector.extract_strided_slice %select_n3A_1658 {offsets = [0, 4], sizes = [64, 124], strides = [1, 1]} : vector<64x128xf32> to vector<64x124xf32>
      %slice3A_1661 = vector.extract_strided_slice %select_n3A_1658 {offsets = [0, 0], sizes = [64, 4], strides = [1, 1]} : vector<64x128xf32> to vector<64x4xf32>
      %concatenate3A_1662 = tpu.concatenate %slice3A_1660, %slice3A_1661 in 1 : vector<64x124xf32>, vector<64x4xf32> -> vector<64x128xf32>
      %slice3A_1663 = vector.extract_strided_slice %select_n3A_1658 {offsets = [0, 124], sizes = [64, 4], strides = [1, 1]} : vector<64x128xf32> to vector<64x4xf32>
      %slice3A_1664 = vector.extract_strided_slice %select_n3A_1658 {offsets = [0, 0], sizes = [64, 124], strides = [1, 1]} : vector<64x128xf32> to vector<64x124xf32>
      %concatenate3A_1665 = tpu.concatenate %slice3A_1663, %slice3A_1664 in 1 : vector<64x4xf32>, vector<64x124xf32> -> vector<64x128xf32>
      %slice3A_1666 = vector.extract_strided_slice %select_n3A_1659 {offsets = [0, 4], sizes = [64, 124], strides = [1, 1]} : vector<64x128xi32> to vector<64x124xi32>
      %slice3A_1667 = vector.extract_strided_slice %select_n3A_1659 {offsets = [0, 0], sizes = [64, 4], strides = [1, 1]} : vector<64x128xi32> to vector<64x4xi32>
      %concatenate3A_1668 = tpu.concatenate %slice3A_1666, %slice3A_1667 in 1 : vector<64x124xi32>, vector<64x4xi32> -> vector<64x128xi32>
      %slice3A_1669 = vector.extract_strided_slice %select_n3A_1659 {offsets = [0, 124], sizes = [64, 4], strides = [1, 1]} : vector<64x128xi32> to vector<64x4xi32>
      %slice3A_1670 = vector.extract_strided_slice %select_n3A_1659 {offsets = [0, 0], sizes = [64, 124], strides = [1, 1]} : vector<64x128xi32> to vector<64x124xi32>
      %concatenate3A_1671 = tpu.concatenate %slice3A_1669, %slice3A_1670 in 1 : vector<64x4xi32>, vector<64x124xi32> -> vector<64x128xi32>
      %and3A_1672 = arith.constant 4 : i32
      %and3A_1673 = vector.broadcast %and3A_1672 : i32 to vector<64x128xi32>
      %and3A_1674 = arith.andi %iota3A_1029, %and3A_1673 : vector<64x128xi32>
      %eq3A_1675 = arith.constant 0 : i32
      %eq3A_1676 = vector.broadcast %eq3A_1675 : i32 to vector<64x128xi32>
      %eq3A_1677 = arith.cmpi eq, %and3A_1674, %eq3A_1676 : vector<64x128xi32>
      %select_n3A_1678 = arith.select %eq3A_1677, %concatenate3A_1662, %concatenate3A_1665 : vector<64x128xi1>, vector<64x128xf32>
      %select_n3A_1679 = arith.select %eq3A_1677, %concatenate3A_1668, %concatenate3A_1671 : vector<64x128xi1>, vector<64x128xi32>
      %gt3A_1680 = arith.cmpf ogt, %select_n3A_1658, %select_n3A_1678 : vector<64x128xf32>
      %eq3A_1681 = arith.cmpf oeq, %select_n3A_1658, %select_n3A_1678 : vector<64x128xf32>
      %lt3A_1682 = arith.cmpi slt, %select_n3A_1659, %select_n3A_1679 : vector<64x128xi32>
      %and3A_1683 = arith.andi %eq3A_1681, %lt3A_1682 : vector<64x128xi1>
      %or3A_1684 = arith.ori %gt3A_1680, %and3A_1683 : vector<64x128xi1>
      %and3A_1685 = arith.constant 64 : i32
      %and3A_1686 = vector.broadcast %and3A_1685 : i32 to vector<64x128xi32>
      %and3A_1687 = arith.andi %iota3A_1029, %and3A_1686 : vector<64x128xi32>
      %eq3A_1688 = arith.constant 0 : i32
      %eq3A_1689 = vector.broadcast %eq3A_1688 : i32 to vector<64x128xi32>
      %eq3A_1690 = arith.cmpi eq, %and3A_1687, %eq3A_1689 : vector<64x128xi32>
      %xor3A_1691 = arith.xori %eq3A_1690, %eq3A_1677 : vector<64x128xi1>
      %xor3A_1692 = arith.xori %or3A_1684, %xor3A_1691 : vector<64x128xi1>
      %select_n3A_1693 = arith.select %xor3A_1692, %select_n3A_1658, %select_n3A_1678 : vector<64x128xi1>, vector<64x128xf32>
      %select_n3A_1694 = arith.select %xor3A_1692, %select_n3A_1659, %select_n3A_1679 : vector<64x128xi1>, vector<64x128xi32>
      %slice3A_1695 = vector.extract_strided_slice %select_n3A_1693 {offsets = [0, 2], sizes = [64, 126], strides = [1, 1]} : vector<64x128xf32> to vector<64x126xf32>
      %slice3A_1696 = vector.extract_strided_slice %select_n3A_1693 {offsets = [0, 0], sizes = [64, 2], strides = [1, 1]} : vector<64x128xf32> to vector<64x2xf32>
      %concatenate3A_1697 = tpu.concatenate %slice3A_1695, %slice3A_1696 in 1 : vector<64x126xf32>, vector<64x2xf32> -> vector<64x128xf32>
      %slice3A_1698 = vector.extract_strided_slice %select_n3A_1693 {offsets = [0, 126], sizes = [64, 2], strides = [1, 1]} : vector<64x128xf32> to vector<64x2xf32>
      %slice3A_1699 = vector.extract_strided_slice %select_n3A_1693 {offsets = [0, 0], sizes = [64, 126], strides = [1, 1]} : vector<64x128xf32> to vector<64x126xf32>
      %concatenate3A_1700 = tpu.concatenate %slice3A_1698, %slice3A_1699 in 1 : vector<64x2xf32>, vector<64x126xf32> -> vector<64x128xf32>
      %slice3A_1701 = vector.extract_strided_slice %select_n3A_1694 {offsets = [0, 2], sizes = [64, 126], strides = [1, 1]} : vector<64x128xi32> to vector<64x126xi32>
      %slice3A_1702 = vector.extract_strided_slice %select_n3A_1694 {offsets = [0, 0], sizes = [64, 2], strides = [1, 1]} : vector<64x128xi32> to vector<64x2xi32>
      %concatenate3A_1703 = tpu.concatenate %slice3A_1701, %slice3A_1702 in 1 : vector<64x126xi32>, vector<64x2xi32> -> vector<64x128xi32>
      %slice3A_1704 = vector.extract_strided_slice %select_n3A_1694 {offsets = [0, 126], sizes = [64, 2], strides = [1, 1]} : vector<64x128xi32> to vector<64x2xi32>
      %slice3A_1705 = vector.extract_strided_slice %select_n3A_1694 {offsets = [0, 0], sizes = [64, 126], strides = [1, 1]} : vector<64x128xi32> to vector<64x126xi32>
      %concatenate3A_1706 = tpu.concatenate %slice3A_1704, %slice3A_1705 in 1 : vector<64x2xi32>, vector<64x126xi32> -> vector<64x128xi32>
      %and3A_1707 = arith.constant 2 : i32
      %and3A_1708 = vector.broadcast %and3A_1707 : i32 to vector<64x128xi32>
      %and3A_1709 = arith.andi %iota3A_1029, %and3A_1708 : vector<64x128xi32>
      %eq3A_1710 = arith.constant 0 : i32
      %eq3A_1711 = vector.broadcast %eq3A_1710 : i32 to vector<64x128xi32>
      %eq3A_1712 = arith.cmpi eq, %and3A_1709, %eq3A_1711 : vector<64x128xi32>
      %select_n3A_1713 = arith.select %eq3A_1712, %concatenate3A_1697, %concatenate3A_1700 : vector<64x128xi1>, vector<64x128xf32>
      %select_n3A_1714 = arith.select %eq3A_1712, %concatenate3A_1703, %concatenate3A_1706 : vector<64x128xi1>, vector<64x128xi32>
      %gt3A_1715 = arith.cmpf ogt, %select_n3A_1693, %select_n3A_1713 : vector<64x128xf32>
      %eq3A_1716 = arith.cmpf oeq, %select_n3A_1693, %select_n3A_1713 : vector<64x128xf32>
      %lt3A_1717 = arith.cmpi slt, %select_n3A_1694, %select_n3A_1714 : vector<64x128xi32>
      %and3A_1718 = arith.andi %eq3A_1716, %lt3A_1717 : vector<64x128xi1>
      %or3A_1719 = arith.ori %gt3A_1715, %and3A_1718 : vector<64x128xi1>
      %and3A_1720 = arith.constant 64 : i32
      %and3A_1721 = vector.broadcast %and3A_1720 : i32 to vector<64x128xi32>
      %and3A_1722 = arith.andi %iota3A_1029, %and3A_1721 : vector<64x128xi32>
      %eq3A_1723 = arith.constant 0 : i32
      %eq3A_1724 = vector.broadcast %eq3A_1723 : i32 to vector<64x128xi32>
      %eq3A_1725 = arith.cmpi eq, %and3A_1722, %eq3A_1724 : vector<64x128xi32>
      %xor3A_1726 = arith.xori %eq3A_1725, %eq3A_1712 : vector<64x128xi1>
      %xor3A_1727 = arith.xori %or3A_1719, %xor3A_1726 : vector<64x128xi1>
      %select_n3A_1728 = arith.select %xor3A_1727, %select_n3A_1693, %select_n3A_1713 : vector<64x128xi1>, vector<64x128xf32>
      %select_n3A_1729 = arith.select %xor3A_1727, %select_n3A_1694, %select_n3A_1714 : vector<64x128xi1>, vector<64x128xi32>
      %slice3A_1730 = vector.extract_strided_slice %select_n3A_1728 {offsets = [0, 1], sizes = [64, 127], strides = [1, 1]} : vector<64x128xf32> to vector<64x127xf32>
      %slice3A_1731 = vector.extract_strided_slice %select_n3A_1728 {offsets = [0, 0], sizes = [64, 1], strides = [1, 1]} : vector<64x128xf32> to vector<64x1xf32>
      %concatenate3A_1732 = tpu.concatenate %slice3A_1730, %slice3A_1731 in 1 : vector<64x127xf32>, vector<64x1xf32> -> vector<64x128xf32>
      %slice3A_1733 = vector.extract_strided_slice %select_n3A_1728 {offsets = [0, 127], sizes = [64, 1], strides = [1, 1]} : vector<64x128xf32> to vector<64x1xf32>
      %slice3A_1734 = vector.extract_strided_slice %select_n3A_1728 {offsets = [0, 0], sizes = [64, 127], strides = [1, 1]} : vector<64x128xf32> to vector<64x127xf32>
      %concatenate3A_1735 = tpu.concatenate %slice3A_1733, %slice3A_1734 in 1 : vector<64x1xf32>, vector<64x127xf32> -> vector<64x128xf32>
      %slice3A_1736 = vector.extract_strided_slice %select_n3A_1729 {offsets = [0, 1], sizes = [64, 127], strides = [1, 1]} : vector<64x128xi32> to vector<64x127xi32>
      %slice3A_1737 = vector.extract_strided_slice %select_n3A_1729 {offsets = [0, 0], sizes = [64, 1], strides = [1, 1]} : vector<64x128xi32> to vector<64x1xi32>
      %concatenate3A_1738 = tpu.concatenate %slice3A_1736, %slice3A_1737 in 1 : vector<64x127xi32>, vector<64x1xi32> -> vector<64x128xi32>
      %slice3A_1739 = vector.extract_strided_slice %select_n3A_1729 {offsets = [0, 127], sizes = [64, 1], strides = [1, 1]} : vector<64x128xi32> to vector<64x1xi32>
      %slice3A_1740 = vector.extract_strided_slice %select_n3A_1729 {offsets = [0, 0], sizes = [64, 127], strides = [1, 1]} : vector<64x128xi32> to vector<64x127xi32>
      %concatenate3A_1741 = tpu.concatenate %slice3A_1739, %slice3A_1740 in 1 : vector<64x1xi32>, vector<64x127xi32> -> vector<64x128xi32>
      %and3A_1742 = arith.constant 1 : i32
      %and3A_1743 = vector.broadcast %and3A_1742 : i32 to vector<64x128xi32>
      %and3A_1744 = arith.andi %iota3A_1029, %and3A_1743 : vector<64x128xi32>
      %eq3A_1745 = arith.constant 0 : i32
      %eq3A_1746 = vector.broadcast %eq3A_1745 : i32 to vector<64x128xi32>
      %eq3A_1747 = arith.cmpi eq, %and3A_1744, %eq3A_1746 : vector<64x128xi32>
      %select_n3A_1748 = arith.select %eq3A_1747, %concatenate3A_1732, %concatenate3A_1735 : vector<64x128xi1>, vector<64x128xf32>
      %select_n3A_1749 = arith.select %eq3A_1747, %concatenate3A_1738, %concatenate3A_1741 : vector<64x128xi1>, vector<64x128xi32>
      %gt3A_1750 = arith.cmpf ogt, %select_n3A_1728, %select_n3A_1748 : vector<64x128xf32>
      %eq3A_1751 = arith.cmpf oeq, %select_n3A_1728, %select_n3A_1748 : vector<64x128xf32>
      %lt3A_1752 = arith.cmpi slt, %select_n3A_1729, %select_n3A_1749 : vector<64x128xi32>
      %and3A_1753 = arith.andi %eq3A_1751, %lt3A_1752 : vector<64x128xi1>
      %or3A_1754 = arith.ori %gt3A_1750, %and3A_1753 : vector<64x128xi1>
      %and3A_1755 = arith.constant 64 : i32
      %and3A_1756 = vector.broadcast %and3A_1755 : i32 to vector<64x128xi32>
      %and3A_1757 = arith.andi %iota3A_1029, %and3A_1756 : vector<64x128xi32>
      %eq3A_1758 = arith.constant 0 : i32
      %eq3A_1759 = vector.broadcast %eq3A_1758 : i32 to vector<64x128xi32>
      %eq3A_1760 = arith.cmpi eq, %and3A_1757, %eq3A_1759 : vector<64x128xi32>
      %xor3A_1761 = arith.xori %eq3A_1760, %eq3A_1747 : vector<64x128xi1>
      %xor3A_1762 = arith.xori %or3A_1754, %xor3A_1761 : vector<64x128xi1>
      %select_n3A_1763 = arith.select %xor3A_1762, %select_n3A_1728, %select_n3A_1748 : vector<64x128xi1>, vector<64x128xf32>
      %select_n3A_1764 = arith.select %xor3A_1762, %select_n3A_1729, %select_n3A_1749 : vector<64x128xi1>, vector<64x128xi32>
      %slice3A_1765 = vector.extract_strided_slice %select_n3A_1763 {offsets = [0, 64], sizes = [64, 64], strides = [1, 1]} : vector<64x128xf32> to vector<64x64xf32>
      %slice3A_1766 = vector.extract_strided_slice %select_n3A_1763 {offsets = [0, 0], sizes = [64, 64], strides = [1, 1]} : vector<64x128xf32> to vector<64x64xf32>
      %concatenate3A_1767 = tpu.concatenate %slice3A_1765, %slice3A_1766 in 1 : vector<64x64xf32>, vector<64x64xf32> -> vector<64x128xf32>
      %slice3A_1768 = vector.extract_strided_slice %select_n3A_1763 {offsets = [0, 64], sizes = [64, 64], strides = [1, 1]} : vector<64x128xf32> to vector<64x64xf32>
      %slice3A_1769 = vector.extract_strided_slice %select_n3A_1763 {offsets = [0, 0], sizes = [64, 64], strides = [1, 1]} : vector<64x128xf32> to vector<64x64xf32>
      %concatenate3A_1770 = tpu.concatenate %slice3A_1768, %slice3A_1769 in 1 : vector<64x64xf32>, vector<64x64xf32> -> vector<64x128xf32>
      %slice3A_1771 = vector.extract_strided_slice %select_n3A_1764 {offsets = [0, 64], sizes = [64, 64], strides = [1, 1]} : vector<64x128xi32> to vector<64x64xi32>
      %slice3A_1772 = vector.extract_strided_slice %select_n3A_1764 {offsets = [0, 0], sizes = [64, 64], strides = [1, 1]} : vector<64x128xi32> to vector<64x64xi32>
      %concatenate3A_1773 = tpu.concatenate %slice3A_1771, %slice3A_1772 in 1 : vector<64x64xi32>, vector<64x64xi32> -> vector<64x128xi32>
      %slice3A_1774 = vector.extract_strided_slice %select_n3A_1764 {offsets = [0, 64], sizes = [64, 64], strides = [1, 1]} : vector<64x128xi32> to vector<64x64xi32>
      %slice3A_1775 = vector.extract_strided_slice %select_n3A_1764 {offsets = [0, 0], sizes = [64, 64], strides = [1, 1]} : vector<64x128xi32> to vector<64x64xi32>
      %concatenate3A_1776 = tpu.concatenate %slice3A_1774, %slice3A_1775 in 1 : vector<64x64xi32>, vector<64x64xi32> -> vector<64x128xi32>
      %and3A_1777 = arith.constant 64 : i32
      %and3A_1778 = vector.broadcast %and3A_1777 : i32 to vector<64x128xi32>
      %and3A_1779 = arith.andi %iota3A_1029, %and3A_1778 : vector<64x128xi32>
      %eq3A_1780 = arith.constant 0 : i32
      %eq3A_1781 = vector.broadcast %eq3A_1780 : i32 to vector<64x128xi32>
      %eq3A_1782 = arith.cmpi eq, %and3A_1779, %eq3A_1781 : vector<64x128xi32>
      %select_n3A_1783 = arith.select %eq3A_1782, %concatenate3A_1767, %concatenate3A_1770 : vector<64x128xi1>, vector<64x128xf32>
      %select_n3A_1784 = arith.select %eq3A_1782, %concatenate3A_1773, %concatenate3A_1776 : vector<64x128xi1>, vector<64x128xi32>
      %gt3A_1785 = arith.cmpf ogt, %select_n3A_1763, %select_n3A_1783 : vector<64x128xf32>
      %eq3A_1786 = arith.cmpf oeq, %select_n3A_1763, %select_n3A_1783 : vector<64x128xf32>
      %lt3A_1787 = arith.cmpi slt, %select_n3A_1764, %select_n3A_1784 : vector<64x128xi32>
      %and3A_1788 = arith.andi %eq3A_1786, %lt3A_1787 : vector<64x128xi1>
      %or3A_1789 = arith.ori %gt3A_1785, %and3A_1788 : vector<64x128xi1>
      %and3A_1790 = arith.constant 128 : i32
      %and3A_1791 = vector.broadcast %and3A_1790 : i32 to vector<64x128xi32>
      %and3A_1792 = arith.andi %iota3A_1029, %and3A_1791 : vector<64x128xi32>
      %eq3A_1793 = arith.constant 0 : i32
      %eq3A_1794 = vector.broadcast %eq3A_1793 : i32 to vector<64x128xi32>
      %eq3A_1795 = arith.cmpi eq, %and3A_1792, %eq3A_1794 : vector<64x128xi32>
      %xor3A_1796 = arith.xori %eq3A_1795, %eq3A_1782 : vector<64x128xi1>
      %xor3A_1797 = arith.xori %or3A_1789, %xor3A_1796 : vector<64x128xi1>
      %select_n3A_1798 = arith.select %xor3A_1797, %select_n3A_1763, %select_n3A_1783 : vector<64x128xi1>, vector<64x128xf32>
      %select_n3A_1799 = arith.select %xor3A_1797, %select_n3A_1764, %select_n3A_1784 : vector<64x128xi1>, vector<64x128xi32>
      %slice3A_1800 = vector.extract_strided_slice %select_n3A_1798 {offsets = [0, 32], sizes = [64, 96], strides = [1, 1]} : vector<64x128xf32> to vector<64x96xf32>
      %slice3A_1801 = vector.extract_strided_slice %select_n3A_1798 {offsets = [0, 0], sizes = [64, 32], strides = [1, 1]} : vector<64x128xf32> to vector<64x32xf32>
      %concatenate3A_1802 = tpu.concatenate %slice3A_1800, %slice3A_1801 in 1 : vector<64x96xf32>, vector<64x32xf32> -> vector<64x128xf32>
      %slice3A_1803 = vector.extract_strided_slice %select_n3A_1798 {offsets = [0, 96], sizes = [64, 32], strides = [1, 1]} : vector<64x128xf32> to vector<64x32xf32>
      %slice3A_1804 = vector.extract_strided_slice %select_n3A_1798 {offsets = [0, 0], sizes = [64, 96], strides = [1, 1]} : vector<64x128xf32> to vector<64x96xf32>
      %concatenate3A_1805 = tpu.concatenate %slice3A_1803, %slice3A_1804 in 1 : vector<64x32xf32>, vector<64x96xf32> -> vector<64x128xf32>
      %slice3A_1806 = vector.extract_strided_slice %select_n3A_1799 {offsets = [0, 32], sizes = [64, 96], strides = [1, 1]} : vector<64x128xi32> to vector<64x96xi32>
      %slice3A_1807 = vector.extract_strided_slice %select_n3A_1799 {offsets = [0, 0], sizes = [64, 32], strides = [1, 1]} : vector<64x128xi32> to vector<64x32xi32>
      %concatenate3A_1808 = tpu.concatenate %slice3A_1806, %slice3A_1807 in 1 : vector<64x96xi32>, vector<64x32xi32> -> vector<64x128xi32>
      %slice3A_1809 = vector.extract_strided_slice %select_n3A_1799 {offsets = [0, 96], sizes = [64, 32], strides = [1, 1]} : vector<64x128xi32> to vector<64x32xi32>
      %slice3A_1810 = vector.extract_strided_slice %select_n3A_1799 {offsets = [0, 0], sizes = [64, 96], strides = [1, 1]} : vector<64x128xi32> to vector<64x96xi32>
      %concatenate3A_1811 = tpu.concatenate %slice3A_1809, %slice3A_1810 in 1 : vector<64x32xi32>, vector<64x96xi32> -> vector<64x128xi32>
      %and3A_1812 = arith.constant 32 : i32
      %and3A_1813 = vector.broadcast %and3A_1812 : i32 to vector<64x128xi32>
      %and3A_1814 = arith.andi %iota3A_1029, %and3A_1813 : vector<64x128xi32>
      %eq3A_1815 = arith.constant 0 : i32
      %eq3A_1816 = vector.broadcast %eq3A_1815 : i32 to vector<64x128xi32>
      %eq3A_1817 = arith.cmpi eq, %and3A_1814, %eq3A_1816 : vector<64x128xi32>
      %select_n3A_1818 = arith.select %eq3A_1817, %concatenate3A_1802, %concatenate3A_1805 : vector<64x128xi1>, vector<64x128xf32>
      %select_n3A_1819 = arith.select %eq3A_1817, %concatenate3A_1808, %concatenate3A_1811 : vector<64x128xi1>, vector<64x128xi32>
      %gt3A_1820 = arith.cmpf ogt, %select_n3A_1798, %select_n3A_1818 : vector<64x128xf32>
      %eq3A_1821 = arith.cmpf oeq, %select_n3A_1798, %select_n3A_1818 : vector<64x128xf32>
      %lt3A_1822 = arith.cmpi slt, %select_n3A_1799, %select_n3A_1819 : vector<64x128xi32>
      %and3A_1823 = arith.andi %eq3A_1821, %lt3A_1822 : vector<64x128xi1>
      %or3A_1824 = arith.ori %gt3A_1820, %and3A_1823 : vector<64x128xi1>
      %and3A_1825 = arith.constant 128 : i32
      %and3A_1826 = vector.broadcast %and3A_1825 : i32 to vector<64x128xi32>
      %and3A_1827 = arith.andi %iota3A_1029, %and3A_1826 : vector<64x128xi32>
      %eq3A_1828 = arith.constant 0 : i32
      %eq3A_1829 = vector.broadcast %eq3A_1828 : i32 to vector<64x128xi32>
      %eq3A_1830 = arith.cmpi eq, %and3A_1827, %eq3A_1829 : vector<64x128xi32>
      %xor3A_1831 = arith.xori %eq3A_1830, %eq3A_1817 : vector<64x128xi1>
      %xor3A_1832 = arith.xori %or3A_1824, %xor3A_1831 : vector<64x128xi1>
      %select_n3A_1833 = arith.select %xor3A_1832, %select_n3A_1798, %select_n3A_1818 : vector<64x128xi1>, vector<64x128xf32>
      %select_n3A_1834 = arith.select %xor3A_1832, %select_n3A_1799, %select_n3A_1819 : vector<64x128xi1>, vector<64x128xi32>
      %slice3A_1835 = vector.extract_strided_slice %select_n3A_1833 {offsets = [0, 16], sizes = [64, 112], strides = [1, 1]} : vector<64x128xf32> to vector<64x112xf32>
      %slice3A_1836 = vector.extract_strided_slice %select_n3A_1833 {offsets = [0, 0], sizes = [64, 16], strides = [1, 1]} : vector<64x128xf32> to vector<64x16xf32>
      %concatenate3A_1837 = tpu.concatenate %slice3A_1835, %slice3A_1836 in 1 : vector<64x112xf32>, vector<64x16xf32> -> vector<64x128xf32>
      %slice3A_1838 = vector.extract_strided_slice %select_n3A_1833 {offsets = [0, 112], sizes = [64, 16], strides = [1, 1]} : vector<64x128xf32> to vector<64x16xf32>
      %slice3A_1839 = vector.extract_strided_slice %select_n3A_1833 {offsets = [0, 0], sizes = [64, 112], strides = [1, 1]} : vector<64x128xf32> to vector<64x112xf32>
      %concatenate3A_1840 = tpu.concatenate %slice3A_1838, %slice3A_1839 in 1 : vector<64x16xf32>, vector<64x112xf32> -> vector<64x128xf32>
      %slice3A_1841 = vector.extract_strided_slice %select_n3A_1834 {offsets = [0, 16], sizes = [64, 112], strides = [1, 1]} : vector<64x128xi32> to vector<64x112xi32>
      %slice3A_1842 = vector.extract_strided_slice %select_n3A_1834 {offsets = [0, 0], sizes = [64, 16], strides = [1, 1]} : vector<64x128xi32> to vector<64x16xi32>
      %concatenate3A_1843 = tpu.concatenate %slice3A_1841, %slice3A_1842 in 1 : vector<64x112xi32>, vector<64x16xi32> -> vector<64x128xi32>
      %slice3A_1844 = vector.extract_strided_slice %select_n3A_1834 {offsets = [0, 112], sizes = [64, 16], strides = [1, 1]} : vector<64x128xi32> to vector<64x16xi32>
      %slice3A_1845 = vector.extract_strided_slice %select_n3A_1834 {offsets = [0, 0], sizes = [64, 112], strides = [1, 1]} : vector<64x128xi32> to vector<64x112xi32>
      %concatenate3A_1846 = tpu.concatenate %slice3A_1844, %slice3A_1845 in 1 : vector<64x16xi32>, vector<64x112xi32> -> vector<64x128xi32>
      %and3A_1847 = arith.constant 16 : i32
      %and3A_1848 = vector.broadcast %and3A_1847 : i32 to vector<64x128xi32>
      %and3A_1849 = arith.andi %iota3A_1029, %and3A_1848 : vector<64x128xi32>
      %eq3A_1850 = arith.constant 0 : i32
      %eq3A_1851 = vector.broadcast %eq3A_1850 : i32 to vector<64x128xi32>
      %eq3A_1852 = arith.cmpi eq, %and3A_1849, %eq3A_1851 : vector<64x128xi32>
      %select_n3A_1853 = arith.select %eq3A_1852, %concatenate3A_1837, %concatenate3A_1840 : vector<64x128xi1>, vector<64x128xf32>
      %select_n3A_1854 = arith.select %eq3A_1852, %concatenate3A_1843, %concatenate3A_1846 : vector<64x128xi1>, vector<64x128xi32>
      %gt3A_1855 = arith.cmpf ogt, %select_n3A_1833, %select_n3A_1853 : vector<64x128xf32>
      %eq3A_1856 = arith.cmpf oeq, %select_n3A_1833, %select_n3A_1853 : vector<64x128xf32>
      %lt3A_1857 = arith.cmpi slt, %select_n3A_1834, %select_n3A_1854 : vector<64x128xi32>
      %and3A_1858 = arith.andi %eq3A_1856, %lt3A_1857 : vector<64x128xi1>
      %or3A_1859 = arith.ori %gt3A_1855, %and3A_1858 : vector<64x128xi1>
      %and3A_1860 = arith.constant 128 : i32
      %and3A_1861 = vector.broadcast %and3A_1860 : i32 to vector<64x128xi32>
      %and3A_1862 = arith.andi %iota3A_1029, %and3A_1861 : vector<64x128xi32>
      %eq3A_1863 = arith.constant 0 : i32
      %eq3A_1864 = vector.broadcast %eq3A_1863 : i32 to vector<64x128xi32>
      %eq3A_1865 = arith.cmpi eq, %and3A_1862, %eq3A_1864 : vector<64x128xi32>
      %xor3A_1866 = arith.xori %eq3A_1865, %eq3A_1852 : vector<64x128xi1>
      %xor3A_1867 = arith.xori %or3A_1859, %xor3A_1866 : vector<64x128xi1>
      %select_n3A_1868 = arith.select %xor3A_1867, %select_n3A_1833, %select_n3A_1853 : vector<64x128xi1>, vector<64x128xf32>
      %select_n3A_1869 = arith.select %xor3A_1867, %select_n3A_1834, %select_n3A_1854 : vector<64x128xi1>, vector<64x128xi32>
      %slice3A_1870 = vector.extract_strided_slice %select_n3A_1868 {offsets = [0, 8], sizes = [64, 120], strides = [1, 1]} : vector<64x128xf32> to vector<64x120xf32>
      %slice3A_1871 = vector.extract_strided_slice %select_n3A_1868 {offsets = [0, 0], sizes = [64, 8], strides = [1, 1]} : vector<64x128xf32> to vector<64x8xf32>
      %concatenate3A_1872 = tpu.concatenate %slice3A_1870, %slice3A_1871 in 1 : vector<64x120xf32>, vector<64x8xf32> -> vector<64x128xf32>
      %slice3A_1873 = vector.extract_strided_slice %select_n3A_1868 {offsets = [0, 120], sizes = [64, 8], strides = [1, 1]} : vector<64x128xf32> to vector<64x8xf32>
      %slice3A_1874 = vector.extract_strided_slice %select_n3A_1868 {offsets = [0, 0], sizes = [64, 120], strides = [1, 1]} : vector<64x128xf32> to vector<64x120xf32>
      %concatenate3A_1875 = tpu.concatenate %slice3A_1873, %slice3A_1874 in 1 : vector<64x8xf32>, vector<64x120xf32> -> vector<64x128xf32>
      %slice3A_1876 = vector.extract_strided_slice %select_n3A_1869 {offsets = [0, 8], sizes = [64, 120], strides = [1, 1]} : vector<64x128xi32> to vector<64x120xi32>
      %slice3A_1877 = vector.extract_strided_slice %select_n3A_1869 {offsets = [0, 0], sizes = [64, 8], strides = [1, 1]} : vector<64x128xi32> to vector<64x8xi32>
      %concatenate3A_1878 = tpu.concatenate %slice3A_1876, %slice3A_1877 in 1 : vector<64x120xi32>, vector<64x8xi32> -> vector<64x128xi32>
      %slice3A_1879 = vector.extract_strided_slice %select_n3A_1869 {offsets = [0, 120], sizes = [64, 8], strides = [1, 1]} : vector<64x128xi32> to vector<64x8xi32>
      %slice3A_1880 = vector.extract_strided_slice %select_n3A_1869 {offsets = [0, 0], sizes = [64, 120], strides = [1, 1]} : vector<64x128xi32> to vector<64x120xi32>
      %concatenate3A_1881 = tpu.concatenate %slice3A_1879, %slice3A_1880 in 1 : vector<64x8xi32>, vector<64x120xi32> -> vector<64x128xi32>
      %and3A_1882 = arith.constant 8 : i32
      %and3A_1883 = vector.broadcast %and3A_1882 : i32 to vector<64x128xi32>
      %and3A_1884 = arith.andi %iota3A_1029, %and3A_1883 : vector<64x128xi32>
      %eq3A_1885 = arith.constant 0 : i32
      %eq3A_1886 = vector.broadcast %eq3A_1885 : i32 to vector<64x128xi32>
      %eq3A_1887 = arith.cmpi eq, %and3A_1884, %eq3A_1886 : vector<64x128xi32>
      %select_n3A_1888 = arith.select %eq3A_1887, %concatenate3A_1872, %concatenate3A_1875 : vector<64x128xi1>, vector<64x128xf32>
      %select_n3A_1889 = arith.select %eq3A_1887, %concatenate3A_1878, %concatenate3A_1881 : vector<64x128xi1>, vector<64x128xi32>
      %gt3A_1890 = arith.cmpf ogt, %select_n3A_1868, %select_n3A_1888 : vector<64x128xf32>
      %eq3A_1891 = arith.cmpf oeq, %select_n3A_1868, %select_n3A_1888 : vector<64x128xf32>
      %lt3A_1892 = arith.cmpi slt, %select_n3A_1869, %select_n3A_1889 : vector<64x128xi32>
      %and3A_1893 = arith.andi %eq3A_1891, %lt3A_1892 : vector<64x128xi1>
      %or3A_1894 = arith.ori %gt3A_1890, %and3A_1893 : vector<64x128xi1>
      %and3A_1895 = arith.constant 128 : i32
      %and3A_1896 = vector.broadcast %and3A_1895 : i32 to vector<64x128xi32>
      %and3A_1897 = arith.andi %iota3A_1029, %and3A_1896 : vector<64x128xi32>
      %eq3A_1898 = arith.constant 0 : i32
      %eq3A_1899 = vector.broadcast %eq3A_1898 : i32 to vector<64x128xi32>
      %eq3A_1900 = arith.cmpi eq, %and3A_1897, %eq3A_1899 : vector<64x128xi32>
      %xor3A_1901 = arith.xori %eq3A_1900, %eq3A_1887 : vector<64x128xi1>
      %xor3A_1902 = arith.xori %or3A_1894, %xor3A_1901 : vector<64x128xi1>
      %select_n3A_1903 = arith.select %xor3A_1902, %select_n3A_1868, %select_n3A_1888 : vector<64x128xi1>, vector<64x128xf32>
      %select_n3A_1904 = arith.select %xor3A_1902, %select_n3A_1869, %select_n3A_1889 : vector<64x128xi1>, vector<64x128xi32>
      %slice3A_1905 = vector.extract_strided_slice %select_n3A_1903 {offsets = [0, 4], sizes = [64, 124], strides = [1, 1]} : vector<64x128xf32> to vector<64x124xf32>
      %slice3A_1906 = vector.extract_strided_slice %select_n3A_1903 {offsets = [0, 0], sizes = [64, 4], strides = [1, 1]} : vector<64x128xf32> to vector<64x4xf32>
      %concatenate3A_1907 = tpu.concatenate %slice3A_1905, %slice3A_1906 in 1 : vector<64x124xf32>, vector<64x4xf32> -> vector<64x128xf32>
      %slice3A_1908 = vector.extract_strided_slice %select_n3A_1903 {offsets = [0, 124], sizes = [64, 4], strides = [1, 1]} : vector<64x128xf32> to vector<64x4xf32>
      %slice3A_1909 = vector.extract_strided_slice %select_n3A_1903 {offsets = [0, 0], sizes = [64, 124], strides = [1, 1]} : vector<64x128xf32> to vector<64x124xf32>
      %concatenate3A_1910 = tpu.concatenate %slice3A_1908, %slice3A_1909 in 1 : vector<64x4xf32>, vector<64x124xf32> -> vector<64x128xf32>
      %slice3A_1911 = vector.extract_strided_slice %select_n3A_1904 {offsets = [0, 4], sizes = [64, 124], strides = [1, 1]} : vector<64x128xi32> to vector<64x124xi32>
      %slice3A_1912 = vector.extract_strided_slice %select_n3A_1904 {offsets = [0, 0], sizes = [64, 4], strides = [1, 1]} : vector<64x128xi32> to vector<64x4xi32>
      %concatenate3A_1913 = tpu.concatenate %slice3A_1911, %slice3A_1912 in 1 : vector<64x124xi32>, vector<64x4xi32> -> vector<64x128xi32>
      %slice3A_1914 = vector.extract_strided_slice %select_n3A_1904 {offsets = [0, 124], sizes = [64, 4], strides = [1, 1]} : vector<64x128xi32> to vector<64x4xi32>
      %slice3A_1915 = vector.extract_strided_slice %select_n3A_1904 {offsets = [0, 0], sizes = [64, 124], strides = [1, 1]} : vector<64x128xi32> to vector<64x124xi32>
      %concatenate3A_1916 = tpu.concatenate %slice3A_1914, %slice3A_1915 in 1 : vector<64x4xi32>, vector<64x124xi32> -> vector<64x128xi32>
      %and3A_1917 = arith.constant 4 : i32
      %and3A_1918 = vector.broadcast %and3A_1917 : i32 to vector<64x128xi32>
      %and3A_1919 = arith.andi %iota3A_1029, %and3A_1918 : vector<64x128xi32>
      %eq3A_1920 = arith.constant 0 : i32
      %eq3A_1921 = vector.broadcast %eq3A_1920 : i32 to vector<64x128xi32>
      %eq3A_1922 = arith.cmpi eq, %and3A_1919, %eq3A_1921 : vector<64x128xi32>
      %select_n3A_1923 = arith.select %eq3A_1922, %concatenate3A_1907, %concatenate3A_1910 : vector<64x128xi1>, vector<64x128xf32>
      %select_n3A_1924 = arith.select %eq3A_1922, %concatenate3A_1913, %concatenate3A_1916 : vector<64x128xi1>, vector<64x128xi32>
      %gt3A_1925 = arith.cmpf ogt, %select_n3A_1903, %select_n3A_1923 : vector<64x128xf32>
      %eq3A_1926 = arith.cmpf oeq, %select_n3A_1903, %select_n3A_1923 : vector<64x128xf32>
      %lt3A_1927 = arith.cmpi slt, %select_n3A_1904, %select_n3A_1924 : vector<64x128xi32>
      %and3A_1928 = arith.andi %eq3A_1926, %lt3A_1927 : vector<64x128xi1>
      %or3A_1929 = arith.ori %gt3A_1925, %and3A_1928 : vector<64x128xi1>
      %and3A_1930 = arith.constant 128 : i32
      %and3A_1931 = vector.broadcast %and3A_1930 : i32 to vector<64x128xi32>
      %and3A_1932 = arith.andi %iota3A_1029, %and3A_1931 : vector<64x128xi32>
      %eq3A_1933 = arith.constant 0 : i32
      %eq3A_1934 = vector.broadcast %eq3A_1933 : i32 to vector<64x128xi32>
      %eq3A_1935 = arith.cmpi eq, %and3A_1932, %eq3A_1934 : vector<64x128xi32>
      %xor3A_1936 = arith.xori %eq3A_1935, %eq3A_1922 : vector<64x128xi1>
      %xor3A_1937 = arith.xori %or3A_1929, %xor3A_1936 : vector<64x128xi1>
      %select_n3A_1938 = arith.select %xor3A_1937, %select_n3A_1903, %select_n3A_1923 : vector<64x128xi1>, vector<64x128xf32>
      %select_n3A_1939 = arith.select %xor3A_1937, %select_n3A_1904, %select_n3A_1924 : vector<64x128xi1>, vector<64x128xi32>
      %slice3A_1940 = vector.extract_strided_slice %select_n3A_1938 {offsets = [0, 2], sizes = [64, 126], strides = [1, 1]} : vector<64x128xf32> to vector<64x126xf32>
      %slice3A_1941 = vector.extract_strided_slice %select_n3A_1938 {offsets = [0, 0], sizes = [64, 2], strides = [1, 1]} : vector<64x128xf32> to vector<64x2xf32>
      %concatenate3A_1942 = tpu.concatenate %slice3A_1940, %slice3A_1941 in 1 : vector<64x126xf32>, vector<64x2xf32> -> vector<64x128xf32>
      %slice3A_1943 = vector.extract_strided_slice %select_n3A_1938 {offsets = [0, 126], sizes = [64, 2], strides = [1, 1]} : vector<64x128xf32> to vector<64x2xf32>
      %slice3A_1944 = vector.extract_strided_slice %select_n3A_1938 {offsets = [0, 0], sizes = [64, 126], strides = [1, 1]} : vector<64x128xf32> to vector<64x126xf32>
      %concatenate3A_1945 = tpu.concatenate %slice3A_1943, %slice3A_1944 in 1 : vector<64x2xf32>, vector<64x126xf32> -> vector<64x128xf32>
      %slice3A_1946 = vector.extract_strided_slice %select_n3A_1939 {offsets = [0, 2], sizes = [64, 126], strides = [1, 1]} : vector<64x128xi32> to vector<64x126xi32>
      %slice3A_1947 = vector.extract_strided_slice %select_n3A_1939 {offsets = [0, 0], sizes = [64, 2], strides = [1, 1]} : vector<64x128xi32> to vector<64x2xi32>
      %concatenate3A_1948 = tpu.concatenate %slice3A_1946, %slice3A_1947 in 1 : vector<64x126xi32>, vector<64x2xi32> -> vector<64x128xi32>
      %slice3A_1949 = vector.extract_strided_slice %select_n3A_1939 {offsets = [0, 126], sizes = [64, 2], strides = [1, 1]} : vector<64x128xi32> to vector<64x2xi32>
      %slice3A_1950 = vector.extract_strided_slice %select_n3A_1939 {offsets = [0, 0], sizes = [64, 126], strides = [1, 1]} : vector<64x128xi32> to vector<64x126xi32>
      %concatenate3A_1951 = tpu.concatenate %slice3A_1949, %slice3A_1950 in 1 : vector<64x2xi32>, vector<64x126xi32> -> vector<64x128xi32>
      %and3A_1952 = arith.constant 2 : i32
      %and3A_1953 = vector.broadcast %and3A_1952 : i32 to vector<64x128xi32>
      %and3A_1954 = arith.andi %iota3A_1029, %and3A_1953 : vector<64x128xi32>
      %eq3A_1955 = arith.constant 0 : i32
      %eq3A_1956 = vector.broadcast %eq3A_1955 : i32 to vector<64x128xi32>
      %eq3A_1957 = arith.cmpi eq, %and3A_1954, %eq3A_1956 : vector<64x128xi32>
      %select_n3A_1958 = arith.select %eq3A_1957, %concatenate3A_1942, %concatenate3A_1945 : vector<64x128xi1>, vector<64x128xf32>
      %select_n3A_1959 = arith.select %eq3A_1957, %concatenate3A_1948, %concatenate3A_1951 : vector<64x128xi1>, vector<64x128xi32>
      %gt3A_1960 = arith.cmpf ogt, %select_n3A_1938, %select_n3A_1958 : vector<64x128xf32>
      %eq3A_1961 = arith.cmpf oeq, %select_n3A_1938, %select_n3A_1958 : vector<64x128xf32>
      %lt3A_1962 = arith.cmpi slt, %select_n3A_1939, %select_n3A_1959 : vector<64x128xi32>
      %and3A_1963 = arith.andi %eq3A_1961, %lt3A_1962 : vector<64x128xi1>
      %or3A_1964 = arith.ori %gt3A_1960, %and3A_1963 : vector<64x128xi1>
      %and3A_1965 = arith.constant 128 : i32
      %and3A_1966 = vector.broadcast %and3A_1965 : i32 to vector<64x128xi32>
      %and3A_1967 = arith.andi %iota3A_1029, %and3A_1966 : vector<64x128xi32>
      %eq3A_1968 = arith.constant 0 : i32
      %eq3A_1969 = vector.broadcast %eq3A_1968 : i32 to vector<64x128xi32>
      %eq3A_1970 = arith.cmpi eq, %and3A_1967, %eq3A_1969 : vector<64x128xi32>
      %xor3A_1971 = arith.xori %eq3A_1970, %eq3A_1957 : vector<64x128xi1>
      %xor3A_1972 = arith.xori %or3A_1964, %xor3A_1971 : vector<64x128xi1>
      %select_n3A_1973 = arith.select %xor3A_1972, %select_n3A_1938, %select_n3A_1958 : vector<64x128xi1>, vector<64x128xf32>
      %select_n3A_1974 = arith.select %xor3A_1972, %select_n3A_1939, %select_n3A_1959 : vector<64x128xi1>, vector<64x128xi32>
      %slice3A_1975 = vector.extract_strided_slice %select_n3A_1973 {offsets = [0, 1], sizes = [64, 127], strides = [1, 1]} : vector<64x128xf32> to vector<64x127xf32>
      %slice3A_1976 = vector.extract_strided_slice %select_n3A_1973 {offsets = [0, 0], sizes = [64, 1], strides = [1, 1]} : vector<64x128xf32> to vector<64x1xf32>
      %concatenate3A_1977 = tpu.concatenate %slice3A_1975, %slice3A_1976 in 1 : vector<64x127xf32>, vector<64x1xf32> -> vector<64x128xf32>
      %slice3A_1978 = vector.extract_strided_slice %select_n3A_1973 {offsets = [0, 127], sizes = [64, 1], strides = [1, 1]} : vector<64x128xf32> to vector<64x1xf32>
      %slice3A_1979 = vector.extract_strided_slice %select_n3A_1973 {offsets = [0, 0], sizes = [64, 127], strides = [1, 1]} : vector<64x128xf32> to vector<64x127xf32>
      %concatenate3A_1980 = tpu.concatenate %slice3A_1978, %slice3A_1979 in 1 : vector<64x1xf32>, vector<64x127xf32> -> vector<64x128xf32>
      %slice3A_1981 = vector.extract_strided_slice %select_n3A_1974 {offsets = [0, 1], sizes = [64, 127], strides = [1, 1]} : vector<64x128xi32> to vector<64x127xi32>
      %slice3A_1982 = vector.extract_strided_slice %select_n3A_1974 {offsets = [0, 0], sizes = [64, 1], strides = [1, 1]} : vector<64x128xi32> to vector<64x1xi32>
      %concatenate3A_1983 = tpu.concatenate %slice3A_1981, %slice3A_1982 in 1 : vector<64x127xi32>, vector<64x1xi32> -> vector<64x128xi32>
      %slice3A_1984 = vector.extract_strided_slice %select_n3A_1974 {offsets = [0, 127], sizes = [64, 1], strides = [1, 1]} : vector<64x128xi32> to vector<64x1xi32>
      %slice3A_1985 = vector.extract_strided_slice %select_n3A_1974 {offsets = [0, 0], sizes = [64, 127], strides = [1, 1]} : vector<64x128xi32> to vector<64x127xi32>
      %concatenate3A_1986 = tpu.concatenate %slice3A_1984, %slice3A_1985 in 1 : vector<64x1xi32>, vector<64x127xi32> -> vector<64x128xi32>
      %and3A_1987 = arith.constant 1 : i32
      %and3A_1988 = vector.broadcast %and3A_1987 : i32 to vector<64x128xi32>
      %and3A_1989 = arith.andi %iota3A_1029, %and3A_1988 : vector<64x128xi32>
      %eq3A_1990 = arith.constant 0 : i32
      %eq3A_1991 = vector.broadcast %eq3A_1990 : i32 to vector<64x128xi32>
      %eq3A_1992 = arith.cmpi eq, %and3A_1989, %eq3A_1991 : vector<64x128xi32>
      %select_n3A_1993 = arith.select %eq3A_1992, %concatenate3A_1977, %concatenate3A_1980 : vector<64x128xi1>, vector<64x128xf32>
      %select_n3A_1994 = arith.select %eq3A_1992, %concatenate3A_1983, %concatenate3A_1986 : vector<64x128xi1>, vector<64x128xi32>
      %gt3A_1995 = arith.cmpf ogt, %select_n3A_1973, %select_n3A_1993 : vector<64x128xf32>
      %eq3A_1996 = arith.cmpf oeq, %select_n3A_1973, %select_n3A_1993 : vector<64x128xf32>
      %lt3A_1997 = arith.cmpi slt, %select_n3A_1974, %select_n3A_1994 : vector<64x128xi32>
      %and3A_1998 = arith.andi %eq3A_1996, %lt3A_1997 : vector<64x128xi1>
      %or3A_1999 = arith.ori %gt3A_1995, %and3A_1998 : vector<64x128xi1>
      %and3A_2000 = arith.constant 128 : i32
      %and3A_2001 = vector.broadcast %and3A_2000 : i32 to vector<64x128xi32>
      %and3A_2002 = arith.andi %iota3A_1029, %and3A_2001 : vector<64x128xi32>
      %eq3A_2003 = arith.constant 0 : i32
      %eq3A_2004 = vector.broadcast %eq3A_2003 : i32 to vector<64x128xi32>
      %eq3A_2005 = arith.cmpi eq, %and3A_2002, %eq3A_2004 : vector<64x128xi32>
      %xor3A_2006 = arith.xori %eq3A_2005, %eq3A_1992 : vector<64x128xi1>
      %xor3A_2007 = arith.xori %or3A_1999, %xor3A_2006 : vector<64x128xi1>
      %select_n3A_2008 = arith.select %xor3A_2007, %select_n3A_1974, %select_n3A_1994 : vector<64x128xi1>, vector<64x128xi32>
      %slice3A_2009 = vector.extract_strided_slice %select_n3A_2008 {offsets = [0, 0], sizes = [64, 64], strides = [1, 1]} : vector<64x128xi32> to vector<64x64xi32>
      %concatenate3A_2010 = tpu.concatenate %slice3A_1017, %slice3A_2009 in 1 : vector<64x64xi32>, vector<64x64xi32> -> vector<64x128xi32>
      %iota3A_2011 = tpu.iota {dimensions = array<i32: 0>} : vector<64x128xi32>
      %iota3A_2012 = tpu.iota {dimensions = array<i32: 1>} : vector<64x128xi32>
      %mul3A_2013 = arith.constant 2 : i32
      %mul3A_2014 = vector.broadcast %mul3A_2013 : i32 to vector<64x128xi32>
      %mul3A_2015 = arith.muli %mul3A_2014, %iota3A_2011 : vector<64x128xi32>
      %ge3A = arith.constant 64 : i32
      %ge3A_2016 = vector.broadcast %ge3A : i32 to vector<64x128xi32>
      %ge3A_2017 = arith.cmpi sge, %iota3A_2012, %ge3A_2016 : vector<64x128xi32>
      %convert_element_type3A_2018 = arith.extui %ge3A_2017 : vector<64x128xi1> to vector<64x128xi32>
      %add3A_2019 = arith.addi %mul3A_2015, %convert_element_type3A_2018 : vector<64x128xi32>
      %mul3A_2020 = arith.constant 32768 : i32
      %mul3A_2021 = vector.broadcast %mul3A_2020 : i32 to vector<64x128xi32>
      %mul3A_2022 = arith.muli %add3A_2019, %mul3A_2021 : vector<64x128xi32>
      %add3A_2023 = arith.addi %concatenate3A_2010, %mul3A_2022 : vector<64x128xi32>
      %swap3A_2024 = arith.constant 0 : index
      %swap3A_2025 = arith.constant 0 : index
      %swap3A_2026 = vector.load %arg5[%swap3A_2024, %swap3A_2025] : memref<64x128xi32, #tpu.memory_space<vmem>>, vector<64x128xi32>
      tpu.vector_store %arg5[%swap3A_2024, %swap3A_2025], %add3A_2023 {strides = array<i32>} : memref<64x128xi32, #tpu.memory_space<vmem>>, vector<64x128xi32>,
    } else {
    }
    return
  }
  func.func @transform_0(%arg0: i32) -> (i32, i32) {
    %c0_i32 = arith.constant 0 : i32
    %c0_i32_0 = arith.constant 0 : i32
    return %c0_i32, %arg0 : i32, i32
  }
  func.func @transform_1(%arg0: i32) -> (i32, i32) {
    %c0_i32 = arith.constant 0 : i32
    %c0_i32_0 = arith.constant 0 : i32
    return %c0_i32, %arg0 : i32, i32
  }
  func.func @transform_2(%arg0: i32) -> (i32, i32) {
    %c0_i32 = arith.constant 0 : i32
    %c0_i32_0 = arith.constant 0 : i32
    %c0_i32_1 = arith.constant 0 : i32
    return %c0_i32, %c0_i32_0 : i32, i32
  }
  func.func @transform_3(%arg0: i32) -> (i32, i32) {
    %c0_i32 = arith.constant 0 : i32
    %c0_i32_0 = arith.constant 0 : i32
    %c0_i32_1 = arith.constant 0 : i32
    return %c0_i32, %c0_i32_0 : i32, i32
  }
  func.func @transform_4(%arg0: i32) -> (i32, i32) {
    %c0_i32 = arith.constant 0 : i32
    %c0_i32_0 = arith.constant 0 : i32
    %c0_i32_1 = arith.constant 0 : i32
    return %c0_i32, %c0_i32_0 : i32, i32
  }
}

</mosaic_0001>

<sc_bundles>
// kernel: kernel.4.cloned.1.call-start
scs
__scs_entry_jumppad:
0x0: {  	(pc) =	sbr.rel $0x88, $3  }
0x1: {  	(tag) =	ssettag $0x0;
	lr =	simm.s32 $0x1  }
0x2: {  	[smem:$0x3F9E] =	sst lr;
	_ =	strace $0xD0000000  }
0x3: {  	_ = 	snop  }
0x4: {  	_ = 	snop  }
0x5: {  	_ = 	snop  }
0x6: {  	_ = 	snop  }
0x7: {  	_ = 	snop  }
__scs_overlays_trampoline_lowered:
0x8: {  	[smem:$0x3FAD] =	sst s0  }
0x9: {  	[smem:$0x3FAE] =	sst s1  }
0xa: {  	[smem:$0x3FAF] =	sst s2  }
0xb: {  	[smem:$0x3FB0] =	sst s3  }
0xc: {  	[smem:$0x3FB1] =	sst s4  }
0xd: {  	[smem:$0x3FB2] =	sst s5  }
0xe: {  	[smem:$0x3FB3] =	sst s6  }
0xf: {  	[smem:$0x3FB4] =	sst s7  }
0x10: {  	[smem:$0x3FB5] =	sst s8  }
0x11: {  	[smem:$0x3FB6] =	sst s9;
	s0 =	simm.s32 @!p0 $0x0  }
0x12: {  	s1 =	sld [smem:$0x3F9C];
	s0 =	simm.s32 @p0 $0x1  }
0x13: {  	[smem:$0x3FB7] =	sst s0;
	s0 =	simm.s32 @!p1 $0x0  }
0x14: {  	s2 =	sld [smem:$0x3F9B];
	s0 =	simm.s32 @p1 $0x1  }
0x15: {  	[smem:$0x3FB8] =	sst s0;
	s0 =	simm.s32 @!p2 $0x0  }
0x16: {  	s3 =	sld [smem:$0x3FDB];
	s0 =	simm.s32 @p2 $0x1  }
0x17: {  	s4 =	simm.s32 $0x1BF5;
	[smem:$0x3FBA] =	sst s0  }
0x18: {  	s0 =	sld [smem:$0x3F9D];
	_ =	swait.ge [sflag:s4], $0x0  }
0x19: {  	s7 =	sld [smem:$0x3F9E]  }
0x1a: {  	s8 =	sadd.s32 $0xFFFFE003, lr  }
0x1b: {  	s9 =	sadd.s32 $0xFFFFFEF7, lr;
	s5 =	simm.s32 $0xFFFFFFFF;
	p2 =	slt.u32 s8, $0xFFFFF086  }
0x1c: {  	p1 =	slt.u32 s9, $0xF7A;
	s5 =	simm.s32 @!p2 $0x0  }
0x1d: {  	s5 =	simm.s32 @p1 $0x1;
	p0 =	seq.s32 s7, s2  }
0x1e: {  	s7 =	smul.u32 @!p0 $0xF7A, s2;
	p2 =	seq.s32 @!p0 s5, $0x0  }
0x1f: {  	s9 =	smul.u32 $0xF7A, s1;
	s8 =	simm.s32 @!p0 $0x1BF5;
	p2 =	por !p2, p0  }
0x20: {  	[sflag:s8] =	ssyncset.s32 @!p0 $0xFFFFF086;
	s6 =	sadd.s32 @!p0 s3, s7;
	s7 =	simm.s32 @!p0 $0x108  }
0x21: {  	s3 =	sadd.s32 s3, s9;
	s6 =	sadd.s32 @!p0 $0x88, s6;
	s7 =	simm.s32 @p2 $0x1082  }
0x22: {  	[simem:s7], [sflag:s8] =	dma.local @!p0 [hbm:s6], $0xF7A  }
0x23: {  	s9 =	sor.u32 $0xD0000000, s2;
	s6 =	simm.s32 $0x108;
	_ =	swait.ge @!p0 [sflag:s8], $0x0  }
0x24: {  	s3 =	sadd.s32 $0x88, s3;
	s6 =	simm.s32 @!p1 $0x1082;
	[sflag:s4] =	ssyncset.s32 $0xFFFFF086  }
0x25: {  	[simem:s6], [sflag:s4] =	dma.local [hbm:s3], $0xF7A  }
0x26: {  	[smem:$0x3F9E] =	sst s1;
	(tag) =	ssettag s2;
	_ =	strace s9  }
0x27: {  	s1 =	sld [smem:$0x3FAE]  }
0x28: {  	s2 =	sld [smem:$0x3FAF]  }
0x29: {  	s4 =	sld [smem:$0x3FB1]  }
0x2a: {  	p0 =	seq.s32 s5, $0x0;
	s5 =	sld [smem:$0x3FB2]  }
0x2b: {  	s6 =	sld [smem:$0x3FB3]  }
0x2c: {  	s7 =	sld [smem:$0x3FB4]  }
0x2d: {  	s3 =	simm.s32 $0x108;
	s8 =	sld [smem:$0x3FB5]  }
0x2e: {  	s3 =	simm.s32 @!p0 $0x1082;
	s9 =	sld [smem:$0x3FB6]  }
0x2f: {  	lr =	sadd.s32 s0, s3;
	s0 =	sld [smem:$0x3FAD]  }
0x30: {  	s3 =	sld [smem:$0x3FB0]  }
0x31: {  	[smem:$0x3FB9] =	sst s10  }
0x32: {  	s10 =	sld [smem:$0x3FB7];
	_ =	sdelay $0x3  }
0x33: {  	p0 =	seq.s32 s10, $0x1;
	s10 =	sld [smem:$0x3FB9];
	_ =	sdelay $0x3  }
0x34: {  	[smem:$0x3FB9] =	sst s10  }
0x35: {  	s10 =	sld [smem:$0x3FB8];
	_ =	sdelay $0x3  }
0x36: {  	p1 =	seq.s32 s10, $0x1;
	s10 =	sld [smem:$0x3FB9];
	_ =	sdelay $0x3  }
0x37: {  	[smem:$0x3FB9] =	sst s10  }
0x38: {  	s10 =	sld [smem:$0x3FBA]  }
0x39: {  	_ = 	snop;
	(pc) =	sbr.ind lr, $3  }
0x3a: {  	_ = 	snop  }
0x3b: {  	_ = 	snop  }
0x3c: {  	p2 =	seq.s32 s10, $0x1;
	s10 =	sld [smem:$0x3FB9]  }
0x3d: {  	_ =	shalt  }
0x3e: {  	_ =	shalt  }
0x3f: {  	_ =	shalt  }
0x40: {  	_ =	shalt  }
0x41: {  	_ =	shalt  }
0x42: {  	_ =	shalt  }
0x43: {  	_ =	shalt  }
0x44: {  	_ =	shalt  }
0x45: {  	_ =	shalt  }
0x46: {  	_ =	shalt  }
0x47: {  	_ =	shalt  }
0x48: {  	_ =	shalt  }
0x49: {  	_ =	shalt  }
0x4a: {  	_ =	shalt  }
0x4b: {  	_ =	shalt  }
0x4c: {  	_ =	shalt  }
0x4d: {  	_ =	shalt  }
0x4e: {  	_ =	shalt  }
0x4f: {  	_ =	shalt  }
0x50: {  	_ =	shalt  }
0x51: {  	_ =	shalt  }
0x52: {  	_ =	shalt  }
0x53: {  	_ =	shalt  }
0x54: {  	_ =	shalt  }
0x55: {  	_ =	shalt  }
0x56: {  	_ =	shalt  }
0x57: {  	_ =	shalt  }
0x58: {  	_ =	shalt  }
0x59: {  	_ =	shalt  }
0x5a: {  	_ =	shalt  }
0x5b: {  	_ =	shalt  }
0x5c: {  	_ =	shalt  }
0x5d: {  	_ =	shalt  }
0x5e: {  	_ =	shalt  }
0x5f: {  	_ =	shalt  }
0x60: {  	_ =	shalt  }
0x61: {  	_ =	shalt  }
0x62: {  	_ =	shalt  }
0x63: {  	_ =	shalt  }
0x64: {  	_ =	shalt  }
0x65: {  	_ =	shalt  }
0x66: {  	_ =	shalt  }
0x67: {  	_ =	shalt  }
0x68: {  	_ =	shalt  }
0x69: {  	_ =	shalt  }
0x6a: {  	_ =	shalt  }
0x6b: {  	_ =	shalt  }
0x6c: {  	_ =	shalt  }
0x6d: {  	_ =	shalt  }
0x6e: {  	_ =	shalt  }
0x6f: {  	_ =	shalt  }
0x70: {  	_ =	shalt  }
0x71: {  	_ =	shalt  }
0x72: {  	_ =	shalt  }
0x73: {  	_ =	shalt  }
0x74: {  	_ =	shalt  }
0x75: {  	_ =	shalt  }
0x76: {  	_ =	shalt  }
0x77: {  	_ =	shalt  }
0x78: {  	_ =	shalt  }
0x79: {  	_ =	shalt  }
0x7a: {  	_ =	shalt  }
0x7b: {  	_ =	shalt  }
0x7c: {  	_ =	shalt  }
0x7d: {  	_ =	shalt  }
0x7e: {  	_ =	shalt  }
0x7f: {  	_ =	shalt  }
0x80: {  	_ =	shalt  }
0x81: {  	_ =	shalt  }
0x82: {  	_ =	shalt  }
0x83: {  	_ =	shalt  }
0x84: {  	_ =	shalt  }
0x85: {  	_ =	shalt  }
0x86: {  	_ =	shalt  }
0x87: {  	_ =	shalt  }
.Lfunc_end0:
.L_simem_size_0:
called_computation_lowered:
.L_overlay_start_0:
0x88: {  	s2 =	sld [smem:$0x3FD9]  }
0x89: {  	s3 =	sld [smem:$0x3FFE];
	_ =	sdelay $0x1  }
0x8a: {  	s1 =	srdreg.scid  }
0x8b: {  	s0 =	sand.u32 $0x1, s1  }
0x8c: {  	s14 =	sshll.u32 s0, $0xA;
	s2 =	sadd.s32 s3, s2  }
0x8d: {  	s2 =	sadd.s32 s2, s14  }
0x8e: {  	[smem:$0x3FC5] =	sst s2  }
0x8f: {  	_ = 	snop  }
0x90: {  	s2 =	sld [smem:$0x3FD0];
	_ =	sdelay $0x2  }
0x91: {  	s15 =	simm.s32 $0xA;
	s4 =	simm.s32 $0x10  }
0x92: {  	[smem:s4], [sflag:s15] =	dma.local [hbm:s2], $0x1  }
0x93: {  	_ =	swait.eq [sflag:s15], $0x1  }
0x94: {  	[sflag:s15] =	ssyncset.done $0x0  }
0x95: {  	[sflag:s15] =	ssyncadd.s32 $0xFFFFFFFF  }
0x96: {  	s16 =	sld [smem:$0x11];
	(tm) =	ssettm $0x1  }
0x97: {  	s17 =	sld [smem:$0x3FFB];
	_ =	sdelay $0x3  }
0x98: {  	_ =	strace s17  }
0x99: {  	s3 =	sld [smem:$0x3FFC];
	_ =	sdelay $0x3  }
0x9a: {  	_ =	strace s3  }
0x9b: {  	s3 =	sld [smem:$0x3FFD];
	_ =	sdelay $0x3  }
0x9c: {  	_ =	strace s3  }
0x9d: {  	_ =	strace $0x8FFFFFFF  }
0x9e: {  	s18 =	sld [smem:$0x3FDB];
	_ =	sdelay $0x1  }
0x9f: {  	s19 =	simm.s32 $_scs_section_size  }
0xa0: {  	s5 =	simm.s32 $_size__tile_overlayer_lowered;
	s6 =	simm.s32 $_tile_overlayer_lowered  }
0xa1: {  	s22 =	simm.s32 $0x1BFF;
	s21 =	sshll.u32 s6, $0x1;
	s3 =	sadd.s32 s19, s18  }
0xa2: {  	s7 =	simm.s32 $0x0;
	s20 =	sshll.u32 s5, $0x1;
	s5 =	sadd.s32 s21, s3  }
0xa3: {  	[timem:s7], [sflag:s22] =	dma.local [hbm:s5], s20  }
0xa4: {  	_ =	swait.ge [sflag:s22], s20  }
0xa5: {  	s4 =	ssub.s32 $0x0, s20;
	[sflag:s22] =	ssyncset.done $0x0  }
0xa6: {  	[sflag:s22] =	ssyncadd.s32 s4;
	_ =	sdelay $0x1  }
0xa7: {  	s23 =	simm.s32 $0x1B8B  }
0xa8: {  	_ =	swait.ge [sflag:s23], $0x1  }
0xa9: {  	[sflag:s23] =	ssyncset.done $0x0  }
0xaa: {  	s25 =	simm.s32 $0x1B8E;
	s24 =	sld [smem:$0x3FFE];
	[sflag:s23] =	ssyncadd.s32 $0xFFFFFFFF  }
0xab: {  	s26 =	simm.s32 $execute0_lowered;
	[smem:$0x3FD2] =	sst s25  }
0xac: {  	s5 =	sshll.u32 s26, $0x1;
	_ =	strace $0x80000046;
	[dreg:$0x1] =	wrdreg $0xFFFFFFFF  }
0xad: {  	s28 =	simm.s32 $_size_execute0_lowered;
	s3 =	sadd.s32 s3, s5;
	[dreg:$0x0] =	wrdreg $0x0  }
0xae: {  	s5 =	sshll.u32 s28, $0x1;
	[dreg:$0x2] =	wrdreg s3  }
0xaf: {  	[dreg:$0x3] =	wrdreg s5  }
0xb0: {  	[dreg:$0x4] =	wrdreg $0xC0  }
0xb1: {  	_ =	task [dreg:s7], $0x5FFFF  }
0xb2: {  	[dreg:$0x1] =	wrdreg $0xFFFFFFFF  }
0xb3: {  	[dreg:$0x0] =	wrdreg $0x60  }
0xb4: {  	[dreg:$0x2] =	wrdreg s24  }
0xb5: {  	[dreg:$0x3] =	wrdreg s16  }
0xb6: {  	[dreg:$0x4] =	wrdreg $0x9  }
0xb7: {  	_ =	task.clear_ibuf [dreg:s7], $0x5FFFF;
	_ =	strace $0x90000046  }
0xb8: {  	s29 =	simm.s32 $0x9;
	_ =	strace $0x80000048  }
0xb9: {  	_ =	swait.ge [sflag:s29], $0x1  }
0xba: {  	[sflag:s29] =	ssyncadd.s32 $0xFFFFFFFF  }
0xbb: {  	_ =	strace $0x90000048  }
0xbc: {  	_ =	sfence  }
0xbd: {  	s30 =	sld [smem:$0x0];
	_ =	sdelay $0x2  }
0xbe: {  	s31 =	sshll.u32 s1, $0xD;
	s1 =	sshrl.u32 s1, $0x2  }
0xbf: {  	s3 =	sand.u32 $0x4000, s31;
	s1 =	sadd.s32 s1, s30  }
0xc0: {  	s0 =	sor.u32 s3, s0;
	s1 =	sshll.u32 s1, $0x11  }
0xc1: {  	s0 =	sor.u32 s1, s0  }
0xc2: {  	s0 =	sadd.s32 $0x8F2B, s0  }
0xc3: {  	[sflag:s0] =	ssyncadd.remote.s32 $0x1  }
0xc4: {  	_ =	sfence.sel $0xFFFF  }
0xc5: {  	[dreg:$0x0] =	wrdreg $0xFFFFFFFF;
	(pc) =	sbr.abs _section_cstart, $3  }
0xc6: {  	[dreg:$0x1] =	wrdreg $0xFFFFFFFF  }
0xc7: {  	_ =	task.clear_ibuf [dreg:s7], $0x2FFFF;
	_ =	strace $0x9FFFFFFF  }
0xc8: {  	(tm) =	ssettm $0x7FFFFFFF  }
0xc9: {  	_ =	shalt  }
tec
execute0_lowered:
.L_overlay_start_1:
0x0: {  	(tag) =	ssettag $0x1  }
0x1: {  	s10 =	rddreg [dreg:$0x0]  }
0x2: {  	s3 =	rddreg [dreg:$0x1];
	s2 =	srdreg.scid  }
0x3: {  	s0 =	rddreg [dreg:$0x2];
	s1 =	stileid.u32;
	s9 =	sand.u32 $0x1, s2  }
0x4: {  	s2 =	simm.s32 $0x0;
	s4 =	sshll.u32 s1, $0x6;
	s5 =	sshll.u32 s9, $0x5  }
0x5: {  	[smem:$0x7FF] =	sst s2;
	s11 =	sor.u32 s5, s4  }
0x6: {  	_ =	strace $0x80000047;
	s4 =	sadd.s32 s3, s11;
	s3 =	simm.s32 $0x2  }
0x7: {  	[tilespmem:s2], [sflag:$0x2] =	stream.linear.gather [hbm4b:s4+s2], $0x100, $0x38;
	[tilespmem:$0x200] =	vst v63  }
0x8: {  	s6 =	simm.s32 $0x80;
	_ =	swait.ge [sflag:s3], $0x100  }
0x9: {  	s7 =	simm.s32 $0x100;
	s8 =	simm.s32 $0x1;
	[sflag:s3] =	ssyncset.done $0x0  }
0xa: {  	s12 =	ssub.s32 $0x2, s9;
	s5 =	sadd.s32 $0xC00, s10;
	[sflag:s3] =	ssyncadd.s32 $0xFFFFFF00  }
0xb: {  	[tilespmem:s7], [sflag:$0x1] =	stream.indirect.gather [hbm4b:s5+s6], $0x1, s2, s6, $0xb8;
	[tilespmem:$0x200] =	vst v63  }
0xc: {  	s13 =	sshrl.u32 s12, $0x1;
	_ =	swait.ge [sflag:s8], $0x80  }
0xd: {  	s9 =	simm.s32 $0x180;
	s31 =	ssub.s32 s12, s13;
	[sflag:s8] =	ssyncset.done $0x0  }
0xe: {  	s10 =	sadd.s32 s11, s10;
	s11 =	smax.u32 s31, $0x1;
	[sflag:s8] =	ssyncadd.s32 $0xFFFFFF80  }
0xf: {  	[tilespmem:s9], [sflag:$0x1] =	stream.indirect.gather [hbm4b:s5+s6], $0x1, s6, s6, $0xb8;
	[tilespmem:$0x200] =	vst v63  }
0x10: {  	p0 =	sne.s32 s11, $0x1;
	_ =	swait.ge [sflag:s8], $0x80  }
.Ltmp0:
0x11: {  	[sflag:s8] =	ssyncset.done $0x0;
	(pc) =	sbr.rel @!p0 .LBB2_2-.Ltmp0, $4  }
0x12: {  	s10 =	sadd.s32 $0x80C00, s10;
	[sflag:s8] =	ssyncadd.s32 $0xFFFFFF80  }
0x13: {  	[hbm4b:s10+s2] =	stream.linear.scatter [tilespmem:s7], [sflag:$0x2], $0x100, $0x38;
	[tilespmem:$0x200] =	vst v63  }
0x14: {  	_ =	swait.ge [sflag:s3], $0x100  }
0x15: {  	s11 =	sadd.s32 $0xFFFFFFFF, s11;
	[sflag:s3] =	ssyncset.done $0x0  }
.LBB2_1:
0x16: {  	p0 =	sne.s32 s11, $0x1;
	s11 =	sadd.s32 $0xFFFFFFFF, s11;
	[sflag:s3] =	ssyncadd.s32 $0xFFFFFF00  }
0x17: {  	[tilespmem:s2], [sflag:$0x2] =	stream.linear.gather [hbm4b:s4+s2], $0x100, $0x38;
	[tilespmem:$0x200] =	vst v63  }
0x18: {  	_ =	swait.ge [sflag:s3], $0x100  }
0x19: {  	[sflag:s3] =	ssyncset.done $0x0  }
0x1a: {  	[sflag:s3] =	ssyncadd.s32 $0xFFFFFF00  }
0x1b: {  	[tilespmem:s7], [sflag:$0x1] =	stream.indirect.gather [hbm4b:s5+s6], $0x1, s2, s6, $0xb8;
	[tilespmem:$0x200] =	vst v63  }
0x1c: {  	_ =	swait.ge [sflag:s8], $0x80  }
0x1d: {  	[sflag:s8] =	ssyncset.done $0x0  }
0x1e: {  	[sflag:s8] =	ssyncadd.s32 $0xFFFFFF80  }
0x1f: {  	[tilespmem:s9], [sflag:$0x1] =	stream.indirect.gather [hbm4b:s5+s6], $0x1, s6, s6, $0xb8;
	[tilespmem:$0x200] =	vst v63  }
0x20: {  	_ =	swait.ge [sflag:s8], $0x80  }
.Ltmp1:
0x21: {  	[sflag:s8] =	ssyncset.done $0x0;
	(pc) =	sbr.rel @p0 .LBB2_1-.Ltmp1, $4  }
0x22: {  	[sflag:s8] =	ssyncadd.s32 $0xFFFFFF80  }
0x23: {  	[hbm4b:s10+s2] =	stream.linear.scatter [tilespmem:s7], [sflag:$0x2], $0x100, $0x38;
	[tilespmem:$0x200] =	vst v63  }
0x24: {  	_ =	swait.ge [sflag:s3], $0x100  }
0x25: {  	[sflag:s3] =	ssyncset.done $0x0  }
.LBB2_2:
0x26: {  	[sflag:s3] =	ssyncadd.s32 $0xFFFFFF00  }
0x27: {  	_ =	sfence.sel $0x180000  }
0x28: {  	[bflag:$0x0] =	sbarrier.arrive $0xFFFF  }
0x29: {  	p0 =	sne.s32 s1, $0x0;
	_ =	strace $0x90000047  }
0x2a: {  	s0 =	sadd.s32 @!p0 $0x100000, s0;
	[bflag:$0x2] =	sbarrier.arrive $0xFFFF  }
0x2b: {  	[sflag:s0] =	ssyncadd.tile.s32 @!p0 $0x1;
	_ =	shalt  }
.Lfunc_end2:
_tile_overlayer_lowered:
.L_overlay_start_2:
0x2c: {  	(tag) =	ssettag $0x2  }
0x2d: {  	s0 =	rddreg [dreg:$0x0];
	s2 =	stileid.u32  }
0x2e: {  	s1 =	rddreg [dreg:$0x1];
	p0 =	sne.s32 s2, $0x0  }
0x2f: {  	s3 =	rddreg [dreg:$0x2];
	[bflag:$0x3] =	sbarrier.arrive $0xFFFF;
	s2 =	simm.s32 @!p0 $0x1C02  }
0x30: {  	[timem:s3], [sflag:s2] =	dma.local @!p0 [hbm:s0], s1  }
0x31: {  	s0 =	simm.s32 @!p0 $0x2  }
0x32: {  	_ =	swait.ge @!p0 [sflag:s0], s1  }
0x33: {  	s1 =	ssub.s32 @!p0 $0x0, s1;
	[sflag:s0] =	ssyncset.done @!p0 $0x0  }
0x34: {  	[sflag:s0] =	ssyncadd.s32 @!p0 s1  }
0x35: {  	[bflag:$0x3] =	sbarrier.arrive $0xFFFF  }
0x36: {  	_ =	shalt  }

</sc_bundles>
